<compile_context>
chip_gen: v7x
topology: tpu7x:2x2x1
jax: 0.10.2.dev20260603
libtpu: 0.0.44.dev20260713+nightly
codegen_flags: <defaults>
</compile_context>

<pallas_src>
import functools

import jax
import jax.numpy as jnp
from jax import lax
from jax.experimental import pallas as pl
from jax.experimental.pallas import tpu as pltpu
from jax.experimental.pallas import tpu_sc as plsc

VOCAB = 1000000
MAXLEN = 200
EMBED = 64
BATCH = 1024

N_ROWS = BATCH * MAXLEN
NW = 32
ROWS_PER_W = N_ROWS // NW
CHUNK = 128
NCHUNK = ROWS_PER_W // CHUNK
LANES = 16
WIDE = 2 * EMBED


def _add_pos_select(wide, out_v, idx_v, pos_v, c, off):
    nj = EMBED // LANES

    def gbody(g, carry):
        r0 = g * LANES
        parv = jnp.bitwise_and(idx_v[pl.ds(c * CHUNK + r0, LANES)], 1) * EMBED
        for rr in range(LANES):
            r = r0 + rr
            p = off + r
            p = jnp.where(p >= MAXLEN, p - MAXLEN, p)
            pbase = p * EMBED
            sbase = parv[rr]
            srcs = [wide[r, pl.ds(sbase + j * LANES, LANES)] for j in range(nj)]
            poss = [pos_v[pl.ds(pbase + j * LANES, LANES)] for j in range(nj)]
            for j in range(nj):
                out_v[r, pl.ds(j * LANES, LANES)] = srcs[j] + poss[j]
        return carry
    lax.fori_loop(0, CHUNK // LANES, gbody, 0)


def _make_lookup_kernel():
    mesh = plsc.VectorSubcoreMesh(core_axis_name="c", subcore_axis_name="s")

    @functools.partial(
        pl.kernel,
        mesh=mesh,
        out_type=jax.ShapeDtypeStruct((N_ROWS, WIDE), jnp.float32),
        scratch_types=[
            pltpu.VMEM((ROWS_PER_W + LANES,), jnp.int32),
            pltpu.VMEM((ROWS_PER_W,), jnp.int32),
            pltpu.VMEM((MAXLEN * EMBED,), jnp.float32),
            pltpu.VMEM((CHUNK, WIDE), jnp.float32),
            pltpu.VMEM((CHUNK, WIDE), jnp.float32),
            pltpu.VMEM((CHUNK, WIDE), jnp.float32),
            pltpu.VMEM((CHUNK, WIDE), jnp.float32),
            pltpu.SemaphoreType.DMA,
            pltpu.SemaphoreType.DMA,
            pltpu.SemaphoreType.DMA,
            pltpu.SemaphoreType.DMA,
        ],
        compiler_params=pltpu.CompilerParams(use_tc_tiling_on_sc=True,
                                             needs_layout_passes=False),
    )
    def k(x_hbm, tok_hbm, pos_hbm, out_hbm, idx_v, half_v, pos_v,
          rows0, rows1, outv0, outv1, sem0, sem1, oso0, oso1):
        wid = lax.axis_index("s") * 2 + lax.axis_index("c")
        pltpu.sync_copy(x_hbm.at[pl.ds(wid * ROWS_PER_W, ROWS_PER_W)],
                        idx_v.at[pl.ds(0, ROWS_PER_W)])
        pltpu.sync_copy(pos_hbm, pos_v)

        def hbody(i, carry):
            sl = pl.ds(i * LANES, LANES)
            half_v[sl] = jnp.right_shift(idx_v[sl], 1)
            return carry
        lax.fori_loop(0, ROWS_PER_W // LANES, hbody, 0, unroll=4)

        def idx_at(c):
            return half_v.at[pl.ds(c * CHUNK, CHUNK)]

        pltpu.async_copy(tok_hbm.at[idx_at(0)], rows0, sem0)
        out_base = wid * ROWS_PER_W
        outs = (outv0, outv1)
        osos = (oso0, oso1)
        rows = (rows0, rows1)
        sems = (sem0, sem1)

        def out_at(c):
            return out_hbm.at[pl.ds(out_base + c * CHUNK, CHUNK),
                              pl.ds(0, WIDE)]

        def gbody(g, carry):
            for b in range(2):
                c = 2 * g + b
                pltpu.make_async_copy(tok_hbm.at[idx_at(c)], rows[b],
                                      sems[b]).wait()

                @pl.when(c < NCHUNK - 1)
                def _():
                    pltpu.async_copy(tok_hbm.at[idx_at(c + 1)], rows[1 - b],
                                     sems[1 - b])

                @pl.when(c >= 2)
                def _():
                    pltpu.make_async_copy(outs[b], out_at(c - 2),
                                          osos[b]).wait()

                _add_pos_select(rows[b], outs[b], idx_v, pos_v, c,
                                lax.rem(c * CHUNK, MAXLEN))
                pltpu.async_copy(outs[b], out_at(c), osos[b])
            return carry

        lax.fori_loop(0, NCHUNK // 2, gbody, 0)

        for b in range(2):
            pltpu.make_async_copy(outs[b], out_at(NCHUNK - 2 + b),
                                  osos[b]).wait()

    return k


_lookup = _make_lookup_kernel()


def kernel(x, token_table, pos_table):
    x_flat = x.astype(jnp.int32).reshape(N_ROWS)
    tok2 = token_table.reshape(VOCAB // 2, WIDE)
    pos_flat = pos_table.reshape(MAXLEN * EMBED)
    out = _lookup(x_flat, tok2, pos_flat)
    return out[:, :EMBED].reshape(BATCH, MAXLEN, EMBED)

# --- scband reference (transcript-rebuilt; emitter-appended) ---
"""Pipeline reference for scband-token-and-position-embedding-43447889166688 (READ-ONLY COPY).

The authoritative reference and input builder live on the scoring server;
editing this copy changes nothing except your own understanding.
"""

import jax, jax.numpy as jnp
import numpy as np

VOCAB = 1000000
MAXLEN = 200
EMBED = 64
BATCH = 1024

def setup_inputs(seed: int = 0) -> dict:
    key = jax.random.key(seed)
    k1, k2, k3 = jax.random.split(key, 3)
    x = jax.random.randint(k1, (BATCH, MAXLEN), 0, VOCAB, dtype=jnp.int64 if jax.config.jax_enable_x64 else jnp.int32)
    token_table = jax.random.normal(k2, (VOCAB, EMBED), dtype=jnp.float32) * 0.02
    pos_table = jax.random.normal(k3, (MAXLEN, EMBED), dtype=jnp.float32) * 0.02
    return {"x": x, "token_table": token_table, "pos_table": pos_table}

def reference(x, token_table, pos_table):
    # Faithful translation of TokenAndPositionEmbedding.__call__
    positions = jnp.arange(0, x.shape[1])[None, :]
    tok = jnp.take(token_table, x, axis=0)          # [B, L, D] gather (embedding lookup)
    pos = jnp.take(pos_table, positions, axis=0)    # [1, L, D] gather
    return tok + pos

if __name__ == "__main__":
    import jax
    _d = setup_inputs()
    print(jax.jit(kernel)(*tuple(_d.values())))

</pallas_src>

<mosaic_0001>
#map = affine_map<(d0, d1) -> (0)>
#map1 = affine_map<(d0, d1) -> (0, 0)>
module attributes {stable_mosaic.version = 14 : i64} {
  func.func @k(%arg0: i32, %arg1: i32, %arg2: memref<204800xi32, #tpu.memory_space<hbm>>, %arg3: memref<500000x128xf32, #tpu.memory_space<hbm>>, %arg4: memref<12800xf32, #tpu.memory_space<hbm>>, %arg5: memref<204800x128xf32, #tpu.memory_space<hbm>>, %arg6: memref<6416xi32, #tpu.memory_space<vmem>>, %arg7: memref<6400xi32, #tpu.memory_space<vmem>>, %arg8: memref<12800xf32, #tpu.memory_space<vmem>>, %arg9: memref<128x128xf32, #tpu.memory_space<vmem>>, %arg10: memref<128x128xf32, #tpu.memory_space<vmem>>, %arg11: memref<128x128xf32, #tpu.memory_space<vmem>>, %arg12: memref<128x128xf32, #tpu.memory_space<vmem>>, %arg13: memref<!tpu.dma_semaphore, #tpu.memory_space<semaphore_mem>>, %arg14: memref<!tpu.dma_semaphore, #tpu.memory_space<semaphore_mem>>, %arg15: memref<!tpu.dma_semaphore, #tpu.memory_space<semaphore_mem>>, %arg16: memref<!tpu.dma_semaphore, #tpu.memory_space<semaphore_mem>>) attributes {dimension_semantics = [#tpu.dimension_semantics<core_parallel>, #tpu.dimension_semantics<subcore_parallel>], iteration_bounds = array<i64: 2, 16>, scalar_prefetch = 0 : i64, scratch_operands = 11 : i64, tpu.core_type = #tpu.core_type<sc_vector_subcore>, window_params = [{transform_indices = #map}, {transform_indices = #map1}, {transform_indices = #map}, {transform_indices = #map1}]} {
    %mul3A = arith.constant 2 : i32
    %mul3A_0 = arith.muli %arg1, %mul3A : i32
    %add3A = arith.addi %mul3A_0, %arg0 : i32
    %mul3A_1 = arith.constant 6400 : i32
    %mul3A_2 = arith.muli %add3A, %mul3A_1 : i32
    "tpu.region"() ({
      %run_scoped3A = tpu.sem_alloc : memref<!tpu.dma_semaphore, #tpu.memory_space<semaphore_mem>>
      %dma_start3A_31 = arith.constant 0 : i32
      %dma_start3A_32 = tpu.memref_slice %arg6[%dma_start3A_31] : memref<6416xi32, #tpu.memory_space<vmem>> -> memref<6400xi32, #tpu.memory_space<vmem>>
      %dma_start3A_33 = tpu.memref_slice %arg2[%mul3A_2] : memref<204800xi32, #tpu.memory_space<hbm>> -> memref<6400xi32, #tpu.memory_space<hbm>>
      %dma_start3A_34 = arith.constant 0 : i32
      %dma_start3A_35 = tpu.memref_slice %arg6[%dma_start3A_34] : memref<6416xi32, #tpu.memory_space<vmem>> -> memref<6400xi32, #tpu.memory_space<vmem>>
      %dma_start3A_36 = tpu.memref_slice %arg2[%mul3A_2] : memref<204800xi32, #tpu.memory_space<hbm>> -> memref<6400xi32, #tpu.memory_space<hbm>>
      tpu.enqueue_dma source(%dma_start3A_36 : memref<6400xi32, #tpu.memory_space<hbm>>) target(%dma_start3A_35 : memref<6400xi32, #tpu.memory_space<vmem>>) target_semaphore(%run_scoped3A : memref<!tpu.dma_semaphore, #tpu.memory_space<semaphore_mem>>)
      %dma_wait3A_37 = arith.constant 0 : i32
      %dma_wait3A_38 = tpu.memref_slice %arg6[%dma_wait3A_37] : memref<6416xi32, #tpu.memory_space<vmem>> -> memref<6400xi32, #tpu.memory_space<vmem>>
      %dma_wait3A_39 = tpu.memref_slice %arg2[%mul3A_2] : memref<204800xi32, #tpu.memory_space<hbm>> -> memref<6400xi32, #tpu.memory_space<hbm>>
      %dma_wait3A_40 = arith.constant 0 : i32
      %dma_wait3A_41 = tpu.memref_slice %arg6[%dma_wait3A_40] : memref<6416xi32, #tpu.memory_space<vmem>> -> memref<6400xi32, #tpu.memory_space<vmem>>
      %dma_wait3A_42 = tpu.memref_slice %arg2[%mul3A_2] : memref<204800xi32, #tpu.memory_space<hbm>> -> memref<6400xi32, #tpu.memory_space<hbm>>
      tpu.wait_dma2 semaphore(%run_scoped3A : memref<!tpu.dma_semaphore, #tpu.memory_space<semaphore_mem>>) src(%dma_wait3A_42 : memref<6400xi32, #tpu.memory_space<hbm>>) dst(%dma_wait3A_41 : memref<6400xi32, #tpu.memory_space<vmem>>)
      tpu.yield
    }) : () -> ()
    "tpu.region"() ({
      %run_scoped3A = tpu.sem_alloc : memref<!tpu.dma_semaphore, #tpu.memory_space<semaphore_mem>>
      tpu.enqueue_dma source(%arg4 : memref<12800xf32, #tpu.memory_space<hbm>>) target(%arg8 : memref<12800xf32, #tpu.memory_space<vmem>>) target_semaphore(%run_scoped3A : memref<!tpu.dma_semaphore, #tpu.memory_space<semaphore_mem>>)
      tpu.wait_dma2 semaphore(%run_scoped3A : memref<!tpu.dma_semaphore, #tpu.memory_space<semaphore_mem>>) src(%arg4 : memref<12800xf32, #tpu.memory_space<hbm>>) dst(%arg8 : memref<12800xf32, #tpu.memory_space<vmem>>)
      tpu.yield
    }) : () -> ()
    %scan3A = arith.constant 0 : i32
    %scan3A_3 = arith.constant 0 : i32
    %scan3A_4 = arith.constant 400 : i32
    %scan3A_5 = arith.addi %scan3A_3, %scan3A_4 : i32
    %scan3A_6 = arith.constant 4 : i32
    scf.for %scan3A_31 = %scan3A_3 to %scan3A_5 step %scan3A_6  : i32 {
      %mul3A_32 = arith.constant 16 : i32
      %mul3A_33 = arith.muli %scan3A_31, %mul3A_32 : i32
      %get3A = arith.index_cast %mul3A_33 : i32 to index
      %get3A_34 = tpu.vector_load %arg6[%get3A] {strides = array<i32>} : memref<6416xi32, #tpu.memory_space<vmem>>, vector<16xi32>,
      %shift_right_arithmetic3A = arith.constant 1 : i32
      %shift_right_arithmetic3A_35 = vector.broadcast %shift_right_arithmetic3A : i32 to vector<16xi32>
      %shift_right_arithmetic3A_36 = arith.shrsi %get3A_34, %shift_right_arithmetic3A_35 : vector<16xi32>
      %swap3A = arith.index_cast %mul3A_33 : i32 to index
      %swap3A_37 = tpu.vector_load %arg7[%swap3A] {strides = array<i32>} : memref<6400xi32, #tpu.memory_space<vmem>>, vector<16xi32>,
      tpu.vector_store %arg7[%swap3A], %shift_right_arithmetic3A_36 {strides = array<i32>} : memref<6400xi32, #tpu.memory_space<vmem>>, vector<16xi32>,
      %scan3A_38 = arith.constant 1 : i32
      %scan3A_39 = arith.addi %scan3A_31, %scan3A_38 : i32
      %mul3A_40 = arith.constant 16 : i32
      %mul3A_41 = arith.muli %scan3A_39, %mul3A_40 : i32
      %get3A_42 = arith.index_cast %mul3A_41 : i32 to index
      %get3A_43 = tpu.vector_load %arg6[%get3A_42] {strides = array<i32>} : memref<6416xi32, #tpu.memory_space<vmem>>, vector<16xi32>,
      %shift_right_arithmetic3A_44 = arith.constant 1 : i32
      %shift_right_arithmetic3A_45 = vector.broadcast %shift_right_arithmetic3A_44 : i32 to vector<16xi32>
      %shift_right_arithmetic3A_46 = arith.shrsi %get3A_43, %shift_right_arithmetic3A_45 : vector<16xi32>
      %swap3A_47 = arith.index_cast %mul3A_41 : i32 to index
      %swap3A_48 = tpu.vector_load %arg7[%swap3A_47] {strides = array<i32>} : memref<6400xi32, #tpu.memory_space<vmem>>, vector<16xi32>,
      tpu.vector_store %arg7[%swap3A_47], %shift_right_arithmetic3A_46 {strides = array<i32>} : memref<6400xi32, #tpu.memory_space<vmem>>, vector<16xi32>,
      %scan3A_49 = arith.constant 2 : i32
      %scan3A_50 = arith.addi %scan3A_31, %scan3A_49 : i32
      %mul3A_51 = arith.constant 16 : i32
      %mul3A_52 = arith.muli %scan3A_50, %mul3A_51 : i32
      %get3A_53 = arith.index_cast %mul3A_52 : i32 to index
      %get3A_54 = tpu.vector_load %arg6[%get3A_53] {strides = array<i32>} : memref<6416xi32, #tpu.memory_space<vmem>>, vector<16xi32>,
      %shift_right_arithmetic3A_55 = arith.constant 1 : i32
      %shift_right_arithmetic3A_56 = vector.broadcast %shift_right_arithmetic3A_55 : i32 to vector<16xi32>
      %shift_right_arithmetic3A_57 = arith.shrsi %get3A_54, %shift_right_arithmetic3A_56 : vector<16xi32>
      %swap3A_58 = arith.index_cast %mul3A_52 : i32 to index
      %swap3A_59 = tpu.vector_load %arg7[%swap3A_58] {strides = array<i32>} : memref<6400xi32, #tpu.memory_space<vmem>>, vector<16xi32>,
      tpu.vector_store %arg7[%swap3A_58], %shift_right_arithmetic3A_57 {strides = array<i32>} : memref<6400xi32, #tpu.memory_space<vmem>>, vector<16xi32>,
      %scan3A_60 = arith.constant 3 : i32
      %scan3A_61 = arith.addi %scan3A_31, %scan3A_60 : i32
      %mul3A_62 = arith.constant 16 : i32
      %mul3A_63 = arith.muli %scan3A_61, %mul3A_62 : i32
      %get3A_64 = arith.index_cast %mul3A_63 : i32 to index
      %get3A_65 = tpu.vector_load %arg6[%get3A_64] {strides = array<i32>} : memref<6416xi32, #tpu.memory_space<vmem>>, vector<16xi32>,
      %shift_right_arithmetic3A_66 = arith.constant 1 : i32
      %shift_right_arithmetic3A_67 = vector.broadcast %shift_right_arithmetic3A_66 : i32 to vector<16xi32>
      %shift_right_arithmetic3A_68 = arith.shrsi %get3A_65, %shift_right_arithmetic3A_67 : vector<16xi32>
      %swap3A_69 = arith.index_cast %mul3A_63 : i32 to index
      %swap3A_70 = tpu.vector_load %arg7[%swap3A_69] {strides = array<i32>} : memref<6400xi32, #tpu.memory_space<vmem>>, vector<16xi32>,
      tpu.vector_store %arg7[%swap3A_69], %shift_right_arithmetic3A_68 {strides = array<i32>} : memref<6400xi32, #tpu.memory_space<vmem>>, vector<16xi32>,
    }
    %scan3A_7 = arith.constant 400 : i32
    %dma_start3A = arith.constant 0 : i32
    %dma_start3A_8 = tpu.memref_slice %arg7[%dma_start3A] : memref<6400xi32, #tpu.memory_space<vmem>> -> memref<128xi32, #tpu.memory_space<vmem>>
    %dma_start3A_9 = arith.constant 0 : i32
    %dma_start3A_10 = arith.constant 0 : i32
    %dma_start3A_11 = tpu.memref_slice %arg3[%dma_start3A_9, %dma_start3A_10] : memref<500000x128xf32, #tpu.memory_space<hbm>> -> memref<500000x128xf32, #tpu.memory_space<hbm>>
    tpu.enqueue_indirect_dma source(%dma_start3A_11 : memref<500000x128xf32, #tpu.memory_space<hbm>>) target(%arg9 : memref<128x128xf32, #tpu.memory_space<vmem>>) offsets(%dma_start3A_8 : memref<128xi32, #tpu.memory_space<vmem>>) semaphore(%arg13 : memref<!tpu.dma_semaphore, #tpu.memory_space<semaphore_mem>>)
    %mul3A_12 = arith.constant 6400 : i32
    %mul3A_13 = arith.muli %add3A, %mul3A_12 : i32
    %scan3A_14 = arith.constant 0 : i32
    %scan3A_15 = arith.constant 0 : i32
    %scan3A_16 = arith.constant 25 : i32
    %scan3A_17 = arith.addi %scan3A_15, %scan3A_16 : i32
    %scan3A_18 = arith.constant 1 : i32
    scf.for %scan3A_31 = %scan3A_15 to %scan3A_17 step %scan3A_18  : i32 {
      %mul3A_32 = arith.constant 2 : i32
      %mul3A_33 = arith.muli %mul3A_32, %scan3A_31 : i32
      %add3A_34 = arith.constant 0 : i32
      %add3A_35 = arith.addi %mul3A_33, %add3A_34 : i32
      %mul3A_36 = arith.constant 128 : i32
      %mul3A_37 = arith.muli %add3A_35, %mul3A_36 : i32
      %dma_wait3A_38 = tpu.memref_slice %arg7[%mul3A_37] : memref<6400xi32, #tpu.memory_space<vmem>> -> memref<128xi32, #tpu.memory_space<vmem>>
      %dma_wait3A_39 = arith.constant 0 : i32
      %dma_wait3A_40 = arith.constant 0 : i32
      %dma_wait3A_41 = tpu.memref_slice %arg3[%dma_wait3A_39, %dma_wait3A_40] : memref<500000x128xf32, #tpu.memory_space<hbm>> -> memref<500000x128xf32, #tpu.memory_space<hbm>>
      tpu.wait_indirect_dma semaphore(%arg13 : memref<!tpu.dma_semaphore, #tpu.memory_space<semaphore_mem>>) src(%dma_wait3A_41 : memref<500000x128xf32, #tpu.memory_space<hbm>>) dst(%arg9 : memref<128x128xf32, #tpu.memory_space<vmem>>)
      %lt3A = arith.constant 49 : i32
      %lt3A_42 = arith.cmpi slt, %add3A_35, %lt3A : i32
      %convert_element_type3A = arith.extui %lt3A_42 : i1 to i32
      %cond3A = arith.constant 0 : i32
      %cond3A_43 = arith.cmpi ne, %convert_element_type3A, %cond3A : i32
      scf.if %cond3A_43 {
        %add3A_101 = arith.constant 1 : i32
        %add3A_102 = arith.addi %add3A_35, %add3A_101 : i32
        %mul3A_103 = arith.constant 128 : i32
        %mul3A_104 = arith.muli %add3A_102, %mul3A_103 : i32
        %dma_start3A_105 = tpu.memref_slice %arg7[%mul3A_104] : memref<6400xi32, #tpu.memory_space<vmem>> -> memref<128xi32, #tpu.memory_space<vmem>>
        %dma_start3A_106 = arith.constant 0 : i32
        %dma_start3A_107 = arith.constant 0 : i32
        %dma_start3A_108 = tpu.memref_slice %arg3[%dma_start3A_106, %dma_start3A_107] : memref<500000x128xf32, #tpu.memory_space<hbm>> -> memref<500000x128xf32, #tpu.memory_space<hbm>>
        tpu.enqueue_indirect_dma source(%dma_start3A_108 : memref<500000x128xf32, #tpu.memory_space<hbm>>) target(%arg10 : memref<128x128xf32, #tpu.memory_space<vmem>>) offsets(%dma_start3A_105 : memref<128xi32, #tpu.memory_space<vmem>>) semaphore(%arg14 : memref<!tpu.dma_semaphore, #tpu.memory_space<semaphore_mem>>)
      } else {
      }
      %ge3A = arith.constant 2 : i32
      %ge3A_44 = arith.cmpi sge, %add3A_35, %ge3A : i32
      %convert_element_type3A_45 = arith.extui %ge3A_44 : i1 to i32
      %cond3A_46 = arith.constant 0 : i32
      %cond3A_47 = arith.cmpi ne, %convert_element_type3A_45, %cond3A_46 : i32
      scf.if %cond3A_47 {
        %sub3A = arith.constant 2 : i32
        %sub3A_101 = arith.subi %add3A_35, %sub3A : i32
        %mul3A_102 = arith.constant 128 : i32
        %mul3A_103 = arith.muli %sub3A_101, %mul3A_102 : i32
        %add3A_104 = arith.addi %mul3A_13, %mul3A_103 : i32
        %dma_wait3A_105 = arith.constant 0 : i32
        %dma_wait3A_106 = tpu.memref_slice %arg5[%add3A_104, %dma_wait3A_105] : memref<204800x128xf32, #tpu.memory_space<hbm>> -> memref<128x128xf32, #tpu.memory_space<hbm>>
        %dma_wait3A_107 = arith.constant 0 : i32
        %dma_wait3A_108 = tpu.memref_slice %arg5[%add3A_104, %dma_wait3A_107] : memref<204800x128xf32, #tpu.memory_space<hbm>> -> memref<128x128xf32, #tpu.memory_space<hbm>>
        tpu.wait_dma2 semaphore(%arg15 : memref<!tpu.dma_semaphore, #tpu.memory_space<semaphore_mem>>) src(%arg11 : memref<128x128xf32, #tpu.memory_space<vmem>>) dst(%dma_wait3A_108 : memref<128x128xf32, #tpu.memory_space<hbm>>)
      } else {
      }
      %mul3A_48 = arith.constant 128 : i32
      %mul3A_49 = arith.muli %add3A_35, %mul3A_48 : i32
      %rem3A = arith.constant 200 : i32
      %rem3A_50 = arith.remsi %mul3A_49, %rem3A : i32
      %scan3A_51 = arith.constant 0 : i32
      %scan3A_52 = arith.constant 0 : i32
      %scan3A_53 = arith.constant 8 : i32
      %scan3A_54 = arith.addi %scan3A_52, %scan3A_53 : i32
      %scan3A_55 = arith.constant 1 : i32
      scf.for %scan3A_101 = %scan3A_52 to %scan3A_54 step %scan3A_55  : i32 {
        %mul3A_102 = arith.constant 16 : i32
        %mul3A_103 = arith.muli %scan3A_101, %mul3A_102 : i32
        %mul3A_104 = arith.constant 128 : i32
        %mul3A_105 = arith.muli %add3A_35, %mul3A_104 : i32
        %add3A_106 = arith.addi %mul3A_105, %mul3A_103 : i32
        %get3A = arith.index_cast %add3A_106 : i32 to index
        %get3A_107 = tpu.vector_load %arg6[%get3A] {strides = array<i32>} : memref<6416xi32, #tpu.memory_space<vmem>>, vector<16xi32>,
        %and3A = arith.constant 1 : i32
        %and3A_108 = vector.broadcast %and3A : i32 to vector<16xi32>
        %and3A_109 = arith.andi %get3A_107, %and3A_108 : vector<16xi32>
        %mul3A_110 = arith.constant 64 : i32
        %mul3A_111 = vector.broadcast %mul3A_110 : i32 to vector<16xi32>
        %mul3A_112 = arith.muli %and3A_109, %mul3A_111 : vector<16xi32>
        %add3A_113 = arith.constant 0 : i32
        %add3A_114 = arith.addi %mul3A_103, %add3A_113 : i32
        %add3A_115 = arith.addi %rem3A_50, %add3A_114 : i32
        %ge3A_116 = arith.constant 200 : i32
        %ge3A_117 = arith.cmpi sge, %add3A_115, %ge3A_116 : i32
        %sub3A = arith.constant 200 : i32
        %sub3A_118 = arith.subi %add3A_115, %sub3A : i32
        %select_n3A = arith.select %ge3A_117, %sub3A_118, %add3A_115 : i32
        %mul3A_119 = arith.constant 64 : i32
        %mul3A_120 = arith.muli %select_n3A, %mul3A_119 : i32
        %slice3A = vector.extract_strided_slice %mul3A_112 {offsets = [0], sizes = [1], strides = [1]} : vector<16xi32> to vector<1xi32>
        %squeeze3A = vector.extract %slice3A[0] : i32 from vector<1xi32>
        %add3A_121 = arith.constant 0 : i32
        %add3A_122 = arith.addi %squeeze3A, %add3A_121 : i32
        %get3A_123 = arith.index_cast %add3A_114 : i32 to index
        %get3A_124 = arith.index_cast %add3A_122 : i32 to index
        %get3A_125 = tpu.vector_load %arg9[%get3A_123, %get3A_124] {strides = array<i32>} : memref<128x128xf32, #tpu.memory_space<vmem>>, vector<16xf32>,
        %add3A_126 = arith.constant 16 : i32
        %add3A_127 = arith.addi %squeeze3A, %add3A_126 : i32
        %get3A_128 = arith.index_cast %add3A_114 : i32 to index
        %get3A_129 = arith.index_cast %add3A_127 : i32 to index
        %get3A_130 = tpu.vector_load %arg9[%get3A_128, %get3A_129] {strides = array<i32>} : memref<128x128xf32, #tpu.memory_space<vmem>>, vector<16xf32>,
        %add3A_131 = arith.constant 32 : i32
        %add3A_132 = arith.addi %squeeze3A, %add3A_131 : i32
        %get3A_133 = arith.index_cast %add3A_114 : i32 to index
        %get3A_134 = arith.index_cast %add3A_132 : i32 to index
        %get3A_135 = tpu.vector_load %arg9[%get3A_133, %get3A_134] {strides = array<i32>} : memref<128x128xf32, #tpu.memory_space<vmem>>, vector<16xf32>,
        %add3A_136 = arith.constant 48 : i32
        %add3A_137 = arith.addi %squeeze3A, %add3A_136 : i32
        %get3A_138 = arith.index_cast %add3A_114 : i32 to index
        %get3A_139 = arith.index_cast %add3A_137 : i32 to index
        %get3A_140 = tpu.vector_load %arg9[%get3A_138, %get3A_139] {strides = array<i32>} : memref<128x128xf32, #tpu.memory_space<vmem>>, vector<16xf32>,
        %add3A_141 = arith.constant 0 : i32
        %add3A_142 = arith.addi %mul3A_120, %add3A_141 : i32
        %get3A_143 = arith.index_cast %add3A_142 : i32 to index
        %get3A_144 = tpu.vector_load %arg8[%get3A_143] {strides = array<i32>} : memref<12800xf32, #tpu.memory_space<vmem>>, vector<16xf32>,
        %add3A_145 = arith.constant 16 : i32
        %add3A_146 = arith.addi %mul3A_120, %add3A_145 : i32
        %get3A_147 = arith.index_cast %add3A_146 : i32 to index
        %get3A_148 = tpu.vector_load %arg8[%get3A_147] {strides = array<i32>} : memref<12800xf32, #tpu.memory_space<vmem>>, vector<16xf32>,
        %add3A_149 = arith.constant 32 : i32
        %add3A_150 = arith.addi %mul3A_120, %add3A_149 : i32
        %get3A_151 = arith.index_cast %add3A_150 : i32 to index
        %get3A_152 = tpu.vector_load %arg8[%get3A_151] {strides = array<i32>} : memref<12800xf32, #tpu.memory_space<vmem>>, vector<16xf32>,
        %add3A_153 = arith.constant 48 : i32
        %add3A_154 = arith.addi %mul3A_120, %add3A_153 : i32
        %get3A_155 = arith.index_cast %add3A_154 : i32 to index
        %get3A_156 = tpu.vector_load %arg8[%get3A_155] {strides = array<i32>} : memref<12800xf32, #tpu.memory_space<vmem>>, vector<16xf32>,
        %add3A_157 = arith.addf %get3A_125, %get3A_144 : vector<16xf32>
        %swap3A = arith.index_cast %add3A_114 : i32 to index
        %swap3A_158 = arith.constant 0 : index
        %swap3A_159 = tpu.vector_load %arg11[%swap3A, %swap3A_158] {strides = array<i32>} : memref<128x128xf32, #tpu.memory_space<vmem>>, vector<16xf32>,
        tpu.vector_store %arg11[%swap3A, %swap3A_158], %add3A_157 {strides = array<i32>} : memref<128x128xf32, #tpu.memory_space<vmem>>, vector<16xf32>,
        %add3A_160 = arith.addf %get3A_130, %get3A_148 : vector<16xf32>
        %swap3A_161 = arith.index_cast %add3A_114 : i32 to index
        %swap3A_162 = arith.constant 16 : index
        %swap3A_163 = tpu.vector_load %arg11[%swap3A_161, %swap3A_162] {strides = array<i32>} : memref<128x128xf32, #tpu.memory_space<vmem>>, vector<16xf32>,
        tpu.vector_store %arg11[%swap3A_161, %swap3A_162], %add3A_160 {strides = array<i32>} : memref<128x128xf32, #tpu.memory_space<vmem>>, vector<16xf32>,
        %add3A_164 = arith.addf %get3A_135, %get3A_152 : vector<16xf32>
        %swap3A_165 = arith.index_cast %add3A_114 : i32 to index
        %swap3A_166 = arith.constant 32 : index
        %swap3A_167 = tpu.vector_load %arg11[%swap3A_165, %swap3A_166] {strides = array<i32>} : memref<128x128xf32, #tpu.memory_space<vmem>>, vector<16xf32>,
        tpu.vector_store %arg11[%swap3A_165, %swap3A_166], %add3A_164 {strides = array<i32>} : memref<128x128xf32, #tpu.memory_space<vmem>>, vector<16xf32>,
        %add3A_168 = arith.addf %get3A_140, %get3A_156 : vector<16xf32>
        %swap3A_169 = arith.index_cast %add3A_114 : i32 to index
        %swap3A_170 = arith.constant 48 : index
        %swap3A_171 = tpu.vector_load %arg11[%swap3A_169, %swap3A_170] {strides = array<i32>} : memref<128x128xf32, #tpu.memory_space<vmem>>, vector<16xf32>,
        tpu.vector_store %arg11[%swap3A_169, %swap3A_170], %add3A_168 {strides = array<i32>} : memref<128x128xf32, #tpu.memory_space<vmem>>, vector<16xf32>,
        %add3A_172 = arith.constant 1 : i32
        %add3A_173 = arith.addi %mul3A_103, %add3A_172 : i32
        %add3A_174 = arith.addi %rem3A_50, %add3A_173 : i32
        %ge3A_175 = arith.constant 200 : i32
        %ge3A_176 = arith.cmpi sge, %add3A_174, %ge3A_175 : i32
        %sub3A_177 = arith.constant 200 : i32
        %sub3A_178 = arith.subi %add3A_174, %sub3A_177 : i32
        %select_n3A_179 = arith.select %ge3A_176, %sub3A_178, %add3A_174 : i32
        %mul3A_180 = arith.constant 64 : i32
        %mul3A_181 = arith.muli %select_n3A_179, %mul3A_180 : i32
        %slice3A_182 = vector.extract_strided_slice %mul3A_112 {offsets = [1], sizes = [1], strides = [1]} : vector<16xi32> to vector<1xi32>
        %squeeze3A_183 = vector.extract %slice3A_182[0] : i32 from vector<1xi32>
        %add3A_184 = arith.constant 0 : i32
        %add3A_185 = arith.addi %squeeze3A_183, %add3A_184 : i32
        %get3A_186 = arith.index_cast %add3A_173 : i32 to index
        %get3A_187 = arith.index_cast %add3A_185 : i32 to index
        %get3A_188 = tpu.vector_load %arg9[%get3A_186, %get3A_187] {strides = array<i32>} : memref<128x128xf32, #tpu.memory_space<vmem>>, vector<16xf32>,
        %add3A_189 = arith.constant 16 : i32
        %add3A_190 = arith.addi %squeeze3A_183, %add3A_189 : i32
        %get3A_191 = arith.index_cast %add3A_173 : i32 to index
        %get3A_192 = arith.index_cast %add3A_190 : i32 to index
        %get3A_193 = tpu.vector_load %arg9[%get3A_191, %get3A_192] {strides = array<i32>} : memref<128x128xf32, #tpu.memory_space<vmem>>, vector<16xf32>,
        %add3A_194 = arith.constant 32 : i32
        %add3A_195 = arith.addi %squeeze3A_183, %add3A_194 : i32
        %get3A_196 = arith.index_cast %add3A_173 : i32 to index
        %get3A_197 = arith.index_cast %add3A_195 : i32 to index
        %get3A_198 = tpu.vector_load %arg9[%get3A_196, %get3A_197] {strides = array<i32>} : memref<128x128xf32, #tpu.memory_space<vmem>>, vector<16xf32>,
        %add3A_199 = arith.constant 48 : i32
        %add3A_200 = arith.addi %squeeze3A_183, %add3A_199 : i32
        %get3A_201 = arith.index_cast %add3A_173 : i32 to index
        %get3A_202 = arith.index_cast %add3A_200 : i32 to index
        %get3A_203 = tpu.vector_load %arg9[%get3A_201, %get3A_202] {strides = array<i32>} : memref<128x128xf32, #tpu.memory_space<vmem>>, vector<16xf32>,
        %add3A_204 = arith.constant 0 : i32
        %add3A_205 = arith.addi %mul3A_181, %add3A_204 : i32
        %get3A_206 = arith.index_cast %add3A_205 : i32 to index
        %get3A_207 = tpu.vector_load %arg8[%get3A_206] {strides = array<i32>} : memref<12800xf32, #tpu.memory_space<vmem>>, vector<16xf32>,
        %add3A_208 = arith.constant 16 : i32
        %add3A_209 = arith.addi %mul3A_181, %add3A_208 : i32
        %get3A_210 = arith.index_cast %add3A_209 : i32 to index
        %get3A_211 = tpu.vector_load %arg8[%get3A_210] {strides = array<i32>} : memref<12800xf32, #tpu.memory_space<vmem>>, vector<16xf32>,
        %add3A_212 = arith.constant 32 : i32
        %add3A_213 = arith.addi %mul3A_181, %add3A_212 : i32
        %get3A_214 = arith.index_cast %add3A_213 : i32 to index
        %get3A_215 = tpu.vector_load %arg8[%get3A_214] {strides = array<i32>} : memref<12800xf32, #tpu.memory_space<vmem>>, vector<16xf32>,
        %add3A_216 = arith.constant 48 : i32
        %add3A_217 = arith.addi %mul3A_181, %add3A_216 : i32
        %get3A_218 = arith.index_cast %add3A_217 : i32 to index
        %get3A_219 = tpu.vector_load %arg8[%get3A_218] {strides = array<i32>} : memref<12800xf32, #tpu.memory_space<vmem>>, vector<16xf32>,
        %add3A_220 = arith.addf %get3A_188, %get3A_207 : vector<16xf32>
        %swap3A_221 = arith.index_cast %add3A_173 : i32 to index
        %swap3A_222 = arith.constant 0 : index
        %swap3A_223 = tpu.vector_load %arg11[%swap3A_221, %swap3A_222] {strides = array<i32>} : memref<128x128xf32, #tpu.memory_space<vmem>>, vector<16xf32>,
        tpu.vector_store %arg11[%swap3A_221, %swap3A_222], %add3A_220 {strides = array<i32>} : memref<128x128xf32, #tpu.memory_space<vmem>>, vector<16xf32>,
        %add3A_224 = arith.addf %get3A_193, %get3A_211 : vector<16xf32>
        %swap3A_225 = arith.index_cast %add3A_173 : i32 to index
        %swap3A_226 = arith.constant 16 : index
        %swap3A_227 = tpu.vector_load %arg11[%swap3A_225, %swap3A_226] {strides = array<i32>} : memref<128x128xf32, #tpu.memory_space<vmem>>, vector<16xf32>,
        tpu.vector_store %arg11[%swap3A_225, %swap3A_226], %add3A_224 {strides = array<i32>} : memref<128x128xf32, #tpu.memory_space<vmem>>, vector<16xf32>,
        %add3A_228 = arith.addf %get3A_198, %get3A_215 : vector<16xf32>
        %swap3A_229 = arith.index_cast %add3A_173 : i32 to index
        %swap3A_230 = arith.constant 32 : index
        %swap3A_231 = tpu.vector_load %arg11[%swap3A_229, %swap3A_230] {strides = array<i32>} : memref<128x128xf32, #tpu.memory_space<vmem>>, vector<16xf32>,
        tpu.vector_store %arg11[%swap3A_229, %swap3A_230], %add3A_228 {strides = array<i32>} : memref<128x128xf32, #tpu.memory_space<vmem>>, vector<16xf32>,
        %add3A_232 = arith.addf %get3A_203, %get3A_219 : vector<16xf32>
        %swap3A_233 = arith.index_cast %add3A_173 : i32 to index
        %swap3A_234 = arith.constant 48 : index
        %swap3A_235 = tpu.vector_load %arg11[%swap3A_233, %swap3A_234] {strides = array<i32>} : memref<128x128xf32, #tpu.memory_space<vmem>>, vector<16xf32>,
        tpu.vector_store %arg11[%swap3A_233, %swap3A_234], %add3A_232 {strides = array<i32>} : memref<128x128xf32, #tpu.memory_space<vmem>>, vector<16xf32>,
        %add3A_236 = arith.constant 2 : i32
        %add3A_237 = arith.addi %mul3A_103, %add3A_236 : i32
        %add3A_238 = arith.addi %rem3A_50, %add3A_237 : i32
        %ge3A_239 = arith.constant 200 : i32
        %ge3A_240 = arith.cmpi sge, %add3A_238, %ge3A_239 : i32
        %sub3A_241 = arith.constant 200 : i32
        %sub3A_242 = arith.subi %add3A_238, %sub3A_241 : i32
        %select_n3A_243 = arith.select %ge3A_240, %sub3A_242, %add3A_238 : i32
        %mul3A_244 = arith.constant 64 : i32
        %mul3A_245 = arith.muli %select_n3A_243, %mul3A_244 : i32
        %slice3A_246 = vector.extract_strided_slice %mul3A_112 {offsets = [2], sizes = [1], strides = [1]} : vector<16xi32> to vector<1xi32>
        %squeeze3A_247 = vector.extract %slice3A_246[0] : i32 from vector<1xi32>
        %add3A_248 = arith.constant 0 : i32
        %add3A_249 = arith.addi %squeeze3A_247, %add3A_248 : i32
        %get3A_250 = arith.index_cast %add3A_237 : i32 to index
        %get3A_251 = arith.index_cast %add3A_249 : i32 to index
        %get3A_252 = tpu.vector_load %arg9[%get3A_250, %get3A_251] {strides = array<i32>} : memref<128x128xf32, #tpu.memory_space<vmem>>, vector<16xf32>,
        %add3A_253 = arith.constant 16 : i32
        %add3A_254 = arith.addi %squeeze3A_247, %add3A_253 : i32
        %get3A_255 = arith.index_cast %add3A_237 : i32 to index
        %get3A_256 = arith.index_cast %add3A_254 : i32 to index
        %get3A_257 = tpu.vector_load %arg9[%get3A_255, %get3A_256] {strides = array<i32>} : memref<128x128xf32, #tpu.memory_space<vmem>>, vector<16xf32>,
        %add3A_258 = arith.constant 32 : i32
        %add3A_259 = arith.addi %squeeze3A_247, %add3A_258 : i32
        %get3A_260 = arith.index_cast %add3A_237 : i32 to index
        %get3A_261 = arith.index_cast %add3A_259 : i32 to index
        %get3A_262 = tpu.vector_load %arg9[%get3A_260, %get3A_261] {strides = array<i32>} : memref<128x128xf32, #tpu.memory_space<vmem>>, vector<16xf32>,
        %add3A_263 = arith.constant 48 : i32
        %add3A_264 = arith.addi %squeeze3A_247, %add3A_263 : i32
        %get3A_265 = arith.index_cast %add3A_237 : i32 to index
        %get3A_266 = arith.index_cast %add3A_264 : i32 to index
        %get3A_267 = tpu.vector_load %arg9[%get3A_265, %get3A_266] {strides = array<i32>} : memref<128x128xf32, #tpu.memory_space<vmem>>, vector<16xf32>,
        %add3A_268 = arith.constant 0 : i32
        %add3A_269 = arith.addi %mul3A_245, %add3A_268 : i32
        %get3A_270 = arith.index_cast %add3A_269 : i32 to index
        %get3A_271 = tpu.vector_load %arg8[%get3A_270] {strides = array<i32>} : memref<12800xf32, #tpu.memory_space<vmem>>, vector<16xf32>,
        %add3A_272 = arith.constant 16 : i32
        %add3A_273 = arith.addi %mul3A_245, %add3A_272 : i32
        %get3A_274 = arith.index_cast %add3A_273 : i32 to index
        %get3A_275 = tpu.vector_load %arg8[%get3A_274] {strides = array<i32>} : memref<12800xf32, #tpu.memory_space<vmem>>, vector<16xf32>,
        %add3A_276 = arith.constant 32 : i32
        %add3A_277 = arith.addi %mul3A_245, %add3A_276 : i32
        %get3A_278 = arith.index_cast %add3A_277 : i32 to index
        %get3A_279 = tpu.vector_load %arg8[%get3A_278] {strides = array<i32>} : memref<12800xf32, #tpu.memory_space<vmem>>, vector<16xf32>,
        %add3A_280 = arith.constant 48 : i32
        %add3A_281 = arith.addi %mul3A_245, %add3A_280 : i32
        %get3A_282 = arith.index_cast %add3A_281 : i32 to index
        %get3A_283 = tpu.vector_load %arg8[%get3A_282] {strides = array<i32>} : memref<12800xf32, #tpu.memory_space<vmem>>, vector<16xf32>,
        %add3A_284 = arith.addf %get3A_252, %get3A_271 : vector<16xf32>
        %swap3A_285 = arith.index_cast %add3A_237 : i32 to index
        %swap3A_286 = arith.constant 0 : index
        %swap3A_287 = tpu.vector_load %arg11[%swap3A_285, %swap3A_286] {strides = array<i32>} : memref<128x128xf32, #tpu.memory_space<vmem>>, vector<16xf32>,
        tpu.vector_store %arg11[%swap3A_285, %swap3A_286], %add3A_284 {strides = array<i32>} : memref<128x128xf32, #tpu.memory_space<vmem>>, vector<16xf32>,
        %add3A_288 = arith.addf %get3A_257, %get3A_275 : vector<16xf32>
        %swap3A_289 = arith.index_cast %add3A_237 : i32 to index
        %swap3A_290 = arith.constant 16 : index
        %swap3A_291 = tpu.vector_load %arg11[%swap3A_289, %swap3A_290] {strides = array<i32>} : memref<128x128xf32, #tpu.memory_space<vmem>>, vector<16xf32>,
        tpu.vector_store %arg11[%swap3A_289, %swap3A_290], %add3A_288 {strides = array<i32>} : memref<128x128xf32, #tpu.memory_space<vmem>>, vector<16xf32>,
        %add3A_292 = arith.addf %get3A_262, %get3A_279 : vector<16xf32>
        %swap3A_293 = arith.index_cast %add3A_237 : i32 to index
        %swap3A_294 = arith.constant 32 : index
        %swap3A_295 = tpu.vector_load %arg11[%swap3A_293, %swap3A_294] {strides = array<i32>} : memref<128x128xf32, #tpu.memory_space<vmem>>, vector<16xf32>,
        tpu.vector_store %arg11[%swap3A_293, %swap3A_294], %add3A_292 {strides = array<i32>} : memref<128x128xf32, #tpu.memory_space<vmem>>, vector<16xf32>,
        %add3A_296 = arith.addf %get3A_267, %get3A_283 : vector<16xf32>
        %swap3A_297 = arith.index_cast %add3A_237 : i32 to index
        %swap3A_298 = arith.constant 48 : index
        %swap3A_299 = tpu.vector_load %arg11[%swap3A_297, %swap3A_298] {strides = array<i32>} : memref<128x128xf32, #tpu.memory_space<vmem>>, vector<16xf32>,
        tpu.vector_store %arg11[%swap3A_297, %swap3A_298], %add3A_296 {strides = array<i32>} : memref<128x128xf32, #tpu.memory_space<vmem>>, vector<16xf32>,
        %add3A_300 = arith.constant 3 : i32
        %add3A_301 = arith.addi %mul3A_103, %add3A_300 : i32
        %add3A_302 = arith.addi %rem3A_50, %add3A_301 : i32
        %ge3A_303 = arith.constant 200 : i32
        %ge3A_304 = arith.cmpi sge, %add3A_302, %ge3A_303 : i32
        %sub3A_305 = arith.constant 200 : i32
        %sub3A_306 = arith.subi %add3A_302, %sub3A_305 : i32
        %select_n3A_307 = arith.select %ge3A_304, %sub3A_306, %add3A_302 : i32
        %mul3A_308 = arith.constant 64 : i32
        %mul3A_309 = arith.muli %select_n3A_307, %mul3A_308 : i32
        %slice3A_310 = vector.extract_strided_slice %mul3A_112 {offsets = [3], sizes = [1], strides = [1]} : vector<16xi32> to vector<1xi32>
        %squeeze3A_311 = vector.extract %slice3A_310[0] : i32 from vector<1xi32>
        %add3A_312 = arith.constant 0 : i32
        %add3A_313 = arith.addi %squeeze3A_311, %add3A_312 : i32
        %get3A_314 = arith.index_cast %add3A_301 : i32 to index
        %get3A_315 = arith.index_cast %add3A_313 : i32 to index
        %get3A_316 = tpu.vector_load %arg9[%get3A_314, %get3A_315] {strides = array<i32>} : memref<128x128xf32, #tpu.memory_space<vmem>>, vector<16xf32>,
        %add3A_317 = arith.constant 16 : i32
        %add3A_318 = arith.addi %squeeze3A_311, %add3A_317 : i32
        %get3A_319 = arith.index_cast %add3A_301 : i32 to index
        %get3A_320 = arith.index_cast %add3A_318 : i32 to index
        %get3A_321 = tpu.vector_load %arg9[%get3A_319, %get3A_320] {strides = array<i32>} : memref<128x128xf32, #tpu.memory_space<vmem>>, vector<16xf32>,
        %add3A_322 = arith.constant 32 : i32
        %add3A_323 = arith.addi %squeeze3A_311, %add3A_322 : i32
        %get3A_324 = arith.index_cast %add3A_301 : i32 to index
        %get3A_325 = arith.index_cast %add3A_323 : i32 to index
        %get3A_326 = tpu.vector_load %arg9[%get3A_324, %get3A_325] {strides = array<i32>} : memref<128x128xf32, #tpu.memory_space<vmem>>, vector<16xf32>,
        %add3A_327 = arith.constant 48 : i32
        %add3A_328 = arith.addi %squeeze3A_311, %add3A_327 : i32
        %get3A_329 = arith.index_cast %add3A_301 : i32 to index
        %get3A_330 = arith.index_cast %add3A_328 : i32 to index
        %get3A_331 = tpu.vector_load %arg9[%get3A_329, %get3A_330] {strides = array<i32>} : memref<128x128xf32, #tpu.memory_space<vmem>>, vector<16xf32>,
        %add3A_332 = arith.constant 0 : i32
        %add3A_333 = arith.addi %mul3A_309, %add3A_332 : i32
        %get3A_334 = arith.index_cast %add3A_333 : i32 to index
        %get3A_335 = tpu.vector_load %arg8[%get3A_334] {strides = array<i32>} : memref<12800xf32, #tpu.memory_space<vmem>>, vector<16xf32>,
        %add3A_336 = arith.constant 16 : i32
        %add3A_337 = arith.addi %mul3A_309, %add3A_336 : i32
        %get3A_338 = arith.index_cast %add3A_337 : i32 to index
        %get3A_339 = tpu.vector_load %arg8[%get3A_338] {strides = array<i32>} : memref<12800xf32, #tpu.memory_space<vmem>>, vector<16xf32>,
        %add3A_340 = arith.constant 32 : i32
        %add3A_341 = arith.addi %mul3A_309, %add3A_340 : i32
        %get3A_342 = arith.index_cast %add3A_341 : i32 to index
        %get3A_343 = tpu.vector_load %arg8[%get3A_342] {strides = array<i32>} : memref<12800xf32, #tpu.memory_space<vmem>>, vector<16xf32>,
        %add3A_344 = arith.constant 48 : i32
        %add3A_345 = arith.addi %mul3A_309, %add3A_344 : i32
        %get3A_346 = arith.index_cast %add3A_345 : i32 to index
        %get3A_347 = tpu.vector_load %arg8[%get3A_346] {strides = array<i32>} : memref<12800xf32, #tpu.memory_space<vmem>>, vector<16xf32>,
        %add3A_348 = arith.addf %get3A_316, %get3A_335 : vector<16xf32>
        %swap3A_349 = arith.index_cast %add3A_301 : i32 to index
        %swap3A_350 = arith.constant 0 : index
        %swap3A_351 = tpu.vector_load %arg11[%swap3A_349, %swap3A_350] {strides = array<i32>} : memref<128x128xf32, #tpu.memory_space<vmem>>, vector<16xf32>,
        tpu.vector_store %arg11[%swap3A_349, %swap3A_350], %add3A_348 {strides = array<i32>} : memref<128x128xf32, #tpu.memory_space<vmem>>, vector<16xf32>,
        %add3A_352 = arith.addf %get3A_321, %get3A_339 : vector<16xf32>
        %swap3A_353 = arith.index_cast %add3A_301 : i32 to index
        %swap3A_354 = arith.constant 16 : index
        %swap3A_355 = tpu.vector_load %arg11[%swap3A_353, %swap3A_354] {strides = array<i32>} : memref<128x128xf32, #tpu.memory_space<vmem>>, vector<16xf32>,
        tpu.vector_store %arg11[%swap3A_353, %swap3A_354], %add3A_352 {strides = array<i32>} : memref<128x128xf32, #tpu.memory_space<vmem>>, vector<16xf32>,
        %add3A_356 = arith.addf %get3A_326, %get3A_343 : vector<16xf32>
        %swap3A_357 = arith.index_cast %add3A_301 : i32 to index
        %swap3A_358 = arith.constant 32 : index
        %swap3A_359 = tpu.vector_load %arg11[%swap3A_357, %swap3A_358] {strides = array<i32>} : memref<128x128xf32, #tpu.memory_space<vmem>>, vector<16xf32>,
        tpu.vector_store %arg11[%swap3A_357, %swap3A_358], %add3A_356 {strides = array<i32>} : memref<128x128xf32, #tpu.memory_space<vmem>>, vector<16xf32>,
        %add3A_360 = arith.addf %get3A_331, %get3A_347 : vector<16xf32>
        %swap3A_361 = arith.index_cast %add3A_301 : i32 to index
        %swap3A_362 = arith.constant 48 : index
        %swap3A_363 = tpu.vector_load %arg11[%swap3A_361, %swap3A_362] {strides = array<i32>} : memref<128x128xf32, #tpu.memory_space<vmem>>, vector<16xf32>,
        tpu.vector_store %arg11[%swap3A_361, %swap3A_362], %add3A_360 {strides = array<i32>} : memref<128x128xf32, #tpu.memory_space<vmem>>, vector<16xf32>,
        %add3A_364 = arith.constant 4 : i32
        %add3A_365 = arith.addi %mul3A_103, %add3A_364 : i32
        %add3A_366 = arith.addi %rem3A_50, %add3A_365 : i32
        %ge3A_367 = arith.constant 200 : i32
        %ge3A_368 = arith.cmpi sge, %add3A_366, %ge3A_367 : i32
        %sub3A_369 = arith.constant 200 : i32
        %sub3A_370 = arith.subi %add3A_366, %sub3A_369 : i32
        %select_n3A_371 = arith.select %ge3A_368, %sub3A_370, %add3A_366 : i32
        %mul3A_372 = arith.constant 64 : i32
        %mul3A_373 = arith.muli %select_n3A_371, %mul3A_372 : i32
        %slice3A_374 = vector.extract_strided_slice %mul3A_112 {offsets = [4], sizes = [1], strides = [1]} : vector<16xi32> to vector<1xi32>
        %squeeze3A_375 = vector.extract %slice3A_374[0] : i32 from vector<1xi32>
        %add3A_376 = arith.constant 0 : i32
        %add3A_377 = arith.addi %squeeze3A_375, %add3A_376 : i32
        %get3A_378 = arith.index_cast %add3A_365 : i32 to index
        %get3A_379 = arith.index_cast %add3A_377 : i32 to index
        %get3A_380 = tpu.vector_load %arg9[%get3A_378, %get3A_379] {strides = array<i32>} : memref<128x128xf32, #tpu.memory_space<vmem>>, vector<16xf32>,
        %add3A_381 = arith.constant 16 : i32
        %add3A_382 = arith.addi %squeeze3A_375, %add3A_381 : i32
        %get3A_383 = arith.index_cast %add3A_365 : i32 to index
        %get3A_384 = arith.index_cast %add3A_382 : i32 to index
        %get3A_385 = tpu.vector_load %arg9[%get3A_383, %get3A_384] {strides = array<i32>} : memref<128x128xf32, #tpu.memory_space<vmem>>, vector<16xf32>,
        %add3A_386 = arith.constant 32 : i32
        %add3A_387 = arith.addi %squeeze3A_375, %add3A_386 : i32
        %get3A_388 = arith.index_cast %add3A_365 : i32 to index
        %get3A_389 = arith.index_cast %add3A_387 : i32 to index
        %get3A_390 = tpu.vector_load %arg9[%get3A_388, %get3A_389] {strides = array<i32>} : memref<128x128xf32, #tpu.memory_space<vmem>>, vector<16xf32>,
        %add3A_391 = arith.constant 48 : i32
        %add3A_392 = arith.addi %squeeze3A_375, %add3A_391 : i32
        %get3A_393 = arith.index_cast %add3A_365 : i32 to index
        %get3A_394 = arith.index_cast %add3A_392 : i32 to index
        %get3A_395 = tpu.vector_load %arg9[%get3A_393, %get3A_394] {strides = array<i32>} : memref<128x128xf32, #tpu.memory_space<vmem>>, vector<16xf32>,
        %add3A_396 = arith.constant 0 : i32
        %add3A_397 = arith.addi %mul3A_373, %add3A_396 : i32
        %get3A_398 = arith.index_cast %add3A_397 : i32 to index
        %get3A_399 = tpu.vector_load %arg8[%get3A_398] {strides = array<i32>} : memref<12800xf32, #tpu.memory_space<vmem>>, vector<16xf32>,
        %add3A_400 = arith.constant 16 : i32
        %add3A_401 = arith.addi %mul3A_373, %add3A_400 : i32
        %get3A_402 = arith.index_cast %add3A_401 : i32 to index
        %get3A_403 = tpu.vector_load %arg8[%get3A_402] {strides = array<i32>} : memref<12800xf32, #tpu.memory_space<vmem>>, vector<16xf32>,
        %add3A_404 = arith.constant 32 : i32
        %add3A_405 = arith.addi %mul3A_373, %add3A_404 : i32
        %get3A_406 = arith.index_cast %add3A_405 : i32 to index
        %get3A_407 = tpu.vector_load %arg8[%get3A_406] {strides = array<i32>} : memref<12800xf32, #tpu.memory_space<vmem>>, vector<16xf32>,
        %add3A_408 = arith.constant 48 : i32
        %add3A_409 = arith.addi %mul3A_373, %add3A_408 : i32
        %get3A_410 = arith.index_cast %add3A_409 : i32 to index
        %get3A_411 = tpu.vector_load %arg8[%get3A_410] {strides = array<i32>} : memref<12800xf32, #tpu.memory_space<vmem>>, vector<16xf32>,
        %add3A_412 = arith.addf %get3A_380, %get3A_399 : vector<16xf32>
        %swap3A_413 = arith.index_cast %add3A_365 : i32 to index
        %swap3A_414 = arith.constant 0 : index
        %swap3A_415 = tpu.vector_load %arg11[%swap3A_413, %swap3A_414] {strides = array<i32>} : memref<128x128xf32, #tpu.memory_space<vmem>>, vector<16xf32>,
        tpu.vector_store %arg11[%swap3A_413, %swap3A_414], %add3A_412 {strides = array<i32>} : memref<128x128xf32, #tpu.memory_space<vmem>>, vector<16xf32>,
        %add3A_416 = arith.addf %get3A_385, %get3A_403 : vector<16xf32>
        %swap3A_417 = arith.index_cast %add3A_365 : i32 to index
        %swap3A_418 = arith.constant 16 : index
        %swap3A_419 = tpu.vector_load %arg11[%swap3A_417, %swap3A_418] {strides = array<i32>} : memref<128x128xf32, #tpu.memory_space<vmem>>, vector<16xf32>,
        tpu.vector_store %arg11[%swap3A_417, %swap3A_418], %add3A_416 {strides = array<i32>} : memref<128x128xf32, #tpu.memory_space<vmem>>, vector<16xf32>,
        %add3A_420 = arith.addf %get3A_390, %get3A_407 : vector<16xf32>
        %swap3A_421 = arith.index_cast %add3A_365 : i32 to index
        %swap3A_422 = arith.constant 32 : index
        %swap3A_423 = tpu.vector_load %arg11[%swap3A_421, %swap3A_422] {strides = array<i32>} : memref<128x128xf32, #tpu.memory_space<vmem>>, vector<16xf32>,
        tpu.vector_store %arg11[%swap3A_421, %swap3A_422], %add3A_420 {strides = array<i32>} : memref<128x128xf32, #tpu.memory_space<vmem>>, vector<16xf32>,
        %add3A_424 = arith.addf %get3A_395, %get3A_411 : vector<16xf32>
        %swap3A_425 = arith.index_cast %add3A_365 : i32 to index
        %swap3A_426 = arith.constant 48 : index
        %swap3A_427 = tpu.vector_load %arg11[%swap3A_425, %swap3A_426] {strides = array<i32>} : memref<128x128xf32, #tpu.memory_space<vmem>>, vector<16xf32>,
        tpu.vector_store %arg11[%swap3A_425, %swap3A_426], %add3A_424 {strides = array<i32>} : memref<128x128xf32, #tpu.memory_space<vmem>>, vector<16xf32>,
        %add3A_428 = arith.constant 5 : i32
        %add3A_429 = arith.addi %mul3A_103, %add3A_428 : i32
        %add3A_430 = arith.addi %rem3A_50, %add3A_429 : i32
        %ge3A_431 = arith.constant 200 : i32
        %ge3A_432 = arith.cmpi sge, %add3A_430, %ge3A_431 : i32
        %sub3A_433 = arith.constant 200 : i32
        %sub3A_434 = arith.subi %add3A_430, %sub3A_433 : i32
        %select_n3A_435 = arith.select %ge3A_432, %sub3A_434, %add3A_430 : i32
        %mul3A_436 = arith.constant 64 : i32
        %mul3A_437 = arith.muli %select_n3A_435, %mul3A_436 : i32
        %slice3A_438 = vector.extract_strided_slice %mul3A_112 {offsets = [5], sizes = [1], strides = [1]} : vector<16xi32> to vector<1xi32>
        %squeeze3A_439 = vector.extract %slice3A_438[0] : i32 from vector<1xi32>
        %add3A_440 = arith.constant 0 : i32
        %add3A_441 = arith.addi %squeeze3A_439, %add3A_440 : i32
        %get3A_442 = arith.index_cast %add3A_429 : i32 to index
        %get3A_443 = arith.index_cast %add3A_441 : i32 to index
        %get3A_444 = tpu.vector_load %arg9[%get3A_442, %get3A_443] {strides = array<i32>} : memref<128x128xf32, #tpu.memory_space<vmem>>, vector<16xf32>,
        %add3A_445 = arith.constant 16 : i32
        %add3A_446 = arith.addi %squeeze3A_439, %add3A_445 : i32
        %get3A_447 = arith.index_cast %add3A_429 : i32 to index
        %get3A_448 = arith.index_cast %add3A_446 : i32 to index
        %get3A_449 = tpu.vector_load %arg9[%get3A_447, %get3A_448] {strides = array<i32>} : memref<128x128xf32, #tpu.memory_space<vmem>>, vector<16xf32>,
        %add3A_450 = arith.constant 32 : i32
        %add3A_451 = arith.addi %squeeze3A_439, %add3A_450 : i32
        %get3A_452 = arith.index_cast %add3A_429 : i32 to index
        %get3A_453 = arith.index_cast %add3A_451 : i32 to index
        %get3A_454 = tpu.vector_load %arg9[%get3A_452, %get3A_453] {strides = array<i32>} : memref<128x128xf32, #tpu.memory_space<vmem>>, vector<16xf32>,
        %add3A_455 = arith.constant 48 : i32
        %add3A_456 = arith.addi %squeeze3A_439, %add3A_455 : i32
        %get3A_457 = arith.index_cast %add3A_429 : i32 to index
        %get3A_458 = arith.index_cast %add3A_456 : i32 to index
        %get3A_459 = tpu.vector_load %arg9[%get3A_457, %get3A_458] {strides = array<i32>} : memref<128x128xf32, #tpu.memory_space<vmem>>, vector<16xf32>,
        %add3A_460 = arith.constant 0 : i32
        %add3A_461 = arith.addi %mul3A_437, %add3A_460 : i32
        %get3A_462 = arith.index_cast %add3A_461 : i32 to index
        %get3A_463 = tpu.vector_load %arg8[%get3A_462] {strides = array<i32>} : memref<12800xf32, #tpu.memory_space<vmem>>, vector<16xf32>,
        %add3A_464 = arith.constant 16 : i32
        %add3A_465 = arith.addi %mul3A_437, %add3A_464 : i32
        %get3A_466 = arith.index_cast %add3A_465 : i32 to index
        %get3A_467 = tpu.vector_load %arg8[%get3A_466] {strides = array<i32>} : memref<12800xf32, #tpu.memory_space<vmem>>, vector<16xf32>,
        %add3A_468 = arith.constant 32 : i32
        %add3A_469 = arith.addi %mul3A_437, %add3A_468 : i32
        %get3A_470 = arith.index_cast %add3A_469 : i32 to index
        %get3A_471 = tpu.vector_load %arg8[%get3A_470] {strides = array<i32>} : memref<12800xf32, #tpu.memory_space<vmem>>, vector<16xf32>,
        %add3A_472 = arith.constant 48 : i32
        %add3A_473 = arith.addi %mul3A_437, %add3A_472 : i32
        %get3A_474 = arith.index_cast %add3A_473 : i32 to index
        %get3A_475 = tpu.vector_load %arg8[%get3A_474] {strides = array<i32>} : memref<12800xf32, #tpu.memory_space<vmem>>, vector<16xf32>,
        %add3A_476 = arith.addf %get3A_444, %get3A_463 : vector<16xf32>
        %swap3A_477 = arith.index_cast %add3A_429 : i32 to index
        %swap3A_478 = arith.constant 0 : index
        %swap3A_479 = tpu.vector_load %arg11[%swap3A_477, %swap3A_478] {strides = array<i32>} : memref<128x128xf32, #tpu.memory_space<vmem>>, vector<16xf32>,
        tpu.vector_store %arg11[%swap3A_477, %swap3A_478], %add3A_476 {strides = array<i32>} : memref<128x128xf32, #tpu.memory_space<vmem>>, vector<16xf32>,
        %add3A_480 = arith.addf %get3A_449, %get3A_467 : vector<16xf32>
        %swap3A_481 = arith.index_cast %add3A_429 : i32 to index
        %swap3A_482 = arith.constant 16 : index
        %swap3A_483 = tpu.vector_load %arg11[%swap3A_481, %swap3A_482] {strides = array<i32>} : memref<128x128xf32, #tpu.memory_space<vmem>>, vector<16xf32>,
        tpu.vector_store %arg11[%swap3A_481, %swap3A_482], %add3A_480 {strides = array<i32>} : memref<128x128xf32, #tpu.memory_space<vmem>>, vector<16xf32>,
        %add3A_484 = arith.addf %get3A_454, %get3A_471 : vector<16xf32>
        %swap3A_485 = arith.index_cast %add3A_429 : i32 to index
        %swap3A_486 = arith.constant 32 : index
        %swap3A_487 = tpu.vector_load %arg11[%swap3A_485, %swap3A_486] {strides = array<i32>} : memref<128x128xf32, #tpu.memory_space<vmem>>, vector<16xf32>,
        tpu.vector_store %arg11[%swap3A_485, %swap3A_486], %add3A_484 {strides = array<i32>} : memref<128x128xf32, #tpu.memory_space<vmem>>, vector<16xf32>,
        %add3A_488 = arith.addf %get3A_459, %get3A_475 : vector<16xf32>
        %swap3A_489 = arith.index_cast %add3A_429 : i32 to index
        %swap3A_490 = arith.constant 48 : index
        %swap3A_491 = tpu.vector_load %arg11[%swap3A_489, %swap3A_490] {strides = array<i32>} : memref<128x128xf32, #tpu.memory_space<vmem>>, vector<16xf32>,
        tpu.vector_store %arg11[%swap3A_489, %swap3A_490], %add3A_488 {strides = array<i32>} : memref<128x128xf32, #tpu.memory_space<vmem>>, vector<16xf32>,
        %add3A_492 = arith.constant 6 : i32
        %add3A_493 = arith.addi %mul3A_103, %add3A_492 : i32
        %add3A_494 = arith.addi %rem3A_50, %add3A_493 : i32
        %ge3A_495 = arith.constant 200 : i32
        %ge3A_496 = arith.cmpi sge, %add3A_494, %ge3A_495 : i32
        %sub3A_497 = arith.constant 200 : i32
        %sub3A_498 = arith.subi %add3A_494, %sub3A_497 : i32
        %select_n3A_499 = arith.select %ge3A_496, %sub3A_498, %add3A_494 : i32
        %mul3A_500 = arith.constant 64 : i32
        %mul3A_501 = arith.muli %select_n3A_499, %mul3A_500 : i32
        %slice3A_502 = vector.extract_strided_slice %mul3A_112 {offsets = [6], sizes = [1], strides = [1]} : vector<16xi32> to vector<1xi32>
        %squeeze3A_503 = vector.extract %slice3A_502[0] : i32 from vector<1xi32>
        %add3A_504 = arith.constant 0 : i32
        %add3A_505 = arith.addi %squeeze3A_503, %add3A_504 : i32
        %get3A_506 = arith.index_cast %add3A_493 : i32 to index
        %get3A_507 = arith.index_cast %add3A_505 : i32 to index
        %get3A_508 = tpu.vector_load %arg9[%get3A_506, %get3A_507] {strides = array<i32>} : memref<128x128xf32, #tpu.memory_space<vmem>>, vector<16xf32>,
        %add3A_509 = arith.constant 16 : i32
        %add3A_510 = arith.addi %squeeze3A_503, %add3A_509 : i32
        %get3A_511 = arith.index_cast %add3A_493 : i32 to index
        %get3A_512 = arith.index_cast %add3A_510 : i32 to index
        %get3A_513 = tpu.vector_load %arg9[%get3A_511, %get3A_512] {strides = array<i32>} : memref<128x128xf32, #tpu.memory_space<vmem>>, vector<16xf32>,
        %add3A_514 = arith.constant 32 : i32
        %add3A_515 = arith.addi %squeeze3A_503, %add3A_514 : i32
        %get3A_516 = arith.index_cast %add3A_493 : i32 to index
        %get3A_517 = arith.index_cast %add3A_515 : i32 to index
        %get3A_518 = tpu.vector_load %arg9[%get3A_516, %get3A_517] {strides = array<i32>} : memref<128x128xf32, #tpu.memory_space<vmem>>, vector<16xf32>,
        %add3A_519 = arith.constant 48 : i32
        %add3A_520 = arith.addi %squeeze3A_503, %add3A_519 : i32
        %get3A_521 = arith.index_cast %add3A_493 : i32 to index
        %get3A_522 = arith.index_cast %add3A_520 : i32 to index
        %get3A_523 = tpu.vector_load %arg9[%get3A_521, %get3A_522] {strides = array<i32>} : memref<128x128xf32, #tpu.memory_space<vmem>>, vector<16xf32>,
        %add3A_524 = arith.constant 0 : i32
        %add3A_525 = arith.addi %mul3A_501, %add3A_524 : i32
        %get3A_526 = arith.index_cast %add3A_525 : i32 to index
        %get3A_527 = tpu.vector_load %arg8[%get3A_526] {strides = array<i32>} : memref<12800xf32, #tpu.memory_space<vmem>>, vector<16xf32>,
        %add3A_528 = arith.constant 16 : i32
        %add3A_529 = arith.addi %mul3A_501, %add3A_528 : i32
        %get3A_530 = arith.index_cast %add3A_529 : i32 to index
        %get3A_531 = tpu.vector_load %arg8[%get3A_530] {strides = array<i32>} : memref<12800xf32, #tpu.memory_space<vmem>>, vector<16xf32>,
        %add3A_532 = arith.constant 32 : i32
        %add3A_533 = arith.addi %mul3A_501, %add3A_532 : i32
        %get3A_534 = arith.index_cast %add3A_533 : i32 to index
        %get3A_535 = tpu.vector_load %arg8[%get3A_534] {strides = array<i32>} : memref<12800xf32, #tpu.memory_space<vmem>>, vector<16xf32>,
        %add3A_536 = arith.constant 48 : i32
        %add3A_537 = arith.addi %mul3A_501, %add3A_536 : i32
        %get3A_538 = arith.index_cast %add3A_537 : i32 to index
        %get3A_539 = tpu.vector_load %arg8[%get3A_538] {strides = array<i32>} : memref<12800xf32, #tpu.memory_space<vmem>>, vector<16xf32>,
        %add3A_540 = arith.addf %get3A_508, %get3A_527 : vector<16xf32>
        %swap3A_541 = arith.index_cast %add3A_493 : i32 to index
        %swap3A_542 = arith.constant 0 : index
        %swap3A_543 = tpu.vector_load %arg11[%swap3A_541, %swap3A_542] {strides = array<i32>} : memref<128x128xf32, #tpu.memory_space<vmem>>, vector<16xf32>,
        tpu.vector_store %arg11[%swap3A_541, %swap3A_542], %add3A_540 {strides = array<i32>} : memref<128x128xf32, #tpu.memory_space<vmem>>, vector<16xf32>,
        %add3A_544 = arith.addf %get3A_513, %get3A_531 : vector<16xf32>
        %swap3A_545 = arith.index_cast %add3A_493 : i32 to index
        %swap3A_546 = arith.constant 16 : index
        %swap3A_547 = tpu.vector_load %arg11[%swap3A_545, %swap3A_546] {strides = array<i32>} : memref<128x128xf32, #tpu.memory_space<vmem>>, vector<16xf32>,
        tpu.vector_store %arg11[%swap3A_545, %swap3A_546], %add3A_544 {strides = array<i32>} : memref<128x128xf32, #tpu.memory_space<vmem>>, vector<16xf32>,
        %add3A_548 = arith.addf %get3A_518, %get3A_535 : vector<16xf32>
        %swap3A_549 = arith.index_cast %add3A_493 : i32 to index
        %swap3A_550 = arith.constant 32 : index
        %swap3A_551 = tpu.vector_load %arg11[%swap3A_549, %swap3A_550] {strides = array<i32>} : memref<128x128xf32, #tpu.memory_space<vmem>>, vector<16xf32>,
        tpu.vector_store %arg11[%swap3A_549, %swap3A_550], %add3A_548 {strides = array<i32>} : memref<128x128xf32, #tpu.memory_space<vmem>>, vector<16xf32>,
        %add3A_552 = arith.addf %get3A_523, %get3A_539 : vector<16xf32>
        %swap3A_553 = arith.index_cast %add3A_493 : i32 to index
        %swap3A_554 = arith.constant 48 : index
        %swap3A_555 = tpu.vector_load %arg11[%swap3A_553, %swap3A_554] {strides = array<i32>} : memref<128x128xf32, #tpu.memory_space<vmem>>, vector<16xf32>,
        tpu.vector_store %arg11[%swap3A_553, %swap3A_554], %add3A_552 {strides = array<i32>} : memref<128x128xf32, #tpu.memory_space<vmem>>, vector<16xf32>,
        %add3A_556 = arith.constant 7 : i32
        %add3A_557 = arith.addi %mul3A_103, %add3A_556 : i32
        %add3A_558 = arith.addi %rem3A_50, %add3A_557 : i32
        %ge3A_559 = arith.constant 200 : i32
        %ge3A_560 = arith.cmpi sge, %add3A_558, %ge3A_559 : i32
        %sub3A_561 = arith.constant 200 : i32
        %sub3A_562 = arith.subi %add3A_558, %sub3A_561 : i32
        %select_n3A_563 = arith.select %ge3A_560, %sub3A_562, %add3A_558 : i32
        %mul3A_564 = arith.constant 64 : i32
        %mul3A_565 = arith.muli %select_n3A_563, %mul3A_564 : i32
        %slice3A_566 = vector.extract_strided_slice %mul3A_112 {offsets = [7], sizes = [1], strides = [1]} : vector<16xi32> to vector<1xi32>
        %squeeze3A_567 = vector.extract %slice3A_566[0] : i32 from vector<1xi32>
        %add3A_568 = arith.constant 0 : i32
        %add3A_569 = arith.addi %squeeze3A_567, %add3A_568 : i32
        %get3A_570 = arith.index_cast %add3A_557 : i32 to index
        %get3A_571 = arith.index_cast %add3A_569 : i32 to index
        %get3A_572 = tpu.vector_load %arg9[%get3A_570, %get3A_571] {strides = array<i32>} : memref<128x128xf32, #tpu.memory_space<vmem>>, vector<16xf32>,
        %add3A_573 = arith.constant 16 : i32
        %add3A_574 = arith.addi %squeeze3A_567, %add3A_573 : i32
        %get3A_575 = arith.index_cast %add3A_557 : i32 to index
        %get3A_576 = arith.index_cast %add3A_574 : i32 to index
        %get3A_577 = tpu.vector_load %arg9[%get3A_575, %get3A_576] {strides = array<i32>} : memref<128x128xf32, #tpu.memory_space<vmem>>, vector<16xf32>,
        %add3A_578 = arith.constant 32 : i32
        %add3A_579 = arith.addi %squeeze3A_567, %add3A_578 : i32
        %get3A_580 = arith.index_cast %add3A_557 : i32 to index
        %get3A_581 = arith.index_cast %add3A_579 : i32 to index
        %get3A_582 = tpu.vector_load %arg9[%get3A_580, %get3A_581] {strides = array<i32>} : memref<128x128xf32, #tpu.memory_space<vmem>>, vector<16xf32>,
        %add3A_583 = arith.constant 48 : i32
        %add3A_584 = arith.addi %squeeze3A_567, %add3A_583 : i32
        %get3A_585 = arith.index_cast %add3A_557 : i32 to index
        %get3A_586 = arith.index_cast %add3A_584 : i32 to index
        %get3A_587 = tpu.vector_load %arg9[%get3A_585, %get3A_586] {strides = array<i32>} : memref<128x128xf32, #tpu.memory_space<vmem>>, vector<16xf32>,
        %add3A_588 = arith.constant 0 : i32
        %add3A_589 = arith.addi %mul3A_565, %add3A_588 : i32
        %get3A_590 = arith.index_cast %add3A_589 : i32 to index
        %get3A_591 = tpu.vector_load %arg8[%get3A_590] {strides = array<i32>} : memref<12800xf32, #tpu.memory_space<vmem>>, vector<16xf32>,
        %add3A_592 = arith.constant 16 : i32
        %add3A_593 = arith.addi %mul3A_565, %add3A_592 : i32
        %get3A_594 = arith.index_cast %add3A_593 : i32 to index
        %get3A_595 = tpu.vector_load %arg8[%get3A_594] {strides = array<i32>} : memref<12800xf32, #tpu.memory_space<vmem>>, vector<16xf32>,
        %add3A_596 = arith.constant 32 : i32
        %add3A_597 = arith.addi %mul3A_565, %add3A_596 : i32
        %get3A_598 = arith.index_cast %add3A_597 : i32 to index
        %get3A_599 = tpu.vector_load %arg8[%get3A_598] {strides = array<i32>} : memref<12800xf32, #tpu.memory_space<vmem>>, vector<16xf32>,
        %add3A_600 = arith.constant 48 : i32
        %add3A_601 = arith.addi %mul3A_565, %add3A_600 : i32
        %get3A_602 = arith.index_cast %add3A_601 : i32 to index
        %get3A_603 = tpu.vector_load %arg8[%get3A_602] {strides = array<i32>} : memref<12800xf32, #tpu.memory_space<vmem>>, vector<16xf32>,
        %add3A_604 = arith.addf %get3A_572, %get3A_591 : vector<16xf32>
        %swap3A_605 = arith.index_cast %add3A_557 : i32 to index
        %swap3A_606 = arith.constant 0 : index
        %swap3A_607 = tpu.vector_load %arg11[%swap3A_605, %swap3A_606] {strides = array<i32>} : memref<128x128xf32, #tpu.memory_space<vmem>>, vector<16xf32>,
        tpu.vector_store %arg11[%swap3A_605, %swap3A_606], %add3A_604 {strides = array<i32>} : memref<128x128xf32, #tpu.memory_space<vmem>>, vector<16xf32>,
        %add3A_608 = arith.addf %get3A_577, %get3A_595 : vector<16xf32>
        %swap3A_609 = arith.index_cast %add3A_557 : i32 to index
        %swap3A_610 = arith.constant 16 : index
        %swap3A_611 = tpu.vector_load %arg11[%swap3A_609, %swap3A_610] {strides = array<i32>} : memref<128x128xf32, #tpu.memory_space<vmem>>, vector<16xf32>,
        tpu.vector_store %arg11[%swap3A_609, %swap3A_610], %add3A_608 {strides = array<i32>} : memref<128x128xf32, #tpu.memory_space<vmem>>, vector<16xf32>,
        %add3A_612 = arith.addf %get3A_582, %get3A_599 : vector<16xf32>
        %swap3A_613 = arith.index_cast %add3A_557 : i32 to index
        %swap3A_614 = arith.constant 32 : index
        %swap3A_615 = tpu.vector_load %arg11[%swap3A_613, %swap3A_614] {strides = array<i32>} : memref<128x128xf32, #tpu.memory_space<vmem>>, vector<16xf32>,
        tpu.vector_store %arg11[%swap3A_613, %swap3A_614], %add3A_612 {strides = array<i32>} : memref<128x128xf32, #tpu.memory_space<vmem>>, vector<16xf32>,
        %add3A_616 = arith.addf %get3A_587, %get3A_603 : vector<16xf32>
        %swap3A_617 = arith.index_cast %add3A_557 : i32 to index
        %swap3A_618 = arith.constant 48 : index
        %swap3A_619 = tpu.vector_load %arg11[%swap3A_617, %swap3A_618] {strides = array<i32>} : memref<128x128xf32, #tpu.memory_space<vmem>>, vector<16xf32>,
        tpu.vector_store %arg11[%swap3A_617, %swap3A_618], %add3A_616 {strides = array<i32>} : memref<128x128xf32, #tpu.memory_space<vmem>>, vector<16xf32>,
        %add3A_620 = arith.constant 8 : i32
        %add3A_621 = arith.addi %mul3A_103, %add3A_620 : i32
        %add3A_622 = arith.addi %rem3A_50, %add3A_621 : i32
        %ge3A_623 = arith.constant 200 : i32
        %ge3A_624 = arith.cmpi sge, %add3A_622, %ge3A_623 : i32
        %sub3A_625 = arith.constant 200 : i32
        %sub3A_626 = arith.subi %add3A_622, %sub3A_625 : i32
        %select_n3A_627 = arith.select %ge3A_624, %sub3A_626, %add3A_622 : i32
        %mul3A_628 = arith.constant 64 : i32
        %mul3A_629 = arith.muli %select_n3A_627, %mul3A_628 : i32
        %slice3A_630 = vector.extract_strided_slice %mul3A_112 {offsets = [8], sizes = [1], strides = [1]} : vector<16xi32> to vector<1xi32>
        %squeeze3A_631 = vector.extract %slice3A_630[0] : i32 from vector<1xi32>
        %add3A_632 = arith.constant 0 : i32
        %add3A_633 = arith.addi %squeeze3A_631, %add3A_632 : i32
        %get3A_634 = arith.index_cast %add3A_621 : i32 to index
        %get3A_635 = arith.index_cast %add3A_633 : i32 to index
        %get3A_636 = tpu.vector_load %arg9[%get3A_634, %get3A_635] {strides = array<i32>} : memref<128x128xf32, #tpu.memory_space<vmem>>, vector<16xf32>,
        %add3A_637 = arith.constant 16 : i32
        %add3A_638 = arith.addi %squeeze3A_631, %add3A_637 : i32
        %get3A_639 = arith.index_cast %add3A_621 : i32 to index
        %get3A_640 = arith.index_cast %add3A_638 : i32 to index
        %get3A_641 = tpu.vector_load %arg9[%get3A_639, %get3A_640] {strides = array<i32>} : memref<128x128xf32, #tpu.memory_space<vmem>>, vector<16xf32>,
        %add3A_642 = arith.constant 32 : i32
        %add3A_643 = arith.addi %squeeze3A_631, %add3A_642 : i32
        %get3A_644 = arith.index_cast %add3A_621 : i32 to index
        %get3A_645 = arith.index_cast %add3A_643 : i32 to index
        %get3A_646 = tpu.vector_load %arg9[%get3A_644, %get3A_645] {strides = array<i32>} : memref<128x128xf32, #tpu.memory_space<vmem>>, vector<16xf32>,
        %add3A_647 = arith.constant 48 : i32
        %add3A_648 = arith.addi %squeeze3A_631, %add3A_647 : i32
        %get3A_649 = arith.index_cast %add3A_621 : i32 to index
        %get3A_650 = arith.index_cast %add3A_648 : i32 to index
        %get3A_651 = tpu.vector_load %arg9[%get3A_649, %get3A_650] {strides = array<i32>} : memref<128x128xf32, #tpu.memory_space<vmem>>, vector<16xf32>,
        %add3A_652 = arith.constant 0 : i32
        %add3A_653 = arith.addi %mul3A_629, %add3A_652 : i32
        %get3A_654 = arith.index_cast %add3A_653 : i32 to index
        %get3A_655 = tpu.vector_load %arg8[%get3A_654] {strides = array<i32>} : memref<12800xf32, #tpu.memory_space<vmem>>, vector<16xf32>,
        %add3A_656 = arith.constant 16 : i32
        %add3A_657 = arith.addi %mul3A_629, %add3A_656 : i32
        %get3A_658 = arith.index_cast %add3A_657 : i32 to index
        %get3A_659 = tpu.vector_load %arg8[%get3A_658] {strides = array<i32>} : memref<12800xf32, #tpu.memory_space<vmem>>, vector<16xf32>,
        %add3A_660 = arith.constant 32 : i32
        %add3A_661 = arith.addi %mul3A_629, %add3A_660 : i32
        %get3A_662 = arith.index_cast %add3A_661 : i32 to index
        %get3A_663 = tpu.vector_load %arg8[%get3A_662] {strides = array<i32>} : memref<12800xf32, #tpu.memory_space<vmem>>, vector<16xf32>,
        %add3A_664 = arith.constant 48 : i32
        %add3A_665 = arith.addi %mul3A_629, %add3A_664 : i32
        %get3A_666 = arith.index_cast %add3A_665 : i32 to index
        %get3A_667 = tpu.vector_load %arg8[%get3A_666] {strides = array<i32>} : memref<12800xf32, #tpu.memory_space<vmem>>, vector<16xf32>,
        %add3A_668 = arith.addf %get3A_636, %get3A_655 : vector<16xf32>
        %swap3A_669 = arith.index_cast %add3A_621 : i32 to index
        %swap3A_670 = arith.constant 0 : index
        %swap3A_671 = tpu.vector_load %arg11[%swap3A_669, %swap3A_670] {strides = array<i32>} : memref<128x128xf32, #tpu.memory_space<vmem>>, vector<16xf32>,
        tpu.vector_store %arg11[%swap3A_669, %swap3A_670], %add3A_668 {strides = array<i32>} : memref<128x128xf32, #tpu.memory_space<vmem>>, vector<16xf32>,
        %add3A_672 = arith.addf %get3A_641, %get3A_659 : vector<16xf32>
        %swap3A_673 = arith.index_cast %add3A_621 : i32 to index
        %swap3A_674 = arith.constant 16 : index
        %swap3A_675 = tpu.vector_load %arg11[%swap3A_673, %swap3A_674] {strides = array<i32>} : memref<128x128xf32, #tpu.memory_space<vmem>>, vector<16xf32>,
        tpu.vector_store %arg11[%swap3A_673, %swap3A_674], %add3A_672 {strides = array<i32>} : memref<128x128xf32, #tpu.memory_space<vmem>>, vector<16xf32>,
        %add3A_676 = arith.addf %get3A_646, %get3A_663 : vector<16xf32>
        %swap3A_677 = arith.index_cast %add3A_621 : i32 to index
        %swap3A_678 = arith.constant 32 : index
        %swap3A_679 = tpu.vector_load %arg11[%swap3A_677, %swap3A_678] {strides = array<i32>} : memref<128x128xf32, #tpu.memory_space<vmem>>, vector<16xf32>,
        tpu.vector_store %arg11[%swap3A_677, %swap3A_678], %add3A_676 {strides = array<i32>} : memref<128x128xf32, #tpu.memory_space<vmem>>, vector<16xf32>,
        %add3A_680 = arith.addf %get3A_651, %get3A_667 : vector<16xf32>
        %swap3A_681 = arith.index_cast %add3A_621 : i32 to index
        %swap3A_682 = arith.constant 48 : index
        %swap3A_683 = tpu.vector_load %arg11[%swap3A_681, %swap3A_682] {strides = array<i32>} : memref<128x128xf32, #tpu.memory_space<vmem>>, vector<16xf32>,
        tpu.vector_store %arg11[%swap3A_681, %swap3A_682], %add3A_680 {strides = array<i32>} : memref<128x128xf32, #tpu.memory_space<vmem>>, vector<16xf32>,
        %add3A_684 = arith.constant 9 : i32
        %add3A_685 = arith.addi %mul3A_103, %add3A_684 : i32
        %add3A_686 = arith.addi %rem3A_50, %add3A_685 : i32
        %ge3A_687 = arith.constant 200 : i32
        %ge3A_688 = arith.cmpi sge, %add3A_686, %ge3A_687 : i32
        %sub3A_689 = arith.constant 200 : i32
        %sub3A_690 = arith.subi %add3A_686, %sub3A_689 : i32
        %select_n3A_691 = arith.select %ge3A_688, %sub3A_690, %add3A_686 : i32
        %mul3A_692 = arith.constant 64 : i32
        %mul3A_693 = arith.muli %select_n3A_691, %mul3A_692 : i32
        %slice3A_694 = vector.extract_strided_slice %mul3A_112 {offsets = [9], sizes = [1], strides = [1]} : vector<16xi32> to vector<1xi32>
        %squeeze3A_695 = vector.extract %slice3A_694[0] : i32 from vector<1xi32>
        %add3A_696 = arith.constant 0 : i32
        %add3A_697 = arith.addi %squeeze3A_695, %add3A_696 : i32
        %get3A_698 = arith.index_cast %add3A_685 : i32 to index
        %get3A_699 = arith.index_cast %add3A_697 : i32 to index
        %get3A_700 = tpu.vector_load %arg9[%get3A_698, %get3A_699] {strides = array<i32>} : memref<128x128xf32, #tpu.memory_space<vmem>>, vector<16xf32>,
        %add3A_701 = arith.constant 16 : i32
        %add3A_702 = arith.addi %squeeze3A_695, %add3A_701 : i32
        %get3A_703 = arith.index_cast %add3A_685 : i32 to index
        %get3A_704 = arith.index_cast %add3A_702 : i32 to index
        %get3A_705 = tpu.vector_load %arg9[%get3A_703, %get3A_704] {strides = array<i32>} : memref<128x128xf32, #tpu.memory_space<vmem>>, vector<16xf32>,
        %add3A_706 = arith.constant 32 : i32
        %add3A_707 = arith.addi %squeeze3A_695, %add3A_706 : i32
        %get3A_708 = arith.index_cast %add3A_685 : i32 to index
        %get3A_709 = arith.index_cast %add3A_707 : i32 to index
        %get3A_710 = tpu.vector_load %arg9[%get3A_708, %get3A_709] {strides = array<i32>} : memref<128x128xf32, #tpu.memory_space<vmem>>, vector<16xf32>,
        %add3A_711 = arith.constant 48 : i32
        %add3A_712 = arith.addi %squeeze3A_695, %add3A_711 : i32
        %get3A_713 = arith.index_cast %add3A_685 : i32 to index
        %get3A_714 = arith.index_cast %add3A_712 : i32 to index
        %get3A_715 = tpu.vector_load %arg9[%get3A_713, %get3A_714] {strides = array<i32>} : memref<128x128xf32, #tpu.memory_space<vmem>>, vector<16xf32>,
        %add3A_716 = arith.constant 0 : i32
        %add3A_717 = arith.addi %mul3A_693, %add3A_716 : i32
        %get3A_718 = arith.index_cast %add3A_717 : i32 to index
        %get3A_719 = tpu.vector_load %arg8[%get3A_718] {strides = array<i32>} : memref<12800xf32, #tpu.memory_space<vmem>>, vector<16xf32>,
        %add3A_720 = arith.constant 16 : i32
        %add3A_721 = arith.addi %mul3A_693, %add3A_720 : i32
        %get3A_722 = arith.index_cast %add3A_721 : i32 to index
        %get3A_723 = tpu.vector_load %arg8[%get3A_722] {strides = array<i32>} : memref<12800xf32, #tpu.memory_space<vmem>>, vector<16xf32>,
        %add3A_724 = arith.constant 32 : i32
        %add3A_725 = arith.addi %mul3A_693, %add3A_724 : i32
        %get3A_726 = arith.index_cast %add3A_725 : i32 to index
        %get3A_727 = tpu.vector_load %arg8[%get3A_726] {strides = array<i32>} : memref<12800xf32, #tpu.memory_space<vmem>>, vector<16xf32>,
        %add3A_728 = arith.constant 48 : i32
        %add3A_729 = arith.addi %mul3A_693, %add3A_728 : i32
        %get3A_730 = arith.index_cast %add3A_729 : i32 to index
        %get3A_731 = tpu.vector_load %arg8[%get3A_730] {strides = array<i32>} : memref<12800xf32, #tpu.memory_space<vmem>>, vector<16xf32>,
        %add3A_732 = arith.addf %get3A_700, %get3A_719 : vector<16xf32>
        %swap3A_733 = arith.index_cast %add3A_685 : i32 to index
        %swap3A_734 = arith.constant 0 : index
        %swap3A_735 = tpu.vector_load %arg11[%swap3A_733, %swap3A_734] {strides = array<i32>} : memref<128x128xf32, #tpu.memory_space<vmem>>, vector<16xf32>,
        tpu.vector_store %arg11[%swap3A_733, %swap3A_734], %add3A_732 {strides = array<i32>} : memref<128x128xf32, #tpu.memory_space<vmem>>, vector<16xf32>,
        %add3A_736 = arith.addf %get3A_705, %get3A_723 : vector<16xf32>
        %swap3A_737 = arith.index_cast %add3A_685 : i32 to index
        %swap3A_738 = arith.constant 16 : index
        %swap3A_739 = tpu.vector_load %arg11[%swap3A_737, %swap3A_738] {strides = array<i32>} : memref<128x128xf32, #tpu.memory_space<vmem>>, vector<16xf32>,
        tpu.vector_store %arg11[%swap3A_737, %swap3A_738], %add3A_736 {strides = array<i32>} : memref<128x128xf32, #tpu.memory_space<vmem>>, vector<16xf32>,
        %add3A_740 = arith.addf %get3A_710, %get3A_727 : vector<16xf32>
        %swap3A_741 = arith.index_cast %add3A_685 : i32 to index
        %swap3A_742 = arith.constant 32 : index
        %swap3A_743 = tpu.vector_load %arg11[%swap3A_741, %swap3A_742] {strides = array<i32>} : memref<128x128xf32, #tpu.memory_space<vmem>>, vector<16xf32>,
        tpu.vector_store %arg11[%swap3A_741, %swap3A_742], %add3A_740 {strides = array<i32>} : memref<128x128xf32, #tpu.memory_space<vmem>>, vector<16xf32>,
        %add3A_744 = arith.addf %get3A_715, %get3A_731 : vector<16xf32>
        %swap3A_745 = arith.index_cast %add3A_685 : i32 to index
        %swap3A_746 = arith.constant 48 : index
        %swap3A_747 = tpu.vector_load %arg11[%swap3A_745, %swap3A_746] {strides = array<i32>} : memref<128x128xf32, #tpu.memory_space<vmem>>, vector<16xf32>,
        tpu.vector_store %arg11[%swap3A_745, %swap3A_746], %add3A_744 {strides = array<i32>} : memref<128x128xf32, #tpu.memory_space<vmem>>, vector<16xf32>,
        %add3A_748 = arith.constant 10 : i32
        %add3A_749 = arith.addi %mul3A_103, %add3A_748 : i32
        %add3A_750 = arith.addi %rem3A_50, %add3A_749 : i32
        %ge3A_751 = arith.constant 200 : i32
        %ge3A_752 = arith.cmpi sge, %add3A_750, %ge3A_751 : i32
        %sub3A_753 = arith.constant 200 : i32
        %sub3A_754 = arith.subi %add3A_750, %sub3A_753 : i32
        %select_n3A_755 = arith.select %ge3A_752, %sub3A_754, %add3A_750 : i32
        %mul3A_756 = arith.constant 64 : i32
        %mul3A_757 = arith.muli %select_n3A_755, %mul3A_756 : i32
        %slice3A_758 = vector.extract_strided_slice %mul3A_112 {offsets = [10], sizes = [1], strides = [1]} : vector<16xi32> to vector<1xi32>
        %squeeze3A_759 = vector.extract %slice3A_758[0] : i32 from vector<1xi32>
        %add3A_760 = arith.constant 0 : i32
        %add3A_761 = arith.addi %squeeze3A_759, %add3A_760 : i32
        %get3A_762 = arith.index_cast %add3A_749 : i32 to index
        %get3A_763 = arith.index_cast %add3A_761 : i32 to index
        %get3A_764 = tpu.vector_load %arg9[%get3A_762, %get3A_763] {strides = array<i32>} : memref<128x128xf32, #tpu.memory_space<vmem>>, vector<16xf32>,
        %add3A_765 = arith.constant 16 : i32
        %add3A_766 = arith.addi %squeeze3A_759, %add3A_765 : i32
        %get3A_767 = arith.index_cast %add3A_749 : i32 to index
        %get3A_768 = arith.index_cast %add3A_766 : i32 to index
        %get3A_769 = tpu.vector_load %arg9[%get3A_767, %get3A_768] {strides = array<i32>} : memref<128x128xf32, #tpu.memory_space<vmem>>, vector<16xf32>,
        %add3A_770 = arith.constant 32 : i32
        %add3A_771 = arith.addi %squeeze3A_759, %add3A_770 : i32
        %get3A_772 = arith.index_cast %add3A_749 : i32 to index
        %get3A_773 = arith.index_cast %add3A_771 : i32 to index
        %get3A_774 = tpu.vector_load %arg9[%get3A_772, %get3A_773] {strides = array<i32>} : memref<128x128xf32, #tpu.memory_space<vmem>>, vector<16xf32>,
        %add3A_775 = arith.constant 48 : i32
        %add3A_776 = arith.addi %squeeze3A_759, %add3A_775 : i32
        %get3A_777 = arith.index_cast %add3A_749 : i32 to index
        %get3A_778 = arith.index_cast %add3A_776 : i32 to index
        %get3A_779 = tpu.vector_load %arg9[%get3A_777, %get3A_778] {strides = array<i32>} : memref<128x128xf32, #tpu.memory_space<vmem>>, vector<16xf32>,
        %add3A_780 = arith.constant 0 : i32
        %add3A_781 = arith.addi %mul3A_757, %add3A_780 : i32
        %get3A_782 = arith.index_cast %add3A_781 : i32 to index
        %get3A_783 = tpu.vector_load %arg8[%get3A_782] {strides = array<i32>} : memref<12800xf32, #tpu.memory_space<vmem>>, vector<16xf32>,
        %add3A_784 = arith.constant 16 : i32
        %add3A_785 = arith.addi %mul3A_757, %add3A_784 : i32
        %get3A_786 = arith.index_cast %add3A_785 : i32 to index
        %get3A_787 = tpu.vector_load %arg8[%get3A_786] {strides = array<i32>} : memref<12800xf32, #tpu.memory_space<vmem>>, vector<16xf32>,
        %add3A_788 = arith.constant 32 : i32
        %add3A_789 = arith.addi %mul3A_757, %add3A_788 : i32
        %get3A_790 = arith.index_cast %add3A_789 : i32 to index
        %get3A_791 = tpu.vector_load %arg8[%get3A_790] {strides = array<i32>} : memref<12800xf32, #tpu.memory_space<vmem>>, vector<16xf32>,
        %add3A_792 = arith.constant 48 : i32
        %add3A_793 = arith.addi %mul3A_757, %add3A_792 : i32
        %get3A_794 = arith.index_cast %add3A_793 : i32 to index
        %get3A_795 = tpu.vector_load %arg8[%get3A_794] {strides = array<i32>} : memref<12800xf32, #tpu.memory_space<vmem>>, vector<16xf32>,
        %add3A_796 = arith.addf %get3A_764, %get3A_783 : vector<16xf32>
        %swap3A_797 = arith.index_cast %add3A_749 : i32 to index
        %swap3A_798 = arith.constant 0 : index
        %swap3A_799 = tpu.vector_load %arg11[%swap3A_797, %swap3A_798] {strides = array<i32>} : memref<128x128xf32, #tpu.memory_space<vmem>>, vector<16xf32>,
        tpu.vector_store %arg11[%swap3A_797, %swap3A_798], %add3A_796 {strides = array<i32>} : memref<128x128xf32, #tpu.memory_space<vmem>>, vector<16xf32>,
        %add3A_800 = arith.addf %get3A_769, %get3A_787 : vector<16xf32>
        %swap3A_801 = arith.index_cast %add3A_749 : i32 to index
        %swap3A_802 = arith.constant 16 : index
        %swap3A_803 = tpu.vector_load %arg11[%swap3A_801, %swap3A_802] {strides = array<i32>} : memref<128x128xf32, #tpu.memory_space<vmem>>, vector<16xf32>,
        tpu.vector_store %arg11[%swap3A_801, %swap3A_802], %add3A_800 {strides = array<i32>} : memref<128x128xf32, #tpu.memory_space<vmem>>, vector<16xf32>,
        %add3A_804 = arith.addf %get3A_774, %get3A_791 : vector<16xf32>
        %swap3A_805 = arith.index_cast %add3A_749 : i32 to index
        %swap3A_806 = arith.constant 32 : index
        %swap3A_807 = tpu.vector_load %arg11[%swap3A_805, %swap3A_806] {strides = array<i32>} : memref<128x128xf32, #tpu.memory_space<vmem>>, vector<16xf32>,
        tpu.vector_store %arg11[%swap3A_805, %swap3A_806], %add3A_804 {strides = array<i32>} : memref<128x128xf32, #tpu.memory_space<vmem>>, vector<16xf32>,
        %add3A_808 = arith.addf %get3A_779, %get3A_795 : vector<16xf32>
        %swap3A_809 = arith.index_cast %add3A_749 : i32 to index
        %swap3A_810 = arith.constant 48 : index
        %swap3A_811 = tpu.vector_load %arg11[%swap3A_809, %swap3A_810] {strides = array<i32>} : memref<128x128xf32, #tpu.memory_space<vmem>>, vector<16xf32>,
        tpu.vector_store %arg11[%swap3A_809, %swap3A_810], %add3A_808 {strides = array<i32>} : memref<128x128xf32, #tpu.memory_space<vmem>>, vector<16xf32>,
        %add3A_812 = arith.constant 11 : i32
        %add3A_813 = arith.addi %mul3A_103, %add3A_812 : i32
        %add3A_814 = arith.addi %rem3A_50, %add3A_813 : i32
        %ge3A_815 = arith.constant 200 : i32
        %ge3A_816 = arith.cmpi sge, %add3A_814, %ge3A_815 : i32
        %sub3A_817 = arith.constant 200 : i32
        %sub3A_818 = arith.subi %add3A_814, %sub3A_817 : i32
        %select_n3A_819 = arith.select %ge3A_816, %sub3A_818, %add3A_814 : i32
        %mul3A_820 = arith.constant 64 : i32
        %mul3A_821 = arith.muli %select_n3A_819, %mul3A_820 : i32
        %slice3A_822 = vector.extract_strided_slice %mul3A_112 {offsets = [11], sizes = [1], strides = [1]} : vector<16xi32> to vector<1xi32>
        %squeeze3A_823 = vector.extract %slice3A_822[0] : i32 from vector<1xi32>
        %add3A_824 = arith.constant 0 : i32
        %add3A_825 = arith.addi %squeeze3A_823, %add3A_824 : i32
        %get3A_826 = arith.index_cast %add3A_813 : i32 to index
        %get3A_827 = arith.index_cast %add3A_825 : i32 to index
        %get3A_828 = tpu.vector_load %arg9[%get3A_826, %get3A_827] {strides = array<i32>} : memref<128x128xf32, #tpu.memory_space<vmem>>, vector<16xf32>,
        %add3A_829 = arith.constant 16 : i32
        %add3A_830 = arith.addi %squeeze3A_823, %add3A_829 : i32
        %get3A_831 = arith.index_cast %add3A_813 : i32 to index
        %get3A_832 = arith.index_cast %add3A_830 : i32 to index
        %get3A_833 = tpu.vector_load %arg9[%get3A_831, %get3A_832] {strides = array<i32>} : memref<128x128xf32, #tpu.memory_space<vmem>>, vector<16xf32>,
        %add3A_834 = arith.constant 32 : i32
        %add3A_835 = arith.addi %squeeze3A_823, %add3A_834 : i32
        %get3A_836 = arith.index_cast %add3A_813 : i32 to index
        %get3A_837 = arith.index_cast %add3A_835 : i32 to index
        %get3A_838 = tpu.vector_load %arg9[%get3A_836, %get3A_837] {strides = array<i32>} : memref<128x128xf32, #tpu.memory_space<vmem>>, vector<16xf32>,
        %add3A_839 = arith.constant 48 : i32
        %add3A_840 = arith.addi %squeeze3A_823, %add3A_839 : i32
        %get3A_841 = arith.index_cast %add3A_813 : i32 to index
        %get3A_842 = arith.index_cast %add3A_840 : i32 to index
        %get3A_843 = tpu.vector_load %arg9[%get3A_841, %get3A_842] {strides = array<i32>} : memref<128x128xf32, #tpu.memory_space<vmem>>, vector<16xf32>,
        %add3A_844 = arith.constant 0 : i32
        %add3A_845 = arith.addi %mul3A_821, %add3A_844 : i32
        %get3A_846 = arith.index_cast %add3A_845 : i32 to index
        %get3A_847 = tpu.vector_load %arg8[%get3A_846] {strides = array<i32>} : memref<12800xf32, #tpu.memory_space<vmem>>, vector<16xf32>,
        %add3A_848 = arith.constant 16 : i32
        %add3A_849 = arith.addi %mul3A_821, %add3A_848 : i32
        %get3A_850 = arith.index_cast %add3A_849 : i32 to index
        %get3A_851 = tpu.vector_load %arg8[%get3A_850] {strides = array<i32>} : memref<12800xf32, #tpu.memory_space<vmem>>, vector<16xf32>,
        %add3A_852 = arith.constant 32 : i32
        %add3A_853 = arith.addi %mul3A_821, %add3A_852 : i32
        %get3A_854 = arith.index_cast %add3A_853 : i32 to index
        %get3A_855 = tpu.vector_load %arg8[%get3A_854] {strides = array<i32>} : memref<12800xf32, #tpu.memory_space<vmem>>, vector<16xf32>,
        %add3A_856 = arith.constant 48 : i32
        %add3A_857 = arith.addi %mul3A_821, %add3A_856 : i32
        %get3A_858 = arith.index_cast %add3A_857 : i32 to index
        %get3A_859 = tpu.vector_load %arg8[%get3A_858] {strides = array<i32>} : memref<12800xf32, #tpu.memory_space<vmem>>, vector<16xf32>,
        %add3A_860 = arith.addf %get3A_828, %get3A_847 : vector<16xf32>
        %swap3A_861 = arith.index_cast %add3A_813 : i32 to index
        %swap3A_862 = arith.constant 0 : index
        %swap3A_863 = tpu.vector_load %arg11[%swap3A_861, %swap3A_862] {strides = array<i32>} : memref<128x128xf32, #tpu.memory_space<vmem>>, vector<16xf32>,
        tpu.vector_store %arg11[%swap3A_861, %swap3A_862], %add3A_860 {strides = array<i32>} : memref<128x128xf32, #tpu.memory_space<vmem>>, vector<16xf32>,
        %add3A_864 = arith.addf %get3A_833, %get3A_851 : vector<16xf32>
        %swap3A_865 = arith.index_cast %add3A_813 : i32 to index
        %swap3A_866 = arith.constant 16 : index
        %swap3A_867 = tpu.vector_load %arg11[%swap3A_865, %swap3A_866] {strides = array<i32>} : memref<128x128xf32, #tpu.memory_space<vmem>>, vector<16xf32>,
        tpu.vector_store %arg11[%swap3A_865, %swap3A_866], %add3A_864 {strides = array<i32>} : memref<128x128xf32, #tpu.memory_space<vmem>>, vector<16xf32>,
        %add3A_868 = arith.addf %get3A_838, %get3A_855 : vector<16xf32>
        %swap3A_869 = arith.index_cast %add3A_813 : i32 to index
        %swap3A_870 = arith.constant 32 : index
        %swap3A_871 = tpu.vector_load %arg11[%swap3A_869, %swap3A_870] {strides = array<i32>} : memref<128x128xf32, #tpu.memory_space<vmem>>, vector<16xf32>,
        tpu.vector_store %arg11[%swap3A_869, %swap3A_870], %add3A_868 {strides = array<i32>} : memref<128x128xf32, #tpu.memory_space<vmem>>, vector<16xf32>,
        %add3A_872 = arith.addf %get3A_843, %get3A_859 : vector<16xf32>
        %swap3A_873 = arith.index_cast %add3A_813 : i32 to index
        %swap3A_874 = arith.constant 48 : index
        %swap3A_875 = tpu.vector_load %arg11[%swap3A_873, %swap3A_874] {strides = array<i32>} : memref<128x128xf32, #tpu.memory_space<vmem>>, vector<16xf32>,
        tpu.vector_store %arg11[%swap3A_873, %swap3A_874], %add3A_872 {strides = array<i32>} : memref<128x128xf32, #tpu.memory_space<vmem>>, vector<16xf32>,
        %add3A_876 = arith.constant 12 : i32
        %add3A_877 = arith.addi %mul3A_103, %add3A_876 : i32
        %add3A_878 = arith.addi %rem3A_50, %add3A_877 : i32
        %ge3A_879 = arith.constant 200 : i32
        %ge3A_880 = arith.cmpi sge, %add3A_878, %ge3A_879 : i32
        %sub3A_881 = arith.constant 200 : i32
        %sub3A_882 = arith.subi %add3A_878, %sub3A_881 : i32
        %select_n3A_883 = arith.select %ge3A_880, %sub3A_882, %add3A_878 : i32
        %mul3A_884 = arith.constant 64 : i32
        %mul3A_885 = arith.muli %select_n3A_883, %mul3A_884 : i32
        %slice3A_886 = vector.extract_strided_slice %mul3A_112 {offsets = [12], sizes = [1], strides = [1]} : vector<16xi32> to vector<1xi32>
        %squeeze3A_887 = vector.extract %slice3A_886[0] : i32 from vector<1xi32>
        %add3A_888 = arith.constant 0 : i32
        %add3A_889 = arith.addi %squeeze3A_887, %add3A_888 : i32
        %get3A_890 = arith.index_cast %add3A_877 : i32 to index
        %get3A_891 = arith.index_cast %add3A_889 : i32 to index
        %get3A_892 = tpu.vector_load %arg9[%get3A_890, %get3A_891] {strides = array<i32>} : memref<128x128xf32, #tpu.memory_space<vmem>>, vector<16xf32>,
        %add3A_893 = arith.constant 16 : i32
        %add3A_894 = arith.addi %squeeze3A_887, %add3A_893 : i32
        %get3A_895 = arith.index_cast %add3A_877 : i32 to index
        %get3A_896 = arith.index_cast %add3A_894 : i32 to index
        %get3A_897 = tpu.vector_load %arg9[%get3A_895, %get3A_896] {strides = array<i32>} : memref<128x128xf32, #tpu.memory_space<vmem>>, vector<16xf32>,
        %add3A_898 = arith.constant 32 : i32
        %add3A_899 = arith.addi %squeeze3A_887, %add3A_898 : i32
        %get3A_900 = arith.index_cast %add3A_877 : i32 to index
        %get3A_901 = arith.index_cast %add3A_899 : i32 to index
        %get3A_902 = tpu.vector_load %arg9[%get3A_900, %get3A_901] {strides = array<i32>} : memref<128x128xf32, #tpu.memory_space<vmem>>, vector<16xf32>,
        %add3A_903 = arith.constant 48 : i32
        %add3A_904 = arith.addi %squeeze3A_887, %add3A_903 : i32
        %get3A_905 = arith.index_cast %add3A_877 : i32 to index
        %get3A_906 = arith.index_cast %add3A_904 : i32 to index
        %get3A_907 = tpu.vector_load %arg9[%get3A_905, %get3A_906] {strides = array<i32>} : memref<128x128xf32, #tpu.memory_space<vmem>>, vector<16xf32>,
        %add3A_908 = arith.constant 0 : i32
        %add3A_909 = arith.addi %mul3A_885, %add3A_908 : i32
        %get3A_910 = arith.index_cast %add3A_909 : i32 to index
        %get3A_911 = tpu.vector_load %arg8[%get3A_910] {strides = array<i32>} : memref<12800xf32, #tpu.memory_space<vmem>>, vector<16xf32>,
        %add3A_912 = arith.constant 16 : i32
        %add3A_913 = arith.addi %mul3A_885, %add3A_912 : i32
        %get3A_914 = arith.index_cast %add3A_913 : i32 to index
        %get3A_915 = tpu.vector_load %arg8[%get3A_914] {strides = array<i32>} : memref<12800xf32, #tpu.memory_space<vmem>>, vector<16xf32>,
        %add3A_916 = arith.constant 32 : i32
        %add3A_917 = arith.addi %mul3A_885, %add3A_916 : i32
        %get3A_918 = arith.index_cast %add3A_917 : i32 to index
        %get3A_919 = tpu.vector_load %arg8[%get3A_918] {strides = array<i32>} : memref<12800xf32, #tpu.memory_space<vmem>>, vector<16xf32>,
        %add3A_920 = arith.constant 48 : i32
        %add3A_921 = arith.addi %mul3A_885, %add3A_920 : i32
        %get3A_922 = arith.index_cast %add3A_921 : i32 to index
        %get3A_923 = tpu.vector_load %arg8[%get3A_922] {strides = array<i32>} : memref<12800xf32, #tpu.memory_space<vmem>>, vector<16xf32>,
        %add3A_924 = arith.addf %get3A_892, %get3A_911 : vector<16xf32>
        %swap3A_925 = arith.index_cast %add3A_877 : i32 to index
        %swap3A_926 = arith.constant 0 : index
        %swap3A_927 = tpu.vector_load %arg11[%swap3A_925, %swap3A_926] {strides = array<i32>} : memref<128x128xf32, #tpu.memory_space<vmem>>, vector<16xf32>,
        tpu.vector_store %arg11[%swap3A_925, %swap3A_926], %add3A_924 {strides = array<i32>} : memref<128x128xf32, #tpu.memory_space<vmem>>, vector<16xf32>,
        %add3A_928 = arith.addf %get3A_897, %get3A_915 : vector<16xf32>
        %swap3A_929 = arith.index_cast %add3A_877 : i32 to index
        %swap3A_930 = arith.constant 16 : index
        %swap3A_931 = tpu.vector_load %arg11[%swap3A_929, %swap3A_930] {strides = array<i32>} : memref<128x128xf32, #tpu.memory_space<vmem>>, vector<16xf32>,
        tpu.vector_store %arg11[%swap3A_929, %swap3A_930], %add3A_928 {strides = array<i32>} : memref<128x128xf32, #tpu.memory_space<vmem>>, vector<16xf32>,
        %add3A_932 = arith.addf %get3A_902, %get3A_919 : vector<16xf32>
        %swap3A_933 = arith.index_cast %add3A_877 : i32 to index
        %swap3A_934 = arith.constant 32 : index
        %swap3A_935 = tpu.vector_load %arg11[%swap3A_933, %swap3A_934] {strides = array<i32>} : memref<128x128xf32, #tpu.memory_space<vmem>>, vector<16xf32>,
        tpu.vector_store %arg11[%swap3A_933, %swap3A_934], %add3A_932 {strides = array<i32>} : memref<128x128xf32, #tpu.memory_space<vmem>>, vector<16xf32>,
        %add3A_936 = arith.addf %get3A_907, %get3A_923 : vector<16xf32>
        %swap3A_937 = arith.index_cast %add3A_877 : i32 to index
        %swap3A_938 = arith.constant 48 : index
        %swap3A_939 = tpu.vector_load %arg11[%swap3A_937, %swap3A_938] {strides = array<i32>} : memref<128x128xf32, #tpu.memory_space<vmem>>, vector<16xf32>,
        tpu.vector_store %arg11[%swap3A_937, %swap3A_938], %add3A_936 {strides = array<i32>} : memref<128x128xf32, #tpu.memory_space<vmem>>, vector<16xf32>,
        %add3A_940 = arith.constant 13 : i32
        %add3A_941 = arith.addi %mul3A_103, %add3A_940 : i32
        %add3A_942 = arith.addi %rem3A_50, %add3A_941 : i32
        %ge3A_943 = arith.constant 200 : i32
        %ge3A_944 = arith.cmpi sge, %add3A_942, %ge3A_943 : i32
        %sub3A_945 = arith.constant 200 : i32
        %sub3A_946 = arith.subi %add3A_942, %sub3A_945 : i32
        %select_n3A_947 = arith.select %ge3A_944, %sub3A_946, %add3A_942 : i32
        %mul3A_948 = arith.constant 64 : i32
        %mul3A_949 = arith.muli %select_n3A_947, %mul3A_948 : i32
        %slice3A_950 = vector.extract_strided_slice %mul3A_112 {offsets = [13], sizes = [1], strides = [1]} : vector<16xi32> to vector<1xi32>
        %squeeze3A_951 = vector.extract %slice3A_950[0] : i32 from vector<1xi32>
        %add3A_952 = arith.constant 0 : i32
        %add3A_953 = arith.addi %squeeze3A_951, %add3A_952 : i32
        %get3A_954 = arith.index_cast %add3A_941 : i32 to index
        %get3A_955 = arith.index_cast %add3A_953 : i32 to index
        %get3A_956 = tpu.vector_load %arg9[%get3A_954, %get3A_955] {strides = array<i32>} : memref<128x128xf32, #tpu.memory_space<vmem>>, vector<16xf32>,
        %add3A_957 = arith.constant 16 : i32
        %add3A_958 = arith.addi %squeeze3A_951, %add3A_957 : i32
        %get3A_959 = arith.index_cast %add3A_941 : i32 to index
        %get3A_960 = arith.index_cast %add3A_958 : i32 to index
        %get3A_961 = tpu.vector_load %arg9[%get3A_959, %get3A_960] {strides = array<i32>} : memref<128x128xf32, #tpu.memory_space<vmem>>, vector<16xf32>,
        %add3A_962 = arith.constant 32 : i32
        %add3A_963 = arith.addi %squeeze3A_951, %add3A_962 : i32
        %get3A_964 = arith.index_cast %add3A_941 : i32 to index
        %get3A_965 = arith.index_cast %add3A_963 : i32 to index
        %get3A_966 = tpu.vector_load %arg9[%get3A_964, %get3A_965] {strides = array<i32>} : memref<128x128xf32, #tpu.memory_space<vmem>>, vector<16xf32>,
        %add3A_967 = arith.constant 48 : i32
        %add3A_968 = arith.addi %squeeze3A_951, %add3A_967 : i32
        %get3A_969 = arith.index_cast %add3A_941 : i32 to index
        %get3A_970 = arith.index_cast %add3A_968 : i32 to index
        %get3A_971 = tpu.vector_load %arg9[%get3A_969, %get3A_970] {strides = array<i32>} : memref<128x128xf32, #tpu.memory_space<vmem>>, vector<16xf32>,
        %add3A_972 = arith.constant 0 : i32
        %add3A_973 = arith.addi %mul3A_949, %add3A_972 : i32
        %get3A_974 = arith.index_cast %add3A_973 : i32 to index
        %get3A_975 = tpu.vector_load %arg8[%get3A_974] {strides = array<i32>} : memref<12800xf32, #tpu.memory_space<vmem>>, vector<16xf32>,
        %add3A_976 = arith.constant 16 : i32
        %add3A_977 = arith.addi %mul3A_949, %add3A_976 : i32
        %get3A_978 = arith.index_cast %add3A_977 : i32 to index
        %get3A_979 = tpu.vector_load %arg8[%get3A_978] {strides = array<i32>} : memref<12800xf32, #tpu.memory_space<vmem>>, vector<16xf32>,
        %add3A_980 = arith.constant 32 : i32
        %add3A_981 = arith.addi %mul3A_949, %add3A_980 : i32
        %get3A_982 = arith.index_cast %add3A_981 : i32 to index
        %get3A_983 = tpu.vector_load %arg8[%get3A_982] {strides = array<i32>} : memref<12800xf32, #tpu.memory_space<vmem>>, vector<16xf32>,
        %add3A_984 = arith.constant 48 : i32
        %add3A_985 = arith.addi %mul3A_949, %add3A_984 : i32
        %get3A_986 = arith.index_cast %add3A_985 : i32 to index
        %get3A_987 = tpu.vector_load %arg8[%get3A_986] {strides = array<i32>} : memref<12800xf32, #tpu.memory_space<vmem>>, vector<16xf32>,
        %add3A_988 = arith.addf %get3A_956, %get3A_975 : vector<16xf32>
        %swap3A_989 = arith.index_cast %add3A_941 : i32 to index
        %swap3A_990 = arith.constant 0 : index
        %swap3A_991 = tpu.vector_load %arg11[%swap3A_989, %swap3A_990] {strides = array<i32>} : memref<128x128xf32, #tpu.memory_space<vmem>>, vector<16xf32>,
        tpu.vector_store %arg11[%swap3A_989, %swap3A_990], %add3A_988 {strides = array<i32>} : memref<128x128xf32, #tpu.memory_space<vmem>>, vector<16xf32>,
        %add3A_992 = arith.addf %get3A_961, %get3A_979 : vector<16xf32>
        %swap3A_993 = arith.index_cast %add3A_941 : i32 to index
        %swap3A_994 = arith.constant 16 : index
        %swap3A_995 = tpu.vector_load %arg11[%swap3A_993, %swap3A_994] {strides = array<i32>} : memref<128x128xf32, #tpu.memory_space<vmem>>, vector<16xf32>,
        tpu.vector_store %arg11[%swap3A_993, %swap3A_994], %add3A_992 {strides = array<i32>} : memref<128x128xf32, #tpu.memory_space<vmem>>, vector<16xf32>,
        %add3A_996 = arith.addf %get3A_966, %get3A_983 : vector<16xf32>
        %swap3A_997 = arith.index_cast %add3A_941 : i32 to index
        %swap3A_998 = arith.constant 32 : index
        %swap3A_999 = tpu.vector_load %arg11[%swap3A_997, %swap3A_998] {strides = array<i32>} : memref<128x128xf32, #tpu.memory_space<vmem>>, vector<16xf32>,
        tpu.vector_store %arg11[%swap3A_997, %swap3A_998], %add3A_996 {strides = array<i32>} : memref<128x128xf32, #tpu.memory_space<vmem>>, vector<16xf32>,
        %add3A_1000 = arith.addf %get3A_971, %get3A_987 : vector<16xf32>
        %swap3A_1001 = arith.index_cast %add3A_941 : i32 to index
        %swap3A_1002 = arith.constant 48 : index
        %swap3A_1003 = tpu.vector_load %arg11[%swap3A_1001, %swap3A_1002] {strides = array<i32>} : memref<128x128xf32, #tpu.memory_space<vmem>>, vector<16xf32>,
        tpu.vector_store %arg11[%swap3A_1001, %swap3A_1002], %add3A_1000 {strides = array<i32>} : memref<128x128xf32, #tpu.memory_space<vmem>>, vector<16xf32>,
        %add3A_1004 = arith.constant 14 : i32
        %add3A_1005 = arith.addi %mul3A_103, %add3A_1004 : i32
        %add3A_1006 = arith.addi %rem3A_50, %add3A_1005 : i32
        %ge3A_1007 = arith.constant 200 : i32
        %ge3A_1008 = arith.cmpi sge, %add3A_1006, %ge3A_1007 : i32
        %sub3A_1009 = arith.constant 200 : i32
        %sub3A_1010 = arith.subi %add3A_1006, %sub3A_1009 : i32
        %select_n3A_1011 = arith.select %ge3A_1008, %sub3A_1010, %add3A_1006 : i32
        %mul3A_1012 = arith.constant 64 : i32
        %mul3A_1013 = arith.muli %select_n3A_1011, %mul3A_1012 : i32
        %slice3A_1014 = vector.extract_strided_slice %mul3A_112 {offsets = [14], sizes = [1], strides = [1]} : vector<16xi32> to vector<1xi32>
        %squeeze3A_1015 = vector.extract %slice3A_1014[0] : i32 from vector<1xi32>
        %add3A_1016 = arith.constant 0 : i32
        %add3A_1017 = arith.addi %squeeze3A_1015, %add3A_1016 : i32
        %get3A_1018 = arith.index_cast %add3A_1005 : i32 to index
        %get3A_1019 = arith.index_cast %add3A_1017 : i32 to index
        %get3A_1020 = tpu.vector_load %arg9[%get3A_1018, %get3A_1019] {strides = array<i32>} : memref<128x128xf32, #tpu.memory_space<vmem>>, vector<16xf32>,
        %add3A_1021 = arith.constant 16 : i32
        %add3A_1022 = arith.addi %squeeze3A_1015, %add3A_1021 : i32
        %get3A_1023 = arith.index_cast %add3A_1005 : i32 to index
        %get3A_1024 = arith.index_cast %add3A_1022 : i32 to index
        %get3A_1025 = tpu.vector_load %arg9[%get3A_1023, %get3A_1024] {strides = array<i32>} : memref<128x128xf32, #tpu.memory_space<vmem>>, vector<16xf32>,
        %add3A_1026 = arith.constant 32 : i32
        %add3A_1027 = arith.addi %squeeze3A_1015, %add3A_1026 : i32
        %get3A_1028 = arith.index_cast %add3A_1005 : i32 to index
        %get3A_1029 = arith.index_cast %add3A_1027 : i32 to index
        %get3A_1030 = tpu.vector_load %arg9[%get3A_1028, %get3A_1029] {strides = array<i32>} : memref<128x128xf32, #tpu.memory_space<vmem>>, vector<16xf32>,
        %add3A_1031 = arith.constant 48 : i32
        %add3A_1032 = arith.addi %squeeze3A_1015, %add3A_1031 : i32
        %get3A_1033 = arith.index_cast %add3A_1005 : i32 to index
        %get3A_1034 = arith.index_cast %add3A_1032 : i32 to index
        %get3A_1035 = tpu.vector_load %arg9[%get3A_1033, %get3A_1034] {strides = array<i32>} : memref<128x128xf32, #tpu.memory_space<vmem>>, vector<16xf32>,
        %add3A_1036 = arith.constant 0 : i32
        %add3A_1037 = arith.addi %mul3A_1013, %add3A_1036 : i32
        %get3A_1038 = arith.index_cast %add3A_1037 : i32 to index
        %get3A_1039 = tpu.vector_load %arg8[%get3A_1038] {strides = array<i32>} : memref<12800xf32, #tpu.memory_space<vmem>>, vector<16xf32>,
        %add3A_1040 = arith.constant 16 : i32
        %add3A_1041 = arith.addi %mul3A_1013, %add3A_1040 : i32
        %get3A_1042 = arith.index_cast %add3A_1041 : i32 to index
        %get3A_1043 = tpu.vector_load %arg8[%get3A_1042] {strides = array<i32>} : memref<12800xf32, #tpu.memory_space<vmem>>, vector<16xf32>,
        %add3A_1044 = arith.constant 32 : i32
        %add3A_1045 = arith.addi %mul3A_1013, %add3A_1044 : i32
        %get3A_1046 = arith.index_cast %add3A_1045 : i32 to index
        %get3A_1047 = tpu.vector_load %arg8[%get3A_1046] {strides = array<i32>} : memref<12800xf32, #tpu.memory_space<vmem>>, vector<16xf32>,
        %add3A_1048 = arith.constant 48 : i32
        %add3A_1049 = arith.addi %mul3A_1013, %add3A_1048 : i32
        %get3A_1050 = arith.index_cast %add3A_1049 : i32 to index
        %get3A_1051 = tpu.vector_load %arg8[%get3A_1050] {strides = array<i32>} : memref<12800xf32, #tpu.memory_space<vmem>>, vector<16xf32>,
        %add3A_1052 = arith.addf %get3A_1020, %get3A_1039 : vector<16xf32>
        %swap3A_1053 = arith.index_cast %add3A_1005 : i32 to index
        %swap3A_1054 = arith.constant 0 : index
        %swap3A_1055 = tpu.vector_load %arg11[%swap3A_1053, %swap3A_1054] {strides = array<i32>} : memref<128x128xf32, #tpu.memory_space<vmem>>, vector<16xf32>,
        tpu.vector_store %arg11[%swap3A_1053, %swap3A_1054], %add3A_1052 {strides = array<i32>} : memref<128x128xf32, #tpu.memory_space<vmem>>, vector<16xf32>,
        %add3A_1056 = arith.addf %get3A_1025, %get3A_1043 : vector<16xf32>
        %swap3A_1057 = arith.index_cast %add3A_1005 : i32 to index
        %swap3A_1058 = arith.constant 16 : index
        %swap3A_1059 = tpu.vector_load %arg11[%swap3A_1057, %swap3A_1058] {strides = array<i32>} : memref<128x128xf32, #tpu.memory_space<vmem>>, vector<16xf32>,
        tpu.vector_store %arg11[%swap3A_1057, %swap3A_1058], %add3A_1056 {strides = array<i32>} : memref<128x128xf32, #tpu.memory_space<vmem>>, vector<16xf32>,
        %add3A_1060 = arith.addf %get3A_1030, %get3A_1047 : vector<16xf32>
        %swap3A_1061 = arith.index_cast %add3A_1005 : i32 to index
        %swap3A_1062 = arith.constant 32 : index
        %swap3A_1063 = tpu.vector_load %arg11[%swap3A_1061, %swap3A_1062] {strides = array<i32>} : memref<128x128xf32, #tpu.memory_space<vmem>>, vector<16xf32>,
        tpu.vector_store %arg11[%swap3A_1061, %swap3A_1062], %add3A_1060 {strides = array<i32>} : memref<128x128xf32, #tpu.memory_space<vmem>>, vector<16xf32>,
        %add3A_1064 = arith.addf %get3A_1035, %get3A_1051 : vector<16xf32>
        %swap3A_1065 = arith.index_cast %add3A_1005 : i32 to index
        %swap3A_1066 = arith.constant 48 : index
        %swap3A_1067 = tpu.vector_load %arg11[%swap3A_1065, %swap3A_1066] {strides = array<i32>} : memref<128x128xf32, #tpu.memory_space<vmem>>, vector<16xf32>,
        tpu.vector_store %arg11[%swap3A_1065, %swap3A_1066], %add3A_1064 {strides = array<i32>} : memref<128x128xf32, #tpu.memory_space<vmem>>, vector<16xf32>,
        %add3A_1068 = arith.constant 15 : i32
        %add3A_1069 = arith.addi %mul3A_103, %add3A_1068 : i32
        %add3A_1070 = arith.addi %rem3A_50, %add3A_1069 : i32
        %ge3A_1071 = arith.constant 200 : i32
        %ge3A_1072 = arith.cmpi sge, %add3A_1070, %ge3A_1071 : i32
        %sub3A_1073 = arith.constant 200 : i32
        %sub3A_1074 = arith.subi %add3A_1070, %sub3A_1073 : i32
        %select_n3A_1075 = arith.select %ge3A_1072, %sub3A_1074, %add3A_1070 : i32
        %mul3A_1076 = arith.constant 64 : i32
        %mul3A_1077 = arith.muli %select_n3A_1075, %mul3A_1076 : i32
        %slice3A_1078 = vector.extract_strided_slice %mul3A_112 {offsets = [15], sizes = [1], strides = [1]} : vector<16xi32> to vector<1xi32>
        %squeeze3A_1079 = vector.extract %slice3A_1078[0] : i32 from vector<1xi32>
        %add3A_1080 = arith.constant 0 : i32
        %add3A_1081 = arith.addi %squeeze3A_1079, %add3A_1080 : i32
        %get3A_1082 = arith.index_cast %add3A_1069 : i32 to index
        %get3A_1083 = arith.index_cast %add3A_1081 : i32 to index
        %get3A_1084 = tpu.vector_load %arg9[%get3A_1082, %get3A_1083] {strides = array<i32>} : memref<128x128xf32, #tpu.memory_space<vmem>>, vector<16xf32>,
        %add3A_1085 = arith.constant 16 : i32
        %add3A_1086 = arith.addi %squeeze3A_1079, %add3A_1085 : i32
        %get3A_1087 = arith.index_cast %add3A_1069 : i32 to index
        %get3A_1088 = arith.index_cast %add3A_1086 : i32 to index
        %get3A_1089 = tpu.vector_load %arg9[%get3A_1087, %get3A_1088] {strides = array<i32>} : memref<128x128xf32, #tpu.memory_space<vmem>>, vector<16xf32>,
        %add3A_1090 = arith.constant 32 : i32
        %add3A_1091 = arith.addi %squeeze3A_1079, %add3A_1090 : i32
        %get3A_1092 = arith.index_cast %add3A_1069 : i32 to index
        %get3A_1093 = arith.index_cast %add3A_1091 : i32 to index
        %get3A_1094 = tpu.vector_load %arg9[%get3A_1092, %get3A_1093] {strides = array<i32>} : memref<128x128xf32, #tpu.memory_space<vmem>>, vector<16xf32>,
        %add3A_1095 = arith.constant 48 : i32
        %add3A_1096 = arith.addi %squeeze3A_1079, %add3A_1095 : i32
        %get3A_1097 = arith.index_cast %add3A_1069 : i32 to index
        %get3A_1098 = arith.index_cast %add3A_1096 : i32 to index
        %get3A_1099 = tpu.vector_load %arg9[%get3A_1097, %get3A_1098] {strides = array<i32>} : memref<128x128xf32, #tpu.memory_space<vmem>>, vector<16xf32>,
        %add3A_1100 = arith.constant 0 : i32
        %add3A_1101 = arith.addi %mul3A_1077, %add3A_1100 : i32
        %get3A_1102 = arith.index_cast %add3A_1101 : i32 to index
        %get3A_1103 = tpu.vector_load %arg8[%get3A_1102] {strides = array<i32>} : memref<12800xf32, #tpu.memory_space<vmem>>, vector<16xf32>,
        %add3A_1104 = arith.constant 16 : i32
        %add3A_1105 = arith.addi %mul3A_1077, %add3A_1104 : i32
        %get3A_1106 = arith.index_cast %add3A_1105 : i32 to index
        %get3A_1107 = tpu.vector_load %arg8[%get3A_1106] {strides = array<i32>} : memref<12800xf32, #tpu.memory_space<vmem>>, vector<16xf32>,
        %add3A_1108 = arith.constant 32 : i32
        %add3A_1109 = arith.addi %mul3A_1077, %add3A_1108 : i32
        %get3A_1110 = arith.index_cast %add3A_1109 : i32 to index
        %get3A_1111 = tpu.vector_load %arg8[%get3A_1110] {strides = array<i32>} : memref<12800xf32, #tpu.memory_space<vmem>>, vector<16xf32>,
        %add3A_1112 = arith.constant 48 : i32
        %add3A_1113 = arith.addi %mul3A_1077, %add3A_1112 : i32
        %get3A_1114 = arith.index_cast %add3A_1113 : i32 to index
        %get3A_1115 = tpu.vector_load %arg8[%get3A_1114] {strides = array<i32>} : memref<12800xf32, #tpu.memory_space<vmem>>, vector<16xf32>,
        %add3A_1116 = arith.addf %get3A_1084, %get3A_1103 : vector<16xf32>
        %swap3A_1117 = arith.index_cast %add3A_1069 : i32 to index
        %swap3A_1118 = arith.constant 0 : index
        %swap3A_1119 = tpu.vector_load %arg11[%swap3A_1117, %swap3A_1118] {strides = array<i32>} : memref<128x128xf32, #tpu.memory_space<vmem>>, vector<16xf32>,
        tpu.vector_store %arg11[%swap3A_1117, %swap3A_1118], %add3A_1116 {strides = array<i32>} : memref<128x128xf32, #tpu.memory_space<vmem>>, vector<16xf32>,
        %add3A_1120 = arith.addf %get3A_1089, %get3A_1107 : vector<16xf32>
        %swap3A_1121 = arith.index_cast %add3A_1069 : i32 to index
        %swap3A_1122 = arith.constant 16 : index
        %swap3A_1123 = tpu.vector_load %arg11[%swap3A_1121, %swap3A_1122] {strides = array<i32>} : memref<128x128xf32, #tpu.memory_space<vmem>>, vector<16xf32>,
        tpu.vector_store %arg11[%swap3A_1121, %swap3A_1122], %add3A_1120 {strides = array<i32>} : memref<128x128xf32, #tpu.memory_space<vmem>>, vector<16xf32>,
        %add3A_1124 = arith.addf %get3A_1094, %get3A_1111 : vector<16xf32>
        %swap3A_1125 = arith.index_cast %add3A_1069 : i32 to index
        %swap3A_1126 = arith.constant 32 : index
        %swap3A_1127 = tpu.vector_load %arg11[%swap3A_1125, %swap3A_1126] {strides = array<i32>} : memref<128x128xf32, #tpu.memory_space<vmem>>, vector<16xf32>,
        tpu.vector_store %arg11[%swap3A_1125, %swap3A_1126], %add3A_1124 {strides = array<i32>} : memref<128x128xf32, #tpu.memory_space<vmem>>, vector<16xf32>,
        %add3A_1128 = arith.addf %get3A_1099, %get3A_1115 : vector<16xf32>
        %swap3A_1129 = arith.index_cast %add3A_1069 : i32 to index
        %swap3A_1130 = arith.constant 48 : index
        %swap3A_1131 = tpu.vector_load %arg11[%swap3A_1129, %swap3A_1130] {strides = array<i32>} : memref<128x128xf32, #tpu.memory_space<vmem>>, vector<16xf32>,
        tpu.vector_store %arg11[%swap3A_1129, %swap3A_1130], %add3A_1128 {strides = array<i32>} : memref<128x128xf32, #tpu.memory_space<vmem>>, vector<16xf32>,
      }
      %scan3A_56 = arith.constant 8 : i32
      %mul3A_57 = arith.constant 128 : i32
      %mul3A_58 = arith.muli %add3A_35, %mul3A_57 : i32
      %add3A_59 = arith.addi %mul3A_13, %mul3A_58 : i32
      %dma_start3A_60 = arith.constant 0 : i32
      %dma_start3A_61 = tpu.memref_slice %arg5[%add3A_59, %dma_start3A_60] : memref<204800x128xf32, #tpu.memory_space<hbm>> -> memref<128x128xf32, #tpu.memory_space<hbm>>
      %dma_start3A_62 = arith.constant 0 : i32
      %dma_start3A_63 = tpu.memref_slice %arg5[%add3A_59, %dma_start3A_62] : memref<204800x128xf32, #tpu.memory_space<hbm>> -> memref<128x128xf32, #tpu.memory_space<hbm>>
      tpu.enqueue_dma source(%arg11 : memref<128x128xf32, #tpu.memory_space<vmem>>) target(%dma_start3A_63 : memref<128x128xf32, #tpu.memory_space<hbm>>) target_semaphore(%arg15 : memref<!tpu.dma_semaphore, #tpu.memory_space<semaphore_mem>>)
      %mul3A_64 = arith.constant 2 : i32
      %mul3A_65 = arith.muli %mul3A_64, %scan3A_31 : i32
      %add3A_66 = arith.constant 1 : i32
      %add3A_67 = arith.addi %mul3A_65, %add3A_66 : i32
      %mul3A_68 = arith.constant 128 : i32
      %mul3A_69 = arith.muli %add3A_67, %mul3A_68 : i32
      %dma_wait3A_70 = tpu.memref_slice %arg7[%mul3A_69] : memref<6400xi32, #tpu.memory_space<vmem>> -> memref<128xi32, #tpu.memory_space<vmem>>
      %dma_wait3A_71 = arith.constant 0 : i32
      %dma_wait3A_72 = arith.constant 0 : i32
      %dma_wait3A_73 = tpu.memref_slice %arg3[%dma_wait3A_71, %dma_wait3A_72] : memref<500000x128xf32, #tpu.memory_space<hbm>> -> memref<500000x128xf32, #tpu.memory_space<hbm>>
      tpu.wait_indirect_dma semaphore(%arg14 : memref<!tpu.dma_semaphore, #tpu.memory_space<semaphore_mem>>) src(%dma_wait3A_73 : memref<500000x128xf32, #tpu.memory_space<hbm>>) dst(%arg10 : memref<128x128xf32, #tpu.memory_space<vmem>>)
      %lt3A_74 = arith.constant 49 : i32
      %lt3A_75 = arith.cmpi slt, %add3A_67, %lt3A_74 : i32
      %convert_element_type3A_76 = arith.extui %lt3A_75 : i1 to i32
      %cond3A_77 = arith.constant 0 : i32
      %cond3A_78 = arith.cmpi ne, %convert_element_type3A_76, %cond3A_77 : i32
      scf.if %cond3A_78 {
        %add3A_101 = arith.constant 1 : i32
        %add3A_102 = arith.addi %add3A_67, %add3A_101 : i32
        %mul3A_103 = arith.constant 128 : i32
        %mul3A_104 = arith.muli %add3A_102, %mul3A_103 : i32
        %dma_start3A_105 = tpu.memref_slice %arg7[%mul3A_104] : memref<6400xi32, #tpu.memory_space<vmem>> -> memref<128xi32, #tpu.memory_space<vmem>>
        %dma_start3A_106 = arith.constant 0 : i32
        %dma_start3A_107 = arith.constant 0 : i32
        %dma_start3A_108 = tpu.memref_slice %arg3[%dma_start3A_106, %dma_start3A_107] : memref<500000x128xf32, #tpu.memory_space<hbm>> -> memref<500000x128xf32, #tpu.memory_space<hbm>>
        tpu.enqueue_indirect_dma source(%dma_start3A_108 : memref<500000x128xf32, #tpu.memory_space<hbm>>) target(%arg9 : memref<128x128xf32, #tpu.memory_space<vmem>>) offsets(%dma_start3A_105 : memref<128xi32, #tpu.memory_space<vmem>>) semaphore(%arg13 : memref<!tpu.dma_semaphore, #tpu.memory_space<semaphore_mem>>)
      } else {
      }
      %ge3A_79 = arith.constant 2 : i32
      %ge3A_80 = arith.cmpi sge, %add3A_67, %ge3A_79 : i32
      %convert_element_type3A_81 = arith.extui %ge3A_80 : i1 to i32
      %cond3A_82 = arith.constant 0 : i32
      %cond3A_83 = arith.cmpi ne, %convert_element_type3A_81, %cond3A_82 : i32
      scf.if %cond3A_83 {
        %sub3A = arith.constant 2 : i32
        %sub3A_101 = arith.subi %add3A_67, %sub3A : i32
        %mul3A_102 = arith.constant 128 : i32
        %mul3A_103 = arith.muli %sub3A_101, %mul3A_102 : i32
        %add3A_104 = arith.addi %mul3A_13, %mul3A_103 : i32
        %dma_wait3A_105 = arith.constant 0 : i32
        %dma_wait3A_106 = tpu.memref_slice %arg5[%add3A_104, %dma_wait3A_105] : memref<204800x128xf32, #tpu.memory_space<hbm>> -> memref<128x128xf32, #tpu.memory_space<hbm>>
        %dma_wait3A_107 = arith.constant 0 : i32
        %dma_wait3A_108 = tpu.memref_slice %arg5[%add3A_104, %dma_wait3A_107] : memref<204800x128xf32, #tpu.memory_space<hbm>> -> memref<128x128xf32, #tpu.memory_space<hbm>>
        tpu.wait_dma2 semaphore(%arg16 : memref<!tpu.dma_semaphore, #tpu.memory_space<semaphore_mem>>) src(%arg12 : memref<128x128xf32, #tpu.memory_space<vmem>>) dst(%dma_wait3A_108 : memref<128x128xf32, #tpu.memory_space<hbm>>)
      } else {
      }
      %mul3A_84 = arith.constant 128 : i32
      %mul3A_85 = arith.muli %add3A_67, %mul3A_84 : i32
      %rem3A_86 = arith.constant 200 : i32
      %rem3A_87 = arith.remsi %mul3A_85, %rem3A_86 : i32
      %scan3A_88 = arith.constant 0 : i32
      %scan3A_89 = arith.constant 0 : i32
      %scan3A_90 = arith.constant 8 : i32
      %scan3A_91 = arith.addi %scan3A_89, %scan3A_90 : i32
      %scan3A_92 = arith.constant 1 : i32
      scf.for %scan3A_101 = %scan3A_89 to %scan3A_91 step %scan3A_92  : i32 {
        %mul3A_102 = arith.constant 16 : i32
        %mul3A_103 = arith.muli %scan3A_101, %mul3A_102 : i32
        %mul3A_104 = arith.constant 128 : i32
        %mul3A_105 = arith.muli %add3A_67, %mul3A_104 : i32
        %add3A_106 = arith.addi %mul3A_105, %mul3A_103 : i32
        %get3A = arith.index_cast %add3A_106 : i32 to index
        %get3A_107 = tpu.vector_load %arg6[%get3A] {strides = array<i32>} : memref<6416xi32, #tpu.memory_space<vmem>>, vector<16xi32>,
        %and3A = arith.constant 1 : i32
        %and3A_108 = vector.broadcast %and3A : i32 to vector<16xi32>
        %and3A_109 = arith.andi %get3A_107, %and3A_108 : vector<16xi32>
        %mul3A_110 = arith.constant 64 : i32
        %mul3A_111 = vector.broadcast %mul3A_110 : i32 to vector<16xi32>
        %mul3A_112 = arith.muli %and3A_109, %mul3A_111 : vector<16xi32>
        %add3A_113 = arith.constant 0 : i32
        %add3A_114 = arith.addi %mul3A_103, %add3A_113 : i32
        %add3A_115 = arith.addi %rem3A_87, %add3A_114 : i32
        %ge3A_116 = arith.constant 200 : i32
        %ge3A_117 = arith.cmpi sge, %add3A_115, %ge3A_116 : i32
        %sub3A = arith.constant 200 : i32
        %sub3A_118 = arith.subi %add3A_115, %sub3A : i32
        %select_n3A = arith.select %ge3A_117, %sub3A_118, %add3A_115 : i32
        %mul3A_119 = arith.constant 64 : i32
        %mul3A_120 = arith.muli %select_n3A, %mul3A_119 : i32
        %slice3A = vector.extract_strided_slice %mul3A_112 {offsets = [0], sizes = [1], strides = [1]} : vector<16xi32> to vector<1xi32>
        %squeeze3A = vector.extract %slice3A[0] : i32 from vector<1xi32>
        %add3A_121 = arith.constant 0 : i32
        %add3A_122 = arith.addi %squeeze3A, %add3A_121 : i32
        %get3A_123 = arith.index_cast %add3A_114 : i32 to index
        %get3A_124 = arith.index_cast %add3A_122 : i32 to index
        %get3A_125 = tpu.vector_load %arg10[%get3A_123, %get3A_124] {strides = array<i32>} : memref<128x128xf32, #tpu.memory_space<vmem>>, vector<16xf32>,
        %add3A_126 = arith.constant 16 : i32
        %add3A_127 = arith.addi %squeeze3A, %add3A_126 : i32
        %get3A_128 = arith.index_cast %add3A_114 : i32 to index
        %get3A_129 = arith.index_cast %add3A_127 : i32 to index
        %get3A_130 = tpu.vector_load %arg10[%get3A_128, %get3A_129] {strides = array<i32>} : memref<128x128xf32, #tpu.memory_space<vmem>>, vector<16xf32>,
        %add3A_131 = arith.constant 32 : i32
        %add3A_132 = arith.addi %squeeze3A, %add3A_131 : i32
        %get3A_133 = arith.index_cast %add3A_114 : i32 to index
        %get3A_134 = arith.index_cast %add3A_132 : i32 to index
        %get3A_135 = tpu.vector_load %arg10[%get3A_133, %get3A_134] {strides = array<i32>} : memref<128x128xf32, #tpu.memory_space<vmem>>, vector<16xf32>,
        %add3A_136 = arith.constant 48 : i32
        %add3A_137 = arith.addi %squeeze3A, %add3A_136 : i32
        %get3A_138 = arith.index_cast %add3A_114 : i32 to index
        %get3A_139 = arith.index_cast %add3A_137 : i32 to index
        %get3A_140 = tpu.vector_load %arg10[%get3A_138, %get3A_139] {strides = array<i32>} : memref<128x128xf32, #tpu.memory_space<vmem>>, vector<16xf32>,
        %add3A_141 = arith.constant 0 : i32
        %add3A_142 = arith.addi %mul3A_120, %add3A_141 : i32
        %get3A_143 = arith.index_cast %add3A_142 : i32 to index
        %get3A_144 = tpu.vector_load %arg8[%get3A_143] {strides = array<i32>} : memref<12800xf32, #tpu.memory_space<vmem>>, vector<16xf32>,
        %add3A_145 = arith.constant 16 : i32
        %add3A_146 = arith.addi %mul3A_120, %add3A_145 : i32
        %get3A_147 = arith.index_cast %add3A_146 : i32 to index
        %get3A_148 = tpu.vector_load %arg8[%get3A_147] {strides = array<i32>} : memref<12800xf32, #tpu.memory_space<vmem>>, vector<16xf32>,
        %add3A_149 = arith.constant 32 : i32
        %add3A_150 = arith.addi %mul3A_120, %add3A_149 : i32
        %get3A_151 = arith.index_cast %add3A_150 : i32 to index
        %get3A_152 = tpu.vector_load %arg8[%get3A_151] {strides = array<i32>} : memref<12800xf32, #tpu.memory_space<vmem>>, vector<16xf32>,
        %add3A_153 = arith.constant 48 : i32
        %add3A_154 = arith.addi %mul3A_120, %add3A_153 : i32
        %get3A_155 = arith.index_cast %add3A_154 : i32 to index
        %get3A_156 = tpu.vector_load %arg8[%get3A_155] {strides = array<i32>} : memref<12800xf32, #tpu.memory_space<vmem>>, vector<16xf32>,
        %add3A_157 = arith.addf %get3A_125, %get3A_144 : vector<16xf32>
        %swap3A = arith.index_cast %add3A_114 : i32 to index
        %swap3A_158 = arith.constant 0 : index
        %swap3A_159 = tpu.vector_load %arg12[%swap3A, %swap3A_158] {strides = array<i32>} : memref<128x128xf32, #tpu.memory_space<vmem>>, vector<16xf32>,
        tpu.vector_store %arg12[%swap3A, %swap3A_158], %add3A_157 {strides = array<i32>} : memref<128x128xf32, #tpu.memory_space<vmem>>, vector<16xf32>,
        %add3A_160 = arith.addf %get3A_130, %get3A_148 : vector<16xf32>
        %swap3A_161 = arith.index_cast %add3A_114 : i32 to index
        %swap3A_162 = arith.constant 16 : index
        %swap3A_163 = tpu.vector_load %arg12[%swap3A_161, %swap3A_162] {strides = array<i32>} : memref<128x128xf32, #tpu.memory_space<vmem>>, vector<16xf32>,
        tpu.vector_store %arg12[%swap3A_161, %swap3A_162], %add3A_160 {strides = array<i32>} : memref<128x128xf32, #tpu.memory_space<vmem>>, vector<16xf32>,
        %add3A_164 = arith.addf %get3A_135, %get3A_152 : vector<16xf32>
        %swap3A_165 = arith.index_cast %add3A_114 : i32 to index
        %swap3A_166 = arith.constant 32 : index
        %swap3A_167 = tpu.vector_load %arg12[%swap3A_165, %swap3A_166] {strides = array<i32>} : memref<128x128xf32, #tpu.memory_space<vmem>>, vector<16xf32>,
        tpu.vector_store %arg12[%swap3A_165, %swap3A_166], %add3A_164 {strides = array<i32>} : memref<128x128xf32, #tpu.memory_space<vmem>>, vector<16xf32>,
        %add3A_168 = arith.addf %get3A_140, %get3A_156 : vector<16xf32>
        %swap3A_169 = arith.index_cast %add3A_114 : i32 to index
        %swap3A_170 = arith.constant 48 : index
        %swap3A_171 = tpu.vector_load %arg12[%swap3A_169, %swap3A_170] {strides = array<i32>} : memref<128x128xf32, #tpu.memory_space<vmem>>, vector<16xf32>,
        tpu.vector_store %arg12[%swap3A_169, %swap3A_170], %add3A_168 {strides = array<i32>} : memref<128x128xf32, #tpu.memory_space<vmem>>, vector<16xf32>,
        %add3A_172 = arith.constant 1 : i32
        %add3A_173 = arith.addi %mul3A_103, %add3A_172 : i32
        %add3A_174 = arith.addi %rem3A_87, %add3A_173 : i32
        %ge3A_175 = arith.constant 200 : i32
        %ge3A_176 = arith.cmpi sge, %add3A_174, %ge3A_175 : i32
        %sub3A_177 = arith.constant 200 : i32
        %sub3A_178 = arith.subi %add3A_174, %sub3A_177 : i32
        %select_n3A_179 = arith.select %ge3A_176, %sub3A_178, %add3A_174 : i32
        %mul3A_180 = arith.constant 64 : i32
        %mul3A_181 = arith.muli %select_n3A_179, %mul3A_180 : i32
        %slice3A_182 = vector.extract_strided_slice %mul3A_112 {offsets = [1], sizes = [1], strides = [1]} : vector<16xi32> to vector<1xi32>
        %squeeze3A_183 = vector.extract %slice3A_182[0] : i32 from vector<1xi32>
        %add3A_184 = arith.constant 0 : i32
        %add3A_185 = arith.addi %squeeze3A_183, %add3A_184 : i32
        %get3A_186 = arith.index_cast %add3A_173 : i32 to index
        %get3A_187 = arith.index_cast %add3A_185 : i32 to index
        %get3A_188 = tpu.vector_load %arg10[%get3A_186, %get3A_187] {strides = array<i32>} : memref<128x128xf32, #tpu.memory_space<vmem>>, vector<16xf32>,
        %add3A_189 = arith.constant 16 : i32
        %add3A_190 = arith.addi %squeeze3A_183, %add3A_189 : i32
        %get3A_191 = arith.index_cast %add3A_173 : i32 to index
        %get3A_192 = arith.index_cast %add3A_190 : i32 to index
        %get3A_193 = tpu.vector_load %arg10[%get3A_191, %get3A_192] {strides = array<i32>} : memref<128x128xf32, #tpu.memory_space<vmem>>, vector<16xf32>,
        %add3A_194 = arith.constant 32 : i32
        %add3A_195 = arith.addi %squeeze3A_183, %add3A_194 : i32
        %get3A_196 = arith.index_cast %add3A_173 : i32 to index
        %get3A_197 = arith.index_cast %add3A_195 : i32 to index
        %get3A_198 = tpu.vector_load %arg10[%get3A_196, %get3A_197] {strides = array<i32>} : memref<128x128xf32, #tpu.memory_space<vmem>>, vector<16xf32>,
        %add3A_199 = arith.constant 48 : i32
        %add3A_200 = arith.addi %squeeze3A_183, %add3A_199 : i32
        %get3A_201 = arith.index_cast %add3A_173 : i32 to index
        %get3A_202 = arith.index_cast %add3A_200 : i32 to index
        %get3A_203 = tpu.vector_load %arg10[%get3A_201, %get3A_202] {strides = array<i32>} : memref<128x128xf32, #tpu.memory_space<vmem>>, vector<16xf32>,
        %add3A_204 = arith.constant 0 : i32
        %add3A_205 = arith.addi %mul3A_181, %add3A_204 : i32
        %get3A_206 = arith.index_cast %add3A_205 : i32 to index
        %get3A_207 = tpu.vector_load %arg8[%get3A_206] {strides = array<i32>} : memref<12800xf32, #tpu.memory_space<vmem>>, vector<16xf32>,
        %add3A_208 = arith.constant 16 : i32
        %add3A_209 = arith.addi %mul3A_181, %add3A_208 : i32
        %get3A_210 = arith.index_cast %add3A_209 : i32 to index
        %get3A_211 = tpu.vector_load %arg8[%get3A_210] {strides = array<i32>} : memref<12800xf32, #tpu.memory_space<vmem>>, vector<16xf32>,
        %add3A_212 = arith.constant 32 : i32
        %add3A_213 = arith.addi %mul3A_181, %add3A_212 : i32
        %get3A_214 = arith.index_cast %add3A_213 : i32 to index
        %get3A_215 = tpu.vector_load %arg8[%get3A_214] {strides = array<i32>} : memref<12800xf32, #tpu.memory_space<vmem>>, vector<16xf32>,
        %add3A_216 = arith.constant 48 : i32
        %add3A_217 = arith.addi %mul3A_181, %add3A_216 : i32
        %get3A_218 = arith.index_cast %add3A_217 : i32 to index
        %get3A_219 = tpu.vector_load %arg8[%get3A_218] {strides = array<i32>} : memref<12800xf32, #tpu.memory_space<vmem>>, vector<16xf32>,
        %add3A_220 = arith.addf %get3A_188, %get3A_207 : vector<16xf32>
        %swap3A_221 = arith.index_cast %add3A_173 : i32 to index
        %swap3A_222 = arith.constant 0 : index
        %swap3A_223 = tpu.vector_load %arg12[%swap3A_221, %swap3A_222] {strides = array<i32>} : memref<128x128xf32, #tpu.memory_space<vmem>>, vector<16xf32>,
        tpu.vector_store %arg12[%swap3A_221, %swap3A_222], %add3A_220 {strides = array<i32>} : memref<128x128xf32, #tpu.memory_space<vmem>>, vector<16xf32>,
        %add3A_224 = arith.addf %get3A_193, %get3A_211 : vector<16xf32>
        %swap3A_225 = arith.index_cast %add3A_173 : i32 to index
        %swap3A_226 = arith.constant 16 : index
        %swap3A_227 = tpu.vector_load %arg12[%swap3A_225, %swap3A_226] {strides = array<i32>} : memref<128x128xf32, #tpu.memory_space<vmem>>, vector<16xf32>,
        tpu.vector_store %arg12[%swap3A_225, %swap3A_226], %add3A_224 {strides = array<i32>} : memref<128x128xf32, #tpu.memory_space<vmem>>, vector<16xf32>,
        %add3A_228 = arith.addf %get3A_198, %get3A_215 : vector<16xf32>
        %swap3A_229 = arith.index_cast %add3A_173 : i32 to index
        %swap3A_230 = arith.constant 32 : index
        %swap3A_231 = tpu.vector_load %arg12[%swap3A_229, %swap3A_230] {strides = array<i32>} : memref<128x128xf32, #tpu.memory_space<vmem>>, vector<16xf32>,
        tpu.vector_store %arg12[%swap3A_229, %swap3A_230], %add3A_228 {strides = array<i32>} : memref<128x128xf32, #tpu.memory_space<vmem>>, vector<16xf32>,
        %add3A_232 = arith.addf %get3A_203, %get3A_219 : vector<16xf32>
        %swap3A_233 = arith.index_cast %add3A_173 : i32 to index
        %swap3A_234 = arith.constant 48 : index
        %swap3A_235 = tpu.vector_load %arg12[%swap3A_233, %swap3A_234] {strides = array<i32>} : memref<128x128xf32, #tpu.memory_space<vmem>>, vector<16xf32>,
        tpu.vector_store %arg12[%swap3A_233, %swap3A_234], %add3A_232 {strides = array<i32>} : memref<128x128xf32, #tpu.memory_space<vmem>>, vector<16xf32>,
        %add3A_236 = arith.constant 2 : i32
        %add3A_237 = arith.addi %mul3A_103, %add3A_236 : i32
        %add3A_238 = arith.addi %rem3A_87, %add3A_237 : i32
        %ge3A_239 = arith.constant 200 : i32
        %ge3A_240 = arith.cmpi sge, %add3A_238, %ge3A_239 : i32
        %sub3A_241 = arith.constant 200 : i32
        %sub3A_242 = arith.subi %add3A_238, %sub3A_241 : i32
        %select_n3A_243 = arith.select %ge3A_240, %sub3A_242, %add3A_238 : i32
        %mul3A_244 = arith.constant 64 : i32
        %mul3A_245 = arith.muli %select_n3A_243, %mul3A_244 : i32
        %slice3A_246 = vector.extract_strided_slice %mul3A_112 {offsets = [2], sizes = [1], strides = [1]} : vector<16xi32> to vector<1xi32>
        %squeeze3A_247 = vector.extract %slice3A_246[0] : i32 from vector<1xi32>
        %add3A_248 = arith.constant 0 : i32
        %add3A_249 = arith.addi %squeeze3A_247, %add3A_248 : i32
        %get3A_250 = arith.index_cast %add3A_237 : i32 to index
        %get3A_251 = arith.index_cast %add3A_249 : i32 to index
        %get3A_252 = tpu.vector_load %arg10[%get3A_250, %get3A_251] {strides = array<i32>} : memref<128x128xf32, #tpu.memory_space<vmem>>, vector<16xf32>,
        %add3A_253 = arith.constant 16 : i32
        %add3A_254 = arith.addi %squeeze3A_247, %add3A_253 : i32
        %get3A_255 = arith.index_cast %add3A_237 : i32 to index
        %get3A_256 = arith.index_cast %add3A_254 : i32 to index
        %get3A_257 = tpu.vector_load %arg10[%get3A_255, %get3A_256] {strides = array<i32>} : memref<128x128xf32, #tpu.memory_space<vmem>>, vector<16xf32>,
        %add3A_258 = arith.constant 32 : i32
        %add3A_259 = arith.addi %squeeze3A_247, %add3A_258 : i32
        %get3A_260 = arith.index_cast %add3A_237 : i32 to index
        %get3A_261 = arith.index_cast %add3A_259 : i32 to index
        %get3A_262 = tpu.vector_load %arg10[%get3A_260, %get3A_261] {strides = array<i32>} : memref<128x128xf32, #tpu.memory_space<vmem>>, vector<16xf32>,
        %add3A_263 = arith.constant 48 : i32
        %add3A_264 = arith.addi %squeeze3A_247, %add3A_263 : i32
        %get3A_265 = arith.index_cast %add3A_237 : i32 to index
        %get3A_266 = arith.index_cast %add3A_264 : i32 to index
        %get3A_267 = tpu.vector_load %arg10[%get3A_265, %get3A_266] {strides = array<i32>} : memref<128x128xf32, #tpu.memory_space<vmem>>, vector<16xf32>,
        %add3A_268 = arith.constant 0 : i32
        %add3A_269 = arith.addi %mul3A_245, %add3A_268 : i32
        %get3A_270 = arith.index_cast %add3A_269 : i32 to index
        %get3A_271 = tpu.vector_load %arg8[%get3A_270] {strides = array<i32>} : memref<12800xf32, #tpu.memory_space<vmem>>, vector<16xf32>,
        %add3A_272 = arith.constant 16 : i32
        %add3A_273 = arith.addi %mul3A_245, %add3A_272 : i32
        %get3A_274 = arith.index_cast %add3A_273 : i32 to index
        %get3A_275 = tpu.vector_load %arg8[%get3A_274] {strides = array<i32>} : memref<12800xf32, #tpu.memory_space<vmem>>, vector<16xf32>,
        %add3A_276 = arith.constant 32 : i32
        %add3A_277 = arith.addi %mul3A_245, %add3A_276 : i32
        %get3A_278 = arith.index_cast %add3A_277 : i32 to index
        %get3A_279 = tpu.vector_load %arg8[%get3A_278] {strides = array<i32>} : memref<12800xf32, #tpu.memory_space<vmem>>, vector<16xf32>,
        %add3A_280 = arith.constant 48 : i32
        %add3A_281 = arith.addi %mul3A_245, %add3A_280 : i32
        %get3A_282 = arith.index_cast %add3A_281 : i32 to index
        %get3A_283 = tpu.vector_load %arg8[%get3A_282] {strides = array<i32>} : memref<12800xf32, #tpu.memory_space<vmem>>, vector<16xf32>,
        %add3A_284 = arith.addf %get3A_252, %get3A_271 : vector<16xf32>
        %swap3A_285 = arith.index_cast %add3A_237 : i32 to index
        %swap3A_286 = arith.constant 0 : index
        %swap3A_287 = tpu.vector_load %arg12[%swap3A_285, %swap3A_286] {strides = array<i32>} : memref<128x128xf32, #tpu.memory_space<vmem>>, vector<16xf32>,
        tpu.vector_store %arg12[%swap3A_285, %swap3A_286], %add3A_284 {strides = array<i32>} : memref<128x128xf32, #tpu.memory_space<vmem>>, vector<16xf32>,
        %add3A_288 = arith.addf %get3A_257, %get3A_275 : vector<16xf32>
        %swap3A_289 = arith.index_cast %add3A_237 : i32 to index
        %swap3A_290 = arith.constant 16 : index
        %swap3A_291 = tpu.vector_load %arg12[%swap3A_289, %swap3A_290] {strides = array<i32>} : memref<128x128xf32, #tpu.memory_space<vmem>>, vector<16xf32>,
        tpu.vector_store %arg12[%swap3A_289, %swap3A_290], %add3A_288 {strides = array<i32>} : memref<128x128xf32, #tpu.memory_space<vmem>>, vector<16xf32>,
        %add3A_292 = arith.addf %get3A_262, %get3A_279 : vector<16xf32>
        %swap3A_293 = arith.index_cast %add3A_237 : i32 to index
        %swap3A_294 = arith.constant 32 : index
        %swap3A_295 = tpu.vector_load %arg12[%swap3A_293, %swap3A_294] {strides = array<i32>} : memref<128x128xf32, #tpu.memory_space<vmem>>, vector<16xf32>,
        tpu.vector_store %arg12[%swap3A_293, %swap3A_294], %add3A_292 {strides = array<i32>} : memref<128x128xf32, #tpu.memory_space<vmem>>, vector<16xf32>,
        %add3A_296 = arith.addf %get3A_267, %get3A_283 : vector<16xf32>
        %swap3A_297 = arith.index_cast %add3A_237 : i32 to index
        %swap3A_298 = arith.constant 48 : index
        %swap3A_299 = tpu.vector_load %arg12[%swap3A_297, %swap3A_298] {strides = array<i32>} : memref<128x128xf32, #tpu.memory_space<vmem>>, vector<16xf32>,
        tpu.vector_store %arg12[%swap3A_297, %swap3A_298], %add3A_296 {strides = array<i32>} : memref<128x128xf32, #tpu.memory_space<vmem>>, vector<16xf32>,
        %add3A_300 = arith.constant 3 : i32
        %add3A_301 = arith.addi %mul3A_103, %add3A_300 : i32
        %add3A_302 = arith.addi %rem3A_87, %add3A_301 : i32
        %ge3A_303 = arith.constant 200 : i32
        %ge3A_304 = arith.cmpi sge, %add3A_302, %ge3A_303 : i32
        %sub3A_305 = arith.constant 200 : i32
        %sub3A_306 = arith.subi %add3A_302, %sub3A_305 : i32
        %select_n3A_307 = arith.select %ge3A_304, %sub3A_306, %add3A_302 : i32
        %mul3A_308 = arith.constant 64 : i32
        %mul3A_309 = arith.muli %select_n3A_307, %mul3A_308 : i32
        %slice3A_310 = vector.extract_strided_slice %mul3A_112 {offsets = [3], sizes = [1], strides = [1]} : vector<16xi32> to vector<1xi32>
        %squeeze3A_311 = vector.extract %slice3A_310[0] : i32 from vector<1xi32>
        %add3A_312 = arith.constant 0 : i32
        %add3A_313 = arith.addi %squeeze3A_311, %add3A_312 : i32
        %get3A_314 = arith.index_cast %add3A_301 : i32 to index
        %get3A_315 = arith.index_cast %add3A_313 : i32 to index
        %get3A_316 = tpu.vector_load %arg10[%get3A_314, %get3A_315] {strides = array<i32>} : memref<128x128xf32, #tpu.memory_space<vmem>>, vector<16xf32>,
        %add3A_317 = arith.constant 16 : i32
        %add3A_318 = arith.addi %squeeze3A_311, %add3A_317 : i32
        %get3A_319 = arith.index_cast %add3A_301 : i32 to index
        %get3A_320 = arith.index_cast %add3A_318 : i32 to index
        %get3A_321 = tpu.vector_load %arg10[%get3A_319, %get3A_320] {strides = array<i32>} : memref<128x128xf32, #tpu.memory_space<vmem>>, vector<16xf32>,
        %add3A_322 = arith.constant 32 : i32
        %add3A_323 = arith.addi %squeeze3A_311, %add3A_322 : i32
        %get3A_324 = arith.index_cast %add3A_301 : i32 to index
        %get3A_325 = arith.index_cast %add3A_323 : i32 to index
        %get3A_326 = tpu.vector_load %arg10[%get3A_324, %get3A_325] {strides = array<i32>} : memref<128x128xf32, #tpu.memory_space<vmem>>, vector<16xf32>,
        %add3A_327 = arith.constant 48 : i32
        %add3A_328 = arith.addi %squeeze3A_311, %add3A_327 : i32
        %get3A_329 = arith.index_cast %add3A_301 : i32 to index
        %get3A_330 = arith.index_cast %add3A_328 : i32 to index
        %get3A_331 = tpu.vector_load %arg10[%get3A_329, %get3A_330] {strides = array<i32>} : memref<128x128xf32, #tpu.memory_space<vmem>>, vector<16xf32>,
        %add3A_332 = arith.constant 0 : i32
        %add3A_333 = arith.addi %mul3A_309, %add3A_332 : i32
        %get3A_334 = arith.index_cast %add3A_333 : i32 to index
        %get3A_335 = tpu.vector_load %arg8[%get3A_334] {strides = array<i32>} : memref<12800xf32, #tpu.memory_space<vmem>>, vector<16xf32>,
        %add3A_336 = arith.constant 16 : i32
        %add3A_337 = arith.addi %mul3A_309, %add3A_336 : i32
        %get3A_338 = arith.index_cast %add3A_337 : i32 to index
        %get3A_339 = tpu.vector_load %arg8[%get3A_338] {strides = array<i32>} : memref<12800xf32, #tpu.memory_space<vmem>>, vector<16xf32>,
        %add3A_340 = arith.constant 32 : i32
        %add3A_341 = arith.addi %mul3A_309, %add3A_340 : i32
        %get3A_342 = arith.index_cast %add3A_341 : i32 to index
        %get3A_343 = tpu.vector_load %arg8[%get3A_342] {strides = array<i32>} : memref<12800xf32, #tpu.memory_space<vmem>>, vector<16xf32>,
        %add3A_344 = arith.constant 48 : i32
        %add3A_345 = arith.addi %mul3A_309, %add3A_344 : i32
        %get3A_346 = arith.index_cast %add3A_345 : i32 to index
        %get3A_347 = tpu.vector_load %arg8[%get3A_346] {strides = array<i32>} : memref<12800xf32, #tpu.memory_space<vmem>>, vector<16xf32>,
        %add3A_348 = arith.addf %get3A_316, %get3A_335 : vector<16xf32>
        %swap3A_349 = arith.index_cast %add3A_301 : i32 to index
        %swap3A_350 = arith.constant 0 : index
        %swap3A_351 = tpu.vector_load %arg12[%swap3A_349, %swap3A_350] {strides = array<i32>} : memref<128x128xf32, #tpu.memory_space<vmem>>, vector<16xf32>,
        tpu.vector_store %arg12[%swap3A_349, %swap3A_350], %add3A_348 {strides = array<i32>} : memref<128x128xf32, #tpu.memory_space<vmem>>, vector<16xf32>,
        %add3A_352 = arith.addf %get3A_321, %get3A_339 : vector<16xf32>
        %swap3A_353 = arith.index_cast %add3A_301 : i32 to index
        %swap3A_354 = arith.constant 16 : index
        %swap3A_355 = tpu.vector_load %arg12[%swap3A_353, %swap3A_354] {strides = array<i32>} : memref<128x128xf32, #tpu.memory_space<vmem>>, vector<16xf32>,
        tpu.vector_store %arg12[%swap3A_353, %swap3A_354], %add3A_352 {strides = array<i32>} : memref<128x128xf32, #tpu.memory_space<vmem>>, vector<16xf32>,
        %add3A_356 = arith.addf %get3A_326, %get3A_343 : vector<16xf32>
        %swap3A_357 = arith.index_cast %add3A_301 : i32 to index
        %swap3A_358 = arith.constant 32 : index
        %swap3A_359 = tpu.vector_load %arg12[%swap3A_357, %swap3A_358] {strides = array<i32>} : memref<128x128xf32, #tpu.memory_space<vmem>>, vector<16xf32>,
        tpu.vector_store %arg12[%swap3A_357, %swap3A_358], %add3A_356 {strides = array<i32>} : memref<128x128xf32, #tpu.memory_space<vmem>>, vector<16xf32>,
        %add3A_360 = arith.addf %get3A_331, %get3A_347 : vector<16xf32>
        %swap3A_361 = arith.index_cast %add3A_301 : i32 to index
        %swap3A_362 = arith.constant 48 : index
        %swap3A_363 = tpu.vector_load %arg12[%swap3A_361, %swap3A_362] {strides = array<i32>} : memref<128x128xf32, #tpu.memory_space<vmem>>, vector<16xf32>,
        tpu.vector_store %arg12[%swap3A_361, %swap3A_362], %add3A_360 {strides = array<i32>} : memref<128x128xf32, #tpu.memory_space<vmem>>, vector<16xf32>,
        %add3A_364 = arith.constant 4 : i32
        %add3A_365 = arith.addi %mul3A_103, %add3A_364 : i32
        %add3A_366 = arith.addi %rem3A_87, %add3A_365 : i32
        %ge3A_367 = arith.constant 200 : i32
        %ge3A_368 = arith.cmpi sge, %add3A_366, %ge3A_367 : i32
        %sub3A_369 = arith.constant 200 : i32
        %sub3A_370 = arith.subi %add3A_366, %sub3A_369 : i32
        %select_n3A_371 = arith.select %ge3A_368, %sub3A_370, %add3A_366 : i32
        %mul3A_372 = arith.constant 64 : i32
        %mul3A_373 = arith.muli %select_n3A_371, %mul3A_372 : i32
        %slice3A_374 = vector.extract_strided_slice %mul3A_112 {offsets = [4], sizes = [1], strides = [1]} : vector<16xi32> to vector<1xi32>
        %squeeze3A_375 = vector.extract %slice3A_374[0] : i32 from vector<1xi32>
        %add3A_376 = arith.constant 0 : i32
        %add3A_377 = arith.addi %squeeze3A_375, %add3A_376 : i32
        %get3A_378 = arith.index_cast %add3A_365 : i32 to index
        %get3A_379 = arith.index_cast %add3A_377 : i32 to index
        %get3A_380 = tpu.vector_load %arg10[%get3A_378, %get3A_379] {strides = array<i32>} : memref<128x128xf32, #tpu.memory_space<vmem>>, vector<16xf32>,
        %add3A_381 = arith.constant 16 : i32
        %add3A_382 = arith.addi %squeeze3A_375, %add3A_381 : i32
        %get3A_383 = arith.index_cast %add3A_365 : i32 to index
        %get3A_384 = arith.index_cast %add3A_382 : i32 to index
        %get3A_385 = tpu.vector_load %arg10[%get3A_383, %get3A_384] {strides = array<i32>} : memref<128x128xf32, #tpu.memory_space<vmem>>, vector<16xf32>,
        %add3A_386 = arith.constant 32 : i32
        %add3A_387 = arith.addi %squeeze3A_375, %add3A_386 : i32
        %get3A_388 = arith.index_cast %add3A_365 : i32 to index
        %get3A_389 = arith.index_cast %add3A_387 : i32 to index
        %get3A_390 = tpu.vector_load %arg10[%get3A_388, %get3A_389] {strides = array<i32>} : memref<128x128xf32, #tpu.memory_space<vmem>>, vector<16xf32>,
        %add3A_391 = arith.constant 48 : i32
        %add3A_392 = arith.addi %squeeze3A_375, %add3A_391 : i32
        %get3A_393 = arith.index_cast %add3A_365 : i32 to index
        %get3A_394 = arith.index_cast %add3A_392 : i32 to index
        %get3A_395 = tpu.vector_load %arg10[%get3A_393, %get3A_394] {strides = array<i32>} : memref<128x128xf32, #tpu.memory_space<vmem>>, vector<16xf32>,
        %add3A_396 = arith.constant 0 : i32
        %add3A_397 = arith.addi %mul3A_373, %add3A_396 : i32
        %get3A_398 = arith.index_cast %add3A_397 : i32 to index
        %get3A_399 = tpu.vector_load %arg8[%get3A_398] {strides = array<i32>} : memref<12800xf32, #tpu.memory_space<vmem>>, vector<16xf32>,
        %add3A_400 = arith.constant 16 : i32
        %add3A_401 = arith.addi %mul3A_373, %add3A_400 : i32
        %get3A_402 = arith.index_cast %add3A_401 : i32 to index
        %get3A_403 = tpu.vector_load %arg8[%get3A_402] {strides = array<i32>} : memref<12800xf32, #tpu.memory_space<vmem>>, vector<16xf32>,
        %add3A_404 = arith.constant 32 : i32
        %add3A_405 = arith.addi %mul3A_373, %add3A_404 : i32
        %get3A_406 = arith.index_cast %add3A_405 : i32 to index
        %get3A_407 = tpu.vector_load %arg8[%get3A_406] {strides = array<i32>} : memref<12800xf32, #tpu.memory_space<vmem>>, vector<16xf32>,
        %add3A_408 = arith.constant 48 : i32
        %add3A_409 = arith.addi %mul3A_373, %add3A_408 : i32
        %get3A_410 = arith.index_cast %add3A_409 : i32 to index
        %get3A_411 = tpu.vector_load %arg8[%get3A_410] {strides = array<i32>} : memref<12800xf32, #tpu.memory_space<vmem>>, vector<16xf32>,
        %add3A_412 = arith.addf %get3A_380, %get3A_399 : vector<16xf32>
        %swap3A_413 = arith.index_cast %add3A_365 : i32 to index
        %swap3A_414 = arith.constant 0 : index
        %swap3A_415 = tpu.vector_load %arg12[%swap3A_413, %swap3A_414] {strides = array<i32>} : memref<128x128xf32, #tpu.memory_space<vmem>>, vector<16xf32>,
        tpu.vector_store %arg12[%swap3A_413, %swap3A_414], %add3A_412 {strides = array<i32>} : memref<128x128xf32, #tpu.memory_space<vmem>>, vector<16xf32>,
        %add3A_416 = arith.addf %get3A_385, %get3A_403 : vector<16xf32>
        %swap3A_417 = arith.index_cast %add3A_365 : i32 to index
        %swap3A_418 = arith.constant 16 : index
        %swap3A_419 = tpu.vector_load %arg12[%swap3A_417, %swap3A_418] {strides = array<i32>} : memref<128x128xf32, #tpu.memory_space<vmem>>, vector<16xf32>,
        tpu.vector_store %arg12[%swap3A_417, %swap3A_418], %add3A_416 {strides = array<i32>} : memref<128x128xf32, #tpu.memory_space<vmem>>, vector<16xf32>,
        %add3A_420 = arith.addf %get3A_390, %get3A_407 : vector<16xf32>
        %swap3A_421 = arith.index_cast %add3A_365 : i32 to index
        %swap3A_422 = arith.constant 32 : index
        %swap3A_423 = tpu.vector_load %arg12[%swap3A_421, %swap3A_422] {strides = array<i32>} : memref<128x128xf32, #tpu.memory_space<vmem>>, vector<16xf32>,
        tpu.vector_store %arg12[%swap3A_421, %swap3A_422], %add3A_420 {strides = array<i32>} : memref<128x128xf32, #tpu.memory_space<vmem>>, vector<16xf32>,
        %add3A_424 = arith.addf %get3A_395, %get3A_411 : vector<16xf32>
        %swap3A_425 = arith.index_cast %add3A_365 : i32 to index
        %swap3A_426 = arith.constant 48 : index
        %swap3A_427 = tpu.vector_load %arg12[%swap3A_425, %swap3A_426] {strides = array<i32>} : memref<128x128xf32, #tpu.memory_space<vmem>>, vector<16xf32>,
        tpu.vector_store %arg12[%swap3A_425, %swap3A_426], %add3A_424 {strides = array<i32>} : memref<128x128xf32, #tpu.memory_space<vmem>>, vector<16xf32>,
        %add3A_428 = arith.constant 5 : i32
        %add3A_429 = arith.addi %mul3A_103, %add3A_428 : i32
        %add3A_430 = arith.addi %rem3A_87, %add3A_429 : i32
        %ge3A_431 = arith.constant 200 : i32
        %ge3A_432 = arith.cmpi sge, %add3A_430, %ge3A_431 : i32
        %sub3A_433 = arith.constant 200 : i32
        %sub3A_434 = arith.subi %add3A_430, %sub3A_433 : i32
        %select_n3A_435 = arith.select %ge3A_432, %sub3A_434, %add3A_430 : i32
        %mul3A_436 = arith.constant 64 : i32
        %mul3A_437 = arith.muli %select_n3A_435, %mul3A_436 : i32
        %slice3A_438 = vector.extract_strided_slice %mul3A_112 {offsets = [5], sizes = [1], strides = [1]} : vector<16xi32> to vector<1xi32>
        %squeeze3A_439 = vector.extract %slice3A_438[0] : i32 from vector<1xi32>
        %add3A_440 = arith.constant 0 : i32
        %add3A_441 = arith.addi %squeeze3A_439, %add3A_440 : i32
        %get3A_442 = arith.index_cast %add3A_429 : i32 to index
        %get3A_443 = arith.index_cast %add3A_441 : i32 to index
        %get3A_444 = tpu.vector_load %arg10[%get3A_442, %get3A_443] {strides = array<i32>} : memref<128x128xf32, #tpu.memory_space<vmem>>, vector<16xf32>,
        %add3A_445 = arith.constant 16 : i32
        %add3A_446 = arith.addi %squeeze3A_439, %add3A_445 : i32
        %get3A_447 = arith.index_cast %add3A_429 : i32 to index
        %get3A_448 = arith.index_cast %add3A_446 : i32 to index
        %get3A_449 = tpu.vector_load %arg10[%get3A_447, %get3A_448] {strides = array<i32>} : memref<128x128xf32, #tpu.memory_space<vmem>>, vector<16xf32>,
        %add3A_450 = arith.constant 32 : i32
        %add3A_451 = arith.addi %squeeze3A_439, %add3A_450 : i32
        %get3A_452 = arith.index_cast %add3A_429 : i32 to index
        %get3A_453 = arith.index_cast %add3A_451 : i32 to index
        %get3A_454 = tpu.vector_load %arg10[%get3A_452, %get3A_453] {strides = array<i32>} : memref<128x128xf32, #tpu.memory_space<vmem>>, vector<16xf32>,
        %add3A_455 = arith.constant 48 : i32
        %add3A_456 = arith.addi %squeeze3A_439, %add3A_455 : i32
        %get3A_457 = arith.index_cast %add3A_429 : i32 to index
        %get3A_458 = arith.index_cast %add3A_456 : i32 to index
        %get3A_459 = tpu.vector_load %arg10[%get3A_457, %get3A_458] {strides = array<i32>} : memref<128x128xf32, #tpu.memory_space<vmem>>, vector<16xf32>,
        %add3A_460 = arith.constant 0 : i32
        %add3A_461 = arith.addi %mul3A_437, %add3A_460 : i32
        %get3A_462 = arith.index_cast %add3A_461 : i32 to index
        %get3A_463 = tpu.vector_load %arg8[%get3A_462] {strides = array<i32>} : memref<12800xf32, #tpu.memory_space<vmem>>, vector<16xf32>,
        %add3A_464 = arith.constant 16 : i32
        %add3A_465 = arith.addi %mul3A_437, %add3A_464 : i32
        %get3A_466 = arith.index_cast %add3A_465 : i32 to index
        %get3A_467 = tpu.vector_load %arg8[%get3A_466] {strides = array<i32>} : memref<12800xf32, #tpu.memory_space<vmem>>, vector<16xf32>,
        %add3A_468 = arith.constant 32 : i32
        %add3A_469 = arith.addi %mul3A_437, %add3A_468 : i32
        %get3A_470 = arith.index_cast %add3A_469 : i32 to index
        %get3A_471 = tpu.vector_load %arg8[%get3A_470] {strides = array<i32>} : memref<12800xf32, #tpu.memory_space<vmem>>, vector<16xf32>,
        %add3A_472 = arith.constant 48 : i32
        %add3A_473 = arith.addi %mul3A_437, %add3A_472 : i32
        %get3A_474 = arith.index_cast %add3A_473 : i32 to index
        %get3A_475 = tpu.vector_load %arg8[%get3A_474] {strides = array<i32>} : memref<12800xf32, #tpu.memory_space<vmem>>, vector<16xf32>,
        %add3A_476 = arith.addf %get3A_444, %get3A_463 : vector<16xf32>
        %swap3A_477 = arith.index_cast %add3A_429 : i32 to index
        %swap3A_478 = arith.constant 0 : index
        %swap3A_479 = tpu.vector_load %arg12[%swap3A_477, %swap3A_478] {strides = array<i32>} : memref<128x128xf32, #tpu.memory_space<vmem>>, vector<16xf32>,
        tpu.vector_store %arg12[%swap3A_477, %swap3A_478], %add3A_476 {strides = array<i32>} : memref<128x128xf32, #tpu.memory_space<vmem>>, vector<16xf32>,
        %add3A_480 = arith.addf %get3A_449, %get3A_467 : vector<16xf32>
        %swap3A_481 = arith.index_cast %add3A_429 : i32 to index
        %swap3A_482 = arith.constant 16 : index
        %swap3A_483 = tpu.vector_load %arg12[%swap3A_481, %swap3A_482] {strides = array<i32>} : memref<128x128xf32, #tpu.memory_space<vmem>>, vector<16xf32>,
        tpu.vector_store %arg12[%swap3A_481, %swap3A_482], %add3A_480 {strides = array<i32>} : memref<128x128xf32, #tpu.memory_space<vmem>>, vector<16xf32>,
        %add3A_484 = arith.addf %get3A_454, %get3A_471 : vector<16xf32>
        %swap3A_485 = arith.index_cast %add3A_429 : i32 to index
        %swap3A_486 = arith.constant 32 : index
        %swap3A_487 = tpu.vector_load %arg12[%swap3A_485, %swap3A_486] {strides = array<i32>} : memref<128x128xf32, #tpu.memory_space<vmem>>, vector<16xf32>,
        tpu.vector_store %arg12[%swap3A_485, %swap3A_486], %add3A_484 {strides = array<i32>} : memref<128x128xf32, #tpu.memory_space<vmem>>, vector<16xf32>,
        %add3A_488 = arith.addf %get3A_459, %get3A_475 : vector<16xf32>
        %swap3A_489 = arith.index_cast %add3A_429 : i32 to index
        %swap3A_490 = arith.constant 48 : index
        %swap3A_491 = tpu.vector_load %arg12[%swap3A_489, %swap3A_490] {strides = array<i32>} : memref<128x128xf32, #tpu.memory_space<vmem>>, vector<16xf32>,
        tpu.vector_store %arg12[%swap3A_489, %swap3A_490], %add3A_488 {strides = array<i32>} : memref<128x128xf32, #tpu.memory_space<vmem>>, vector<16xf32>,
        %add3A_492 = arith.constant 6 : i32
        %add3A_493 = arith.addi %mul3A_103, %add3A_492 : i32
        %add3A_494 = arith.addi %rem3A_87, %add3A_493 : i32
        %ge3A_495 = arith.constant 200 : i32
        %ge3A_496 = arith.cmpi sge, %add3A_494, %ge3A_495 : i32
        %sub3A_497 = arith.constant 200 : i32
        %sub3A_498 = arith.subi %add3A_494, %sub3A_497 : i32
        %select_n3A_499 = arith.select %ge3A_496, %sub3A_498, %add3A_494 : i32
        %mul3A_500 = arith.constant 64 : i32
        %mul3A_501 = arith.muli %select_n3A_499, %mul3A_500 : i32
        %slice3A_502 = vector.extract_strided_slice %mul3A_112 {offsets = [6], sizes = [1], strides = [1]} : vector<16xi32> to vector<1xi32>
        %squeeze3A_503 = vector.extract %slice3A_502[0] : i32 from vector<1xi32>
        %add3A_504 = arith.constant 0 : i32
        %add3A_505 = arith.addi %squeeze3A_503, %add3A_504 : i32
        %get3A_506 = arith.index_cast %add3A_493 : i32 to index
        %get3A_507 = arith.index_cast %add3A_505 : i32 to index
        %get3A_508 = tpu.vector_load %arg10[%get3A_506, %get3A_507] {strides = array<i32>} : memref<128x128xf32, #tpu.memory_space<vmem>>, vector<16xf32>,
        %add3A_509 = arith.constant 16 : i32
        %add3A_510 = arith.addi %squeeze3A_503, %add3A_509 : i32
        %get3A_511 = arith.index_cast %add3A_493 : i32 to index
        %get3A_512 = arith.index_cast %add3A_510 : i32 to index
        %get3A_513 = tpu.vector_load %arg10[%get3A_511, %get3A_512] {strides = array<i32>} : memref<128x128xf32, #tpu.memory_space<vmem>>, vector<16xf32>,
        %add3A_514 = arith.constant 32 : i32
        %add3A_515 = arith.addi %squeeze3A_503, %add3A_514 : i32
        %get3A_516 = arith.index_cast %add3A_493 : i32 to index
        %get3A_517 = arith.index_cast %add3A_515 : i32 to index
        %get3A_518 = tpu.vector_load %arg10[%get3A_516, %get3A_517] {strides = array<i32>} : memref<128x128xf32, #tpu.memory_space<vmem>>, vector<16xf32>,
        %add3A_519 = arith.constant 48 : i32
        %add3A_520 = arith.addi %squeeze3A_503, %add3A_519 : i32
        %get3A_521 = arith.index_cast %add3A_493 : i32 to index
        %get3A_522 = arith.index_cast %add3A_520 : i32 to index
        %get3A_523 = tpu.vector_load %arg10[%get3A_521, %get3A_522] {strides = array<i32>} : memref<128x128xf32, #tpu.memory_space<vmem>>, vector<16xf32>,
        %add3A_524 = arith.constant 0 : i32
        %add3A_525 = arith.addi %mul3A_501, %add3A_524 : i32
        %get3A_526 = arith.index_cast %add3A_525 : i32 to index
        %get3A_527 = tpu.vector_load %arg8[%get3A_526] {strides = array<i32>} : memref<12800xf32, #tpu.memory_space<vmem>>, vector<16xf32>,
        %add3A_528 = arith.constant 16 : i32
        %add3A_529 = arith.addi %mul3A_501, %add3A_528 : i32
        %get3A_530 = arith.index_cast %add3A_529 : i32 to index
        %get3A_531 = tpu.vector_load %arg8[%get3A_530] {strides = array<i32>} : memref<12800xf32, #tpu.memory_space<vmem>>, vector<16xf32>,
        %add3A_532 = arith.constant 32 : i32
        %add3A_533 = arith.addi %mul3A_501, %add3A_532 : i32
        %get3A_534 = arith.index_cast %add3A_533 : i32 to index
        %get3A_535 = tpu.vector_load %arg8[%get3A_534] {strides = array<i32>} : memref<12800xf32, #tpu.memory_space<vmem>>, vector<16xf32>,
        %add3A_536 = arith.constant 48 : i32
        %add3A_537 = arith.addi %mul3A_501, %add3A_536 : i32
        %get3A_538 = arith.index_cast %add3A_537 : i32 to index
        %get3A_539 = tpu.vector_load %arg8[%get3A_538] {strides = array<i32>} : memref<12800xf32, #tpu.memory_space<vmem>>, vector<16xf32>,
        %add3A_540 = arith.addf %get3A_508, %get3A_527 : vector<16xf32>
        %swap3A_541 = arith.index_cast %add3A_493 : i32 to index
        %swap3A_542 = arith.constant 0 : index
        %swap3A_543 = tpu.vector_load %arg12[%swap3A_541, %swap3A_542] {strides = array<i32>} : memref<128x128xf32, #tpu.memory_space<vmem>>, vector<16xf32>,
        tpu.vector_store %arg12[%swap3A_541, %swap3A_542], %add3A_540 {strides = array<i32>} : memref<128x128xf32, #tpu.memory_space<vmem>>, vector<16xf32>,
        %add3A_544 = arith.addf %get3A_513, %get3A_531 : vector<16xf32>
        %swap3A_545 = arith.index_cast %add3A_493 : i32 to index
        %swap3A_546 = arith.constant 16 : index
        %swap3A_547 = tpu.vector_load %arg12[%swap3A_545, %swap3A_546] {strides = array<i32>} : memref<128x128xf32, #tpu.memory_space<vmem>>, vector<16xf32>,
        tpu.vector_store %arg12[%swap3A_545, %swap3A_546], %add3A_544 {strides = array<i32>} : memref<128x128xf32, #tpu.memory_space<vmem>>, vector<16xf32>,
        %add3A_548 = arith.addf %get3A_518, %get3A_535 : vector<16xf32>
        %swap3A_549 = arith.index_cast %add3A_493 : i32 to index
        %swap3A_550 = arith.constant 32 : index
        %swap3A_551 = tpu.vector_load %arg12[%swap3A_549, %swap3A_550] {strides = array<i32>} : memref<128x128xf32, #tpu.memory_space<vmem>>, vector<16xf32>,
        tpu.vector_store %arg12[%swap3A_549, %swap3A_550], %add3A_548 {strides = array<i32>} : memref<128x128xf32, #tpu.memory_space<vmem>>, vector<16xf32>,
        %add3A_552 = arith.addf %get3A_523, %get3A_539 : vector<16xf32>
        %swap3A_553 = arith.index_cast %add3A_493 : i32 to index
        %swap3A_554 = arith.constant 48 : index
        %swap3A_555 = tpu.vector_load %arg12[%swap3A_553, %swap3A_554] {strides = array<i32>} : memref<128x128xf32, #tpu.memory_space<vmem>>, vector<16xf32>,
        tpu.vector_store %arg12[%swap3A_553, %swap3A_554], %add3A_552 {strides = array<i32>} : memref<128x128xf32, #tpu.memory_space<vmem>>, vector<16xf32>,
        %add3A_556 = arith.constant 7 : i32
        %add3A_557 = arith.addi %mul3A_103, %add3A_556 : i32
        %add3A_558 = arith.addi %rem3A_87, %add3A_557 : i32
        %ge3A_559 = arith.constant 200 : i32
        %ge3A_560 = arith.cmpi sge, %add3A_558, %ge3A_559 : i32
        %sub3A_561 = arith.constant 200 : i32
        %sub3A_562 = arith.subi %add3A_558, %sub3A_561 : i32
        %select_n3A_563 = arith.select %ge3A_560, %sub3A_562, %add3A_558 : i32
        %mul3A_564 = arith.constant 64 : i32
        %mul3A_565 = arith.muli %select_n3A_563, %mul3A_564 : i32
        %slice3A_566 = vector.extract_strided_slice %mul3A_112 {offsets = [7], sizes = [1], strides = [1]} : vector<16xi32> to vector<1xi32>
        %squeeze3A_567 = vector.extract %slice3A_566[0] : i32 from vector<1xi32>
        %add3A_568 = arith.constant 0 : i32
        %add3A_569 = arith.addi %squeeze3A_567, %add3A_568 : i32
        %get3A_570 = arith.index_cast %add3A_557 : i32 to index
        %get3A_571 = arith.index_cast %add3A_569 : i32 to index
        %get3A_572 = tpu.vector_load %arg10[%get3A_570, %get3A_571] {strides = array<i32>} : memref<128x128xf32, #tpu.memory_space<vmem>>, vector<16xf32>,
        %add3A_573 = arith.constant 16 : i32
        %add3A_574 = arith.addi %squeeze3A_567, %add3A_573 : i32
        %get3A_575 = arith.index_cast %add3A_557 : i32 to index
        %get3A_576 = arith.index_cast %add3A_574 : i32 to index
        %get3A_577 = tpu.vector_load %arg10[%get3A_575, %get3A_576] {strides = array<i32>} : memref<128x128xf32, #tpu.memory_space<vmem>>, vector<16xf32>,
        %add3A_578 = arith.constant 32 : i32
        %add3A_579 = arith.addi %squeeze3A_567, %add3A_578 : i32
        %get3A_580 = arith.index_cast %add3A_557 : i32 to index
        %get3A_581 = arith.index_cast %add3A_579 : i32 to index
        %get3A_582 = tpu.vector_load %arg10[%get3A_580, %get3A_581] {strides = array<i32>} : memref<128x128xf32, #tpu.memory_space<vmem>>, vector<16xf32>,
        %add3A_583 = arith.constant 48 : i32
        %add3A_584 = arith.addi %squeeze3A_567, %add3A_583 : i32
        %get3A_585 = arith.index_cast %add3A_557 : i32 to index
        %get3A_586 = arith.index_cast %add3A_584 : i32 to index
        %get3A_587 = tpu.vector_load %arg10[%get3A_585, %get3A_586] {strides = array<i32>} : memref<128x128xf32, #tpu.memory_space<vmem>>, vector<16xf32>,
        %add3A_588 = arith.constant 0 : i32
        %add3A_589 = arith.addi %mul3A_565, %add3A_588 : i32
        %get3A_590 = arith.index_cast %add3A_589 : i32 to index
        %get3A_591 = tpu.vector_load %arg8[%get3A_590] {strides = array<i32>} : memref<12800xf32, #tpu.memory_space<vmem>>, vector<16xf32>,
        %add3A_592 = arith.constant 16 : i32
        %add3A_593 = arith.addi %mul3A_565, %add3A_592 : i32
        %get3A_594 = arith.index_cast %add3A_593 : i32 to index
        %get3A_595 = tpu.vector_load %arg8[%get3A_594] {strides = array<i32>} : memref<12800xf32, #tpu.memory_space<vmem>>, vector<16xf32>,
        %add3A_596 = arith.constant 32 : i32
        %add3A_597 = arith.addi %mul3A_565, %add3A_596 : i32
        %get3A_598 = arith.index_cast %add3A_597 : i32 to index
        %get3A_599 = tpu.vector_load %arg8[%get3A_598] {strides = array<i32>} : memref<12800xf32, #tpu.memory_space<vmem>>, vector<16xf32>,
        %add3A_600 = arith.constant 48 : i32
        %add3A_601 = arith.addi %mul3A_565, %add3A_600 : i32
        %get3A_602 = arith.index_cast %add3A_601 : i32 to index
        %get3A_603 = tpu.vector_load %arg8[%get3A_602] {strides = array<i32>} : memref<12800xf32, #tpu.memory_space<vmem>>, vector<16xf32>,
        %add3A_604 = arith.addf %get3A_572, %get3A_591 : vector<16xf32>
        %swap3A_605 = arith.index_cast %add3A_557 : i32 to index
        %swap3A_606 = arith.constant 0 : index
        %swap3A_607 = tpu.vector_load %arg12[%swap3A_605, %swap3A_606] {strides = array<i32>} : memref<128x128xf32, #tpu.memory_space<vmem>>, vector<16xf32>,
        tpu.vector_store %arg12[%swap3A_605, %swap3A_606], %add3A_604 {strides = array<i32>} : memref<128x128xf32, #tpu.memory_space<vmem>>, vector<16xf32>,
        %add3A_608 = arith.addf %get3A_577, %get3A_595 : vector<16xf32>
        %swap3A_609 = arith.index_cast %add3A_557 : i32 to index
        %swap3A_610 = arith.constant 16 : index
        %swap3A_611 = tpu.vector_load %arg12[%swap3A_609, %swap3A_610] {strides = array<i32>} : memref<128x128xf32, #tpu.memory_space<vmem>>, vector<16xf32>,
        tpu.vector_store %arg12[%swap3A_609, %swap3A_610], %add3A_608 {strides = array<i32>} : memref<128x128xf32, #tpu.memory_space<vmem>>, vector<16xf32>,
        %add3A_612 = arith.addf %get3A_582, %get3A_599 : vector<16xf32>
        %swap3A_613 = arith.index_cast %add3A_557 : i32 to index
        %swap3A_614 = arith.constant 32 : index
        %swap3A_615 = tpu.vector_load %arg12[%swap3A_613, %swap3A_614] {strides = array<i32>} : memref<128x128xf32, #tpu.memory_space<vmem>>, vector<16xf32>,
        tpu.vector_store %arg12[%swap3A_613, %swap3A_614], %add3A_612 {strides = array<i32>} : memref<128x128xf32, #tpu.memory_space<vmem>>, vector<16xf32>,
        %add3A_616 = arith.addf %get3A_587, %get3A_603 : vector<16xf32>
        %swap3A_617 = arith.index_cast %add3A_557 : i32 to index
        %swap3A_618 = arith.constant 48 : index
        %swap3A_619 = tpu.vector_load %arg12[%swap3A_617, %swap3A_618] {strides = array<i32>} : memref<128x128xf32, #tpu.memory_space<vmem>>, vector<16xf32>,
        tpu.vector_store %arg12[%swap3A_617, %swap3A_618], %add3A_616 {strides = array<i32>} : memref<128x128xf32, #tpu.memory_space<vmem>>, vector<16xf32>,
        %add3A_620 = arith.constant 8 : i32
        %add3A_621 = arith.addi %mul3A_103, %add3A_620 : i32
        %add3A_622 = arith.addi %rem3A_87, %add3A_621 : i32
        %ge3A_623 = arith.constant 200 : i32
        %ge3A_624 = arith.cmpi sge, %add3A_622, %ge3A_623 : i32
        %sub3A_625 = arith.constant 200 : i32
        %sub3A_626 = arith.subi %add3A_622, %sub3A_625 : i32
        %select_n3A_627 = arith.select %ge3A_624, %sub3A_626, %add3A_622 : i32
        %mul3A_628 = arith.constant 64 : i32
        %mul3A_629 = arith.muli %select_n3A_627, %mul3A_628 : i32
        %slice3A_630 = vector.extract_strided_slice %mul3A_112 {offsets = [8], sizes = [1], strides = [1]} : vector<16xi32> to vector<1xi32>
        %squeeze3A_631 = vector.extract %slice3A_630[0] : i32 from vector<1xi32>
        %add3A_632 = arith.constant 0 : i32
        %add3A_633 = arith.addi %squeeze3A_631, %add3A_632 : i32
        %get3A_634 = arith.index_cast %add3A_621 : i32 to index
        %get3A_635 = arith.index_cast %add3A_633 : i32 to index
        %get3A_636 = tpu.vector_load %arg10[%get3A_634, %get3A_635] {strides = array<i32>} : memref<128x128xf32, #tpu.memory_space<vmem>>, vector<16xf32>,
        %add3A_637 = arith.constant 16 : i32
        %add3A_638 = arith.addi %squeeze3A_631, %add3A_637 : i32
        %get3A_639 = arith.index_cast %add3A_621 : i32 to index
        %get3A_640 = arith.index_cast %add3A_638 : i32 to index
        %get3A_641 = tpu.vector_load %arg10[%get3A_639, %get3A_640] {strides = array<i32>} : memref<128x128xf32, #tpu.memory_space<vmem>>, vector<16xf32>,
        %add3A_642 = arith.constant 32 : i32
        %add3A_643 = arith.addi %squeeze3A_631, %add3A_642 : i32
        %get3A_644 = arith.index_cast %add3A_621 : i32 to index
        %get3A_645 = arith.index_cast %add3A_643 : i32 to index
        %get3A_646 = tpu.vector_load %arg10[%get3A_644, %get3A_645] {strides = array<i32>} : memref<128x128xf32, #tpu.memory_space<vmem>>, vector<16xf32>,
        %add3A_647 = arith.constant 48 : i32
        %add3A_648 = arith.addi %squeeze3A_631, %add3A_647 : i32
        %get3A_649 = arith.index_cast %add3A_621 : i32 to index
        %get3A_650 = arith.index_cast %add3A_648 : i32 to index
        %get3A_651 = tpu.vector_load %arg10[%get3A_649, %get3A_650] {strides = array<i32>} : memref<128x128xf32, #tpu.memory_space<vmem>>, vector<16xf32>,
        %add3A_652 = arith.constant 0 : i32
        %add3A_653 = arith.addi %mul3A_629, %add3A_652 : i32
        %get3A_654 = arith.index_cast %add3A_653 : i32 to index
        %get3A_655 = tpu.vector_load %arg8[%get3A_654] {strides = array<i32>} : memref<12800xf32, #tpu.memory_space<vmem>>, vector<16xf32>,
        %add3A_656 = arith.constant 16 : i32
        %add3A_657 = arith.addi %mul3A_629, %add3A_656 : i32
        %get3A_658 = arith.index_cast %add3A_657 : i32 to index
        %get3A_659 = tpu.vector_load %arg8[%get3A_658] {strides = array<i32>} : memref<12800xf32, #tpu.memory_space<vmem>>, vector<16xf32>,
        %add3A_660 = arith.constant 32 : i32
        %add3A_661 = arith.addi %mul3A_629, %add3A_660 : i32
        %get3A_662 = arith.index_cast %add3A_661 : i32 to index
        %get3A_663 = tpu.vector_load %arg8[%get3A_662] {strides = array<i32>} : memref<12800xf32, #tpu.memory_space<vmem>>, vector<16xf32>,
        %add3A_664 = arith.constant 48 : i32
        %add3A_665 = arith.addi %mul3A_629, %add3A_664 : i32
        %get3A_666 = arith.index_cast %add3A_665 : i32 to index
        %get3A_667 = tpu.vector_load %arg8[%get3A_666] {strides = array<i32>} : memref<12800xf32, #tpu.memory_space<vmem>>, vector<16xf32>,
        %add3A_668 = arith.addf %get3A_636, %get3A_655 : vector<16xf32>
        %swap3A_669 = arith.index_cast %add3A_621 : i32 to index
        %swap3A_670 = arith.constant 0 : index
        %swap3A_671 = tpu.vector_load %arg12[%swap3A_669, %swap3A_670] {strides = array<i32>} : memref<128x128xf32, #tpu.memory_space<vmem>>, vector<16xf32>,
        tpu.vector_store %arg12[%swap3A_669, %swap3A_670], %add3A_668 {strides = array<i32>} : memref<128x128xf32, #tpu.memory_space<vmem>>, vector<16xf32>,
        %add3A_672 = arith.addf %get3A_641, %get3A_659 : vector<16xf32>
        %swap3A_673 = arith.index_cast %add3A_621 : i32 to index
        %swap3A_674 = arith.constant 16 : index
        %swap3A_675 = tpu.vector_load %arg12[%swap3A_673, %swap3A_674] {strides = array<i32>} : memref<128x128xf32, #tpu.memory_space<vmem>>, vector<16xf32>,
        tpu.vector_store %arg12[%swap3A_673, %swap3A_674], %add3A_672 {strides = array<i32>} : memref<128x128xf32, #tpu.memory_space<vmem>>, vector<16xf32>,
        %add3A_676 = arith.addf %get3A_646, %get3A_663 : vector<16xf32>
        %swap3A_677 = arith.index_cast %add3A_621 : i32 to index
        %swap3A_678 = arith.constant 32 : index
        %swap3A_679 = tpu.vector_load %arg12[%swap3A_677, %swap3A_678] {strides = array<i32>} : memref<128x128xf32, #tpu.memory_space<vmem>>, vector<16xf32>,
        tpu.vector_store %arg12[%swap3A_677, %swap3A_678], %add3A_676 {strides = array<i32>} : memref<128x128xf32, #tpu.memory_space<vmem>>, vector<16xf32>,
        %add3A_680 = arith.addf %get3A_651, %get3A_667 : vector<16xf32>
        %swap3A_681 = arith.index_cast %add3A_621 : i32 to index
        %swap3A_682 = arith.constant 48 : index
        %swap3A_683 = tpu.vector_load %arg12[%swap3A_681, %swap3A_682] {strides = array<i32>} : memref<128x128xf32, #tpu.memory_space<vmem>>, vector<16xf32>,
        tpu.vector_store %arg12[%swap3A_681, %swap3A_682], %add3A_680 {strides = array<i32>} : memref<128x128xf32, #tpu.memory_space<vmem>>, vector<16xf32>,
        %add3A_684 = arith.constant 9 : i32
        %add3A_685 = arith.addi %mul3A_103, %add3A_684 : i32
        %add3A_686 = arith.addi %rem3A_87, %add3A_685 : i32
        %ge3A_687 = arith.constant 200 : i32
        %ge3A_688 = arith.cmpi sge, %add3A_686, %ge3A_687 : i32
        %sub3A_689 = arith.constant 200 : i32
        %sub3A_690 = arith.subi %add3A_686, %sub3A_689 : i32
        %select_n3A_691 = arith.select %ge3A_688, %sub3A_690, %add3A_686 : i32
        %mul3A_692 = arith.constant 64 : i32
        %mul3A_693 = arith.muli %select_n3A_691, %mul3A_692 : i32
        %slice3A_694 = vector.extract_strided_slice %mul3A_112 {offsets = [9], sizes = [1], strides = [1]} : vector<16xi32> to vector<1xi32>
        %squeeze3A_695 = vector.extract %slice3A_694[0] : i32 from vector<1xi32>
        %add3A_696 = arith.constant 0 : i32
        %add3A_697 = arith.addi %squeeze3A_695, %add3A_696 : i32
        %get3A_698 = arith.index_cast %add3A_685 : i32 to index
        %get3A_699 = arith.index_cast %add3A_697 : i32 to index
        %get3A_700 = tpu.vector_load %arg10[%get3A_698, %get3A_699] {strides = array<i32>} : memref<128x128xf32, #tpu.memory_space<vmem>>, vector<16xf32>,
        %add3A_701 = arith.constant 16 : i32
        %add3A_702 = arith.addi %squeeze3A_695, %add3A_701 : i32
        %get3A_703 = arith.index_cast %add3A_685 : i32 to index
        %get3A_704 = arith.index_cast %add3A_702 : i32 to index
        %get3A_705 = tpu.vector_load %arg10[%get3A_703, %get3A_704] {strides = array<i32>} : memref<128x128xf32, #tpu.memory_space<vmem>>, vector<16xf32>,
        %add3A_706 = arith.constant 32 : i32
        %add3A_707 = arith.addi %squeeze3A_695, %add3A_706 : i32
        %get3A_708 = arith.index_cast %add3A_685 : i32 to index
        %get3A_709 = arith.index_cast %add3A_707 : i32 to index
        %get3A_710 = tpu.vector_load %arg10[%get3A_708, %get3A_709] {strides = array<i32>} : memref<128x128xf32, #tpu.memory_space<vmem>>, vector<16xf32>,
        %add3A_711 = arith.constant 48 : i32
        %add3A_712 = arith.addi %squeeze3A_695, %add3A_711 : i32
        %get3A_713 = arith.index_cast %add3A_685 : i32 to index
        %get3A_714 = arith.index_cast %add3A_712 : i32 to index
        %get3A_715 = tpu.vector_load %arg10[%get3A_713, %get3A_714] {strides = array<i32>} : memref<128x128xf32, #tpu.memory_space<vmem>>, vector<16xf32>,
        %add3A_716 = arith.constant 0 : i32
        %add3A_717 = arith.addi %mul3A_693, %add3A_716 : i32
        %get3A_718 = arith.index_cast %add3A_717 : i32 to index
        %get3A_719 = tpu.vector_load %arg8[%get3A_718] {strides = array<i32>} : memref<12800xf32, #tpu.memory_space<vmem>>, vector<16xf32>,
        %add3A_720 = arith.constant 16 : i32
        %add3A_721 = arith.addi %mul3A_693, %add3A_720 : i32
        %get3A_722 = arith.index_cast %add3A_721 : i32 to index
        %get3A_723 = tpu.vector_load %arg8[%get3A_722] {strides = array<i32>} : memref<12800xf32, #tpu.memory_space<vmem>>, vector<16xf32>,
        %add3A_724 = arith.constant 32 : i32
        %add3A_725 = arith.addi %mul3A_693, %add3A_724 : i32
        %get3A_726 = arith.index_cast %add3A_725 : i32 to index
        %get3A_727 = tpu.vector_load %arg8[%get3A_726] {strides = array<i32>} : memref<12800xf32, #tpu.memory_space<vmem>>, vector<16xf32>,
        %add3A_728 = arith.constant 48 : i32
        %add3A_729 = arith.addi %mul3A_693, %add3A_728 : i32
        %get3A_730 = arith.index_cast %add3A_729 : i32 to index
        %get3A_731 = tpu.vector_load %arg8[%get3A_730] {strides = array<i32>} : memref<12800xf32, #tpu.memory_space<vmem>>, vector<16xf32>,
        %add3A_732 = arith.addf %get3A_700, %get3A_719 : vector<16xf32>
        %swap3A_733 = arith.index_cast %add3A_685 : i32 to index
        %swap3A_734 = arith.constant 0 : index
        %swap3A_735 = tpu.vector_load %arg12[%swap3A_733, %swap3A_734] {strides = array<i32>} : memref<128x128xf32, #tpu.memory_space<vmem>>, vector<16xf32>,
        tpu.vector_store %arg12[%swap3A_733, %swap3A_734], %add3A_732 {strides = array<i32>} : memref<128x128xf32, #tpu.memory_space<vmem>>, vector<16xf32>,
        %add3A_736 = arith.addf %get3A_705, %get3A_723 : vector<16xf32>
        %swap3A_737 = arith.index_cast %add3A_685 : i32 to index
        %swap3A_738 = arith.constant 16 : index
        %swap3A_739 = tpu.vector_load %arg12[%swap3A_737, %swap3A_738] {strides = array<i32>} : memref<128x128xf32, #tpu.memory_space<vmem>>, vector<16xf32>,
        tpu.vector_store %arg12[%swap3A_737, %swap3A_738], %add3A_736 {strides = array<i32>} : memref<128x128xf32, #tpu.memory_space<vmem>>, vector<16xf32>,
        %add3A_740 = arith.addf %get3A_710, %get3A_727 : vector<16xf32>
        %swap3A_741 = arith.index_cast %add3A_685 : i32 to index
        %swap3A_742 = arith.constant 32 : index
        %swap3A_743 = tpu.vector_load %arg12[%swap3A_741, %swap3A_742] {strides = array<i32>} : memref<128x128xf32, #tpu.memory_space<vmem>>, vector<16xf32>,
        tpu.vector_store %arg12[%swap3A_741, %swap3A_742], %add3A_740 {strides = array<i32>} : memref<128x128xf32, #tpu.memory_space<vmem>>, vector<16xf32>,
        %add3A_744 = arith.addf %get3A_715, %get3A_731 : vector<16xf32>
        %swap3A_745 = arith.index_cast %add3A_685 : i32 to index
        %swap3A_746 = arith.constant 48 : index
        %swap3A_747 = tpu.vector_load %arg12[%swap3A_745, %swap3A_746] {strides = array<i32>} : memref<128x128xf32, #tpu.memory_space<vmem>>, vector<16xf32>,
        tpu.vector_store %arg12[%swap3A_745, %swap3A_746], %add3A_744 {strides = array<i32>} : memref<128x128xf32, #tpu.memory_space<vmem>>, vector<16xf32>,
        %add3A_748 = arith.constant 10 : i32
        %add3A_749 = arith.addi %mul3A_103, %add3A_748 : i32
        %add3A_750 = arith.addi %rem3A_87, %add3A_749 : i32
        %ge3A_751 = arith.constant 200 : i32
        %ge3A_752 = arith.cmpi sge, %add3A_750, %ge3A_751 : i32
        %sub3A_753 = arith.constant 200 : i32
        %sub3A_754 = arith.subi %add3A_750, %sub3A_753 : i32
        %select_n3A_755 = arith.select %ge3A_752, %sub3A_754, %add3A_750 : i32
        %mul3A_756 = arith.constant 64 : i32
        %mul3A_757 = arith.muli %select_n3A_755, %mul3A_756 : i32
        %slice3A_758 = vector.extract_strided_slice %mul3A_112 {offsets = [10], sizes = [1], strides = [1]} : vector<16xi32> to vector<1xi32>
        %squeeze3A_759 = vector.extract %slice3A_758[0] : i32 from vector<1xi32>
        %add3A_760 = arith.constant 0 : i32
        %add3A_761 = arith.addi %squeeze3A_759, %add3A_760 : i32
        %get3A_762 = arith.index_cast %add3A_749 : i32 to index
        %get3A_763 = arith.index_cast %add3A_761 : i32 to index
        %get3A_764 = tpu.vector_load %arg10[%get3A_762, %get3A_763] {strides = array<i32>} : memref<128x128xf32, #tpu.memory_space<vmem>>, vector<16xf32>,
        %add3A_765 = arith.constant 16 : i32
        %add3A_766 = arith.addi %squeeze3A_759, %add3A_765 : i32
        %get3A_767 = arith.index_cast %add3A_749 : i32 to index
        %get3A_768 = arith.index_cast %add3A_766 : i32 to index
        %get3A_769 = tpu.vector_load %arg10[%get3A_767, %get3A_768] {strides = array<i32>} : memref<128x128xf32, #tpu.memory_space<vmem>>, vector<16xf32>,
        %add3A_770 = arith.constant 32 : i32
        %add3A_771 = arith.addi %squeeze3A_759, %add3A_770 : i32
        %get3A_772 = arith.index_cast %add3A_749 : i32 to index
        %get3A_773 = arith.index_cast %add3A_771 : i32 to index
        %get3A_774 = tpu.vector_load %arg10[%get3A_772, %get3A_773] {strides = array<i32>} : memref<128x128xf32, #tpu.memory_space<vmem>>, vector<16xf32>,
        %add3A_775 = arith.constant 48 : i32
        %add3A_776 = arith.addi %squeeze3A_759, %add3A_775 : i32
        %get3A_777 = arith.index_cast %add3A_749 : i32 to index
        %get3A_778 = arith.index_cast %add3A_776 : i32 to index
        %get3A_779 = tpu.vector_load %arg10[%get3A_777, %get3A_778] {strides = array<i32>} : memref<128x128xf32, #tpu.memory_space<vmem>>, vector<16xf32>,
        %add3A_780 = arith.constant 0 : i32
        %add3A_781 = arith.addi %mul3A_757, %add3A_780 : i32
        %get3A_782 = arith.index_cast %add3A_781 : i32 to index
        %get3A_783 = tpu.vector_load %arg8[%get3A_782] {strides = array<i32>} : memref<12800xf32, #tpu.memory_space<vmem>>, vector<16xf32>,
        %add3A_784 = arith.constant 16 : i32
        %add3A_785 = arith.addi %mul3A_757, %add3A_784 : i32
        %get3A_786 = arith.index_cast %add3A_785 : i32 to index
        %get3A_787 = tpu.vector_load %arg8[%get3A_786] {strides = array<i32>} : memref<12800xf32, #tpu.memory_space<vmem>>, vector<16xf32>,
        %add3A_788 = arith.constant 32 : i32
        %add3A_789 = arith.addi %mul3A_757, %add3A_788 : i32
        %get3A_790 = arith.index_cast %add3A_789 : i32 to index
        %get3A_791 = tpu.vector_load %arg8[%get3A_790] {strides = array<i32>} : memref<12800xf32, #tpu.memory_space<vmem>>, vector<16xf32>,
        %add3A_792 = arith.constant 48 : i32
        %add3A_793 = arith.addi %mul3A_757, %add3A_792 : i32
        %get3A_794 = arith.index_cast %add3A_793 : i32 to index
        %get3A_795 = tpu.vector_load %arg8[%get3A_794] {strides = array<i32>} : memref<12800xf32, #tpu.memory_space<vmem>>, vector<16xf32>,
        %add3A_796 = arith.addf %get3A_764, %get3A_783 : vector<16xf32>
        %swap3A_797 = arith.index_cast %add3A_749 : i32 to index
        %swap3A_798 = arith.constant 0 : index
        %swap3A_799 = tpu.vector_load %arg12[%swap3A_797, %swap3A_798] {strides = array<i32>} : memref<128x128xf32, #tpu.memory_space<vmem>>, vector<16xf32>,
        tpu.vector_store %arg12[%swap3A_797, %swap3A_798], %add3A_796 {strides = array<i32>} : memref<128x128xf32, #tpu.memory_space<vmem>>, vector<16xf32>,
        %add3A_800 = arith.addf %get3A_769, %get3A_787 : vector<16xf32>
        %swap3A_801 = arith.index_cast %add3A_749 : i32 to index
        %swap3A_802 = arith.constant 16 : index
        %swap3A_803 = tpu.vector_load %arg12[%swap3A_801, %swap3A_802] {strides = array<i32>} : memref<128x128xf32, #tpu.memory_space<vmem>>, vector<16xf32>,
        tpu.vector_store %arg12[%swap3A_801, %swap3A_802], %add3A_800 {strides = array<i32>} : memref<128x128xf32, #tpu.memory_space<vmem>>, vector<16xf32>,
        %add3A_804 = arith.addf %get3A_774, %get3A_791 : vector<16xf32>
        %swap3A_805 = arith.index_cast %add3A_749 : i32 to index
        %swap3A_806 = arith.constant 32 : index
        %swap3A_807 = tpu.vector_load %arg12[%swap3A_805, %swap3A_806] {strides = array<i32>} : memref<128x128xf32, #tpu.memory_space<vmem>>, vector<16xf32>,
        tpu.vector_store %arg12[%swap3A_805, %swap3A_806], %add3A_804 {strides = array<i32>} : memref<128x128xf32, #tpu.memory_space<vmem>>, vector<16xf32>,
        %add3A_808 = arith.addf %get3A_779, %get3A_795 : vector<16xf32>
        %swap3A_809 = arith.index_cast %add3A_749 : i32 to index
        %swap3A_810 = arith.constant 48 : index
        %swap3A_811 = tpu.vector_load %arg12[%swap3A_809, %swap3A_810] {strides = array<i32>} : memref<128x128xf32, #tpu.memory_space<vmem>>, vector<16xf32>,
        tpu.vector_store %arg12[%swap3A_809, %swap3A_810], %add3A_808 {strides = array<i32>} : memref<128x128xf32, #tpu.memory_space<vmem>>, vector<16xf32>,
        %add3A_812 = arith.constant 11 : i32
        %add3A_813 = arith.addi %mul3A_103, %add3A_812 : i32
        %add3A_814 = arith.addi %rem3A_87, %add3A_813 : i32
        %ge3A_815 = arith.constant 200 : i32
        %ge3A_816 = arith.cmpi sge, %add3A_814, %ge3A_815 : i32
        %sub3A_817 = arith.constant 200 : i32
        %sub3A_818 = arith.subi %add3A_814, %sub3A_817 : i32
        %select_n3A_819 = arith.select %ge3A_816, %sub3A_818, %add3A_814 : i32
        %mul3A_820 = arith.constant 64 : i32
        %mul3A_821 = arith.muli %select_n3A_819, %mul3A_820 : i32
        %slice3A_822 = vector.extract_strided_slice %mul3A_112 {offsets = [11], sizes = [1], strides = [1]} : vector<16xi32> to vector<1xi32>
        %squeeze3A_823 = vector.extract %slice3A_822[0] : i32 from vector<1xi32>
        %add3A_824 = arith.constant 0 : i32
        %add3A_825 = arith.addi %squeeze3A_823, %add3A_824 : i32
        %get3A_826 = arith.index_cast %add3A_813 : i32 to index
        %get3A_827 = arith.index_cast %add3A_825 : i32 to index
        %get3A_828 = tpu.vector_load %arg10[%get3A_826, %get3A_827] {strides = array<i32>} : memref<128x128xf32, #tpu.memory_space<vmem>>, vector<16xf32>,
        %add3A_829 = arith.constant 16 : i32
        %add3A_830 = arith.addi %squeeze3A_823, %add3A_829 : i32
        %get3A_831 = arith.index_cast %add3A_813 : i32 to index
        %get3A_832 = arith.index_cast %add3A_830 : i32 to index
        %get3A_833 = tpu.vector_load %arg10[%get3A_831, %get3A_832] {strides = array<i32>} : memref<128x128xf32, #tpu.memory_space<vmem>>, vector<16xf32>,
        %add3A_834 = arith.constant 32 : i32
        %add3A_835 = arith.addi %squeeze3A_823, %add3A_834 : i32
        %get3A_836 = arith.index_cast %add3A_813 : i32 to index
        %get3A_837 = arith.index_cast %add3A_835 : i32 to index
        %get3A_838 = tpu.vector_load %arg10[%get3A_836, %get3A_837] {strides = array<i32>} : memref<128x128xf32, #tpu.memory_space<vmem>>, vector<16xf32>,
        %add3A_839 = arith.constant 48 : i32
        %add3A_840 = arith.addi %squeeze3A_823, %add3A_839 : i32
        %get3A_841 = arith.index_cast %add3A_813 : i32 to index
        %get3A_842 = arith.index_cast %add3A_840 : i32 to index
        %get3A_843 = tpu.vector_load %arg10[%get3A_841, %get3A_842] {strides = array<i32>} : memref<128x128xf32, #tpu.memory_space<vmem>>, vector<16xf32>,
        %add3A_844 = arith.constant 0 : i32
        %add3A_845 = arith.addi %mul3A_821, %add3A_844 : i32
        %get3A_846 = arith.index_cast %add3A_845 : i32 to index
        %get3A_847 = tpu.vector_load %arg8[%get3A_846] {strides = array<i32>} : memref<12800xf32, #tpu.memory_space<vmem>>, vector<16xf32>,
        %add3A_848 = arith.constant 16 : i32
        %add3A_849 = arith.addi %mul3A_821, %add3A_848 : i32
        %get3A_850 = arith.index_cast %add3A_849 : i32 to index
        %get3A_851 = tpu.vector_load %arg8[%get3A_850] {strides = array<i32>} : memref<12800xf32, #tpu.memory_space<vmem>>, vector<16xf32>,
        %add3A_852 = arith.constant 32 : i32
        %add3A_853 = arith.addi %mul3A_821, %add3A_852 : i32
        %get3A_854 = arith.index_cast %add3A_853 : i32 to index
        %get3A_855 = tpu.vector_load %arg8[%get3A_854] {strides = array<i32>} : memref<12800xf32, #tpu.memory_space<vmem>>, vector<16xf32>,
        %add3A_856 = arith.constant 48 : i32
        %add3A_857 = arith.addi %mul3A_821, %add3A_856 : i32
        %get3A_858 = arith.index_cast %add3A_857 : i32 to index
        %get3A_859 = tpu.vector_load %arg8[%get3A_858] {strides = array<i32>} : memref<12800xf32, #tpu.memory_space<vmem>>, vector<16xf32>,
        %add3A_860 = arith.addf %get3A_828, %get3A_847 : vector<16xf32>
        %swap3A_861 = arith.index_cast %add3A_813 : i32 to index
        %swap3A_862 = arith.constant 0 : index
        %swap3A_863 = tpu.vector_load %arg12[%swap3A_861, %swap3A_862] {strides = array<i32>} : memref<128x128xf32, #tpu.memory_space<vmem>>, vector<16xf32>,
        tpu.vector_store %arg12[%swap3A_861, %swap3A_862], %add3A_860 {strides = array<i32>} : memref<128x128xf32, #tpu.memory_space<vmem>>, vector<16xf32>,
        %add3A_864 = arith.addf %get3A_833, %get3A_851 : vector<16xf32>
        %swap3A_865 = arith.index_cast %add3A_813 : i32 to index
        %swap3A_866 = arith.constant 16 : index
        %swap3A_867 = tpu.vector_load %arg12[%swap3A_865, %swap3A_866] {strides = array<i32>} : memref<128x128xf32, #tpu.memory_space<vmem>>, vector<16xf32>,
        tpu.vector_store %arg12[%swap3A_865, %swap3A_866], %add3A_864 {strides = array<i32>} : memref<128x128xf32, #tpu.memory_space<vmem>>, vector<16xf32>,
        %add3A_868 = arith.addf %get3A_838, %get3A_855 : vector<16xf32>
        %swap3A_869 = arith.index_cast %add3A_813 : i32 to index
        %swap3A_870 = arith.constant 32 : index
        %swap3A_871 = tpu.vector_load %arg12[%swap3A_869, %swap3A_870] {strides = array<i32>} : memref<128x128xf32, #tpu.memory_space<vmem>>, vector<16xf32>,
        tpu.vector_store %arg12[%swap3A_869, %swap3A_870], %add3A_868 {strides = array<i32>} : memref<128x128xf32, #tpu.memory_space<vmem>>, vector<16xf32>,
        %add3A_872 = arith.addf %get3A_843, %get3A_859 : vector<16xf32>
        %swap3A_873 = arith.index_cast %add3A_813 : i32 to index
        %swap3A_874 = arith.constant 48 : index
        %swap3A_875 = tpu.vector_load %arg12[%swap3A_873, %swap3A_874] {strides = array<i32>} : memref<128x128xf32, #tpu.memory_space<vmem>>, vector<16xf32>,
        tpu.vector_store %arg12[%swap3A_873, %swap3A_874], %add3A_872 {strides = array<i32>} : memref<128x128xf32, #tpu.memory_space<vmem>>, vector<16xf32>,
        %add3A_876 = arith.constant 12 : i32
        %add3A_877 = arith.addi %mul3A_103, %add3A_876 : i32
        %add3A_878 = arith.addi %rem3A_87, %add3A_877 : i32
        %ge3A_879 = arith.constant 200 : i32
        %ge3A_880 = arith.cmpi sge, %add3A_878, %ge3A_879 : i32
        %sub3A_881 = arith.constant 200 : i32
        %sub3A_882 = arith.subi %add3A_878, %sub3A_881 : i32
        %select_n3A_883 = arith.select %ge3A_880, %sub3A_882, %add3A_878 : i32
        %mul3A_884 = arith.constant 64 : i32
        %mul3A_885 = arith.muli %select_n3A_883, %mul3A_884 : i32
        %slice3A_886 = vector.extract_strided_slice %mul3A_112 {offsets = [12], sizes = [1], strides = [1]} : vector<16xi32> to vector<1xi32>
        %squeeze3A_887 = vector.extract %slice3A_886[0] : i32 from vector<1xi32>
        %add3A_888 = arith.constant 0 : i32
        %add3A_889 = arith.addi %squeeze3A_887, %add3A_888 : i32
        %get3A_890 = arith.index_cast %add3A_877 : i32 to index
        %get3A_891 = arith.index_cast %add3A_889 : i32 to index
        %get3A_892 = tpu.vector_load %arg10[%get3A_890, %get3A_891] {strides = array<i32>} : memref<128x128xf32, #tpu.memory_space<vmem>>, vector<16xf32>,
        %add3A_893 = arith.constant 16 : i32
        %add3A_894 = arith.addi %squeeze3A_887, %add3A_893 : i32
        %get3A_895 = arith.index_cast %add3A_877 : i32 to index
        %get3A_896 = arith.index_cast %add3A_894 : i32 to index
        %get3A_897 = tpu.vector_load %arg10[%get3A_895, %get3A_896] {strides = array<i32>} : memref<128x128xf32, #tpu.memory_space<vmem>>, vector<16xf32>,
        %add3A_898 = arith.constant 32 : i32
        %add3A_899 = arith.addi %squeeze3A_887, %add3A_898 : i32
        %get3A_900 = arith.index_cast %add3A_877 : i32 to index
        %get3A_901 = arith.index_cast %add3A_899 : i32 to index
        %get3A_902 = tpu.vector_load %arg10[%get3A_900, %get3A_901] {strides = array<i32>} : memref<128x128xf32, #tpu.memory_space<vmem>>, vector<16xf32>,
        %add3A_903 = arith.constant 48 : i32
        %add3A_904 = arith.addi %squeeze3A_887, %add3A_903 : i32
        %get3A_905 = arith.index_cast %add3A_877 : i32 to index
        %get3A_906 = arith.index_cast %add3A_904 : i32 to index
        %get3A_907 = tpu.vector_load %arg10[%get3A_905, %get3A_906] {strides = array<i32>} : memref<128x128xf32, #tpu.memory_space<vmem>>, vector<16xf32>,
        %add3A_908 = arith.constant 0 : i32
        %add3A_909 = arith.addi %mul3A_885, %add3A_908 : i32
        %get3A_910 = arith.index_cast %add3A_909 : i32 to index
        %get3A_911 = tpu.vector_load %arg8[%get3A_910] {strides = array<i32>} : memref<12800xf32, #tpu.memory_space<vmem>>, vector<16xf32>,
        %add3A_912 = arith.constant 16 : i32
        %add3A_913 = arith.addi %mul3A_885, %add3A_912 : i32
        %get3A_914 = arith.index_cast %add3A_913 : i32 to index
        %get3A_915 = tpu.vector_load %arg8[%get3A_914] {strides = array<i32>} : memref<12800xf32, #tpu.memory_space<vmem>>, vector<16xf32>,
        %add3A_916 = arith.constant 32 : i32
        %add3A_917 = arith.addi %mul3A_885, %add3A_916 : i32
        %get3A_918 = arith.index_cast %add3A_917 : i32 to index
        %get3A_919 = tpu.vector_load %arg8[%get3A_918] {strides = array<i32>} : memref<12800xf32, #tpu.memory_space<vmem>>, vector<16xf32>,
        %add3A_920 = arith.constant 48 : i32
        %add3A_921 = arith.addi %mul3A_885, %add3A_920 : i32
        %get3A_922 = arith.index_cast %add3A_921 : i32 to index
        %get3A_923 = tpu.vector_load %arg8[%get3A_922] {strides = array<i32>} : memref<12800xf32, #tpu.memory_space<vmem>>, vector<16xf32>,
        %add3A_924 = arith.addf %get3A_892, %get3A_911 : vector<16xf32>
        %swap3A_925 = arith.index_cast %add3A_877 : i32 to index
        %swap3A_926 = arith.constant 0 : index
        %swap3A_927 = tpu.vector_load %arg12[%swap3A_925, %swap3A_926] {strides = array<i32>} : memref<128x128xf32, #tpu.memory_space<vmem>>, vector<16xf32>,
        tpu.vector_store %arg12[%swap3A_925, %swap3A_926], %add3A_924 {strides = array<i32>} : memref<128x128xf32, #tpu.memory_space<vmem>>, vector<16xf32>,
        %add3A_928 = arith.addf %get3A_897, %get3A_915 : vector<16xf32>
        %swap3A_929 = arith.index_cast %add3A_877 : i32 to index
        %swap3A_930 = arith.constant 16 : index
        %swap3A_931 = tpu.vector_load %arg12[%swap3A_929, %swap3A_930] {strides = array<i32>} : memref<128x128xf32, #tpu.memory_space<vmem>>, vector<16xf32>,
        tpu.vector_store %arg12[%swap3A_929, %swap3A_930], %add3A_928 {strides = array<i32>} : memref<128x128xf32, #tpu.memory_space<vmem>>, vector<16xf32>,
        %add3A_932 = arith.addf %get3A_902, %get3A_919 : vector<16xf32>
        %swap3A_933 = arith.index_cast %add3A_877 : i32 to index
        %swap3A_934 = arith.constant 32 : index
        %swap3A_935 = tpu.vector_load %arg12[%swap3A_933, %swap3A_934] {strides = array<i32>} : memref<128x128xf32, #tpu.memory_space<vmem>>, vector<16xf32>,
        tpu.vector_store %arg12[%swap3A_933, %swap3A_934], %add3A_932 {strides = array<i32>} : memref<128x128xf32, #tpu.memory_space<vmem>>, vector<16xf32>,
        %add3A_936 = arith.addf %get3A_907, %get3A_923 : vector<16xf32>
        %swap3A_937 = arith.index_cast %add3A_877 : i32 to index
        %swap3A_938 = arith.constant 48 : index
        %swap3A_939 = tpu.vector_load %arg12[%swap3A_937, %swap3A_938] {strides = array<i32>} : memref<128x128xf32, #tpu.memory_space<vmem>>, vector<16xf32>,
        tpu.vector_store %arg12[%swap3A_937, %swap3A_938], %add3A_936 {strides = array<i32>} : memref<128x128xf32, #tpu.memory_space<vmem>>, vector<16xf32>,
        %add3A_940 = arith.constant 13 : i32
        %add3A_941 = arith.addi %mul3A_103, %add3A_940 : i32
        %add3A_942 = arith.addi %rem3A_87, %add3A_941 : i32
        %ge3A_943 = arith.constant 200 : i32
        %ge3A_944 = arith.cmpi sge, %add3A_942, %ge3A_943 : i32
        %sub3A_945 = arith.constant 200 : i32
        %sub3A_946 = arith.subi %add3A_942, %sub3A_945 : i32
        %select_n3A_947 = arith.select %ge3A_944, %sub3A_946, %add3A_942 : i32
        %mul3A_948 = arith.constant 64 : i32
        %mul3A_949 = arith.muli %select_n3A_947, %mul3A_948 : i32
        %slice3A_950 = vector.extract_strided_slice %mul3A_112 {offsets = [13], sizes = [1], strides = [1]} : vector<16xi32> to vector<1xi32>
        %squeeze3A_951 = vector.extract %slice3A_950[0] : i32 from vector<1xi32>
        %add3A_952 = arith.constant 0 : i32
        %add3A_953 = arith.addi %squeeze3A_951, %add3A_952 : i32
        %get3A_954 = arith.index_cast %add3A_941 : i32 to index
        %get3A_955 = arith.index_cast %add3A_953 : i32 to index
        %get3A_956 = tpu.vector_load %arg10[%get3A_954, %get3A_955] {strides = array<i32>} : memref<128x128xf32, #tpu.memory_space<vmem>>, vector<16xf32>,
        %add3A_957 = arith.constant 16 : i32
        %add3A_958 = arith.addi %squeeze3A_951, %add3A_957 : i32
        %get3A_959 = arith.index_cast %add3A_941 : i32 to index
        %get3A_960 = arith.index_cast %add3A_958 : i32 to index
        %get3A_961 = tpu.vector_load %arg10[%get3A_959, %get3A_960] {strides = array<i32>} : memref<128x128xf32, #tpu.memory_space<vmem>>, vector<16xf32>,
        %add3A_962 = arith.constant 32 : i32
        %add3A_963 = arith.addi %squeeze3A_951, %add3A_962 : i32
        %get3A_964 = arith.index_cast %add3A_941 : i32 to index
        %get3A_965 = arith.index_cast %add3A_963 : i32 to index
        %get3A_966 = tpu.vector_load %arg10[%get3A_964, %get3A_965] {strides = array<i32>} : memref<128x128xf32, #tpu.memory_space<vmem>>, vector<16xf32>,
        %add3A_967 = arith.constant 48 : i32
        %add3A_968 = arith.addi %squeeze3A_951, %add3A_967 : i32
        %get3A_969 = arith.index_cast %add3A_941 : i32 to index
        %get3A_970 = arith.index_cast %add3A_968 : i32 to index
        %get3A_971 = tpu.vector_load %arg10[%get3A_969, %get3A_970] {strides = array<i32>} : memref<128x128xf32, #tpu.memory_space<vmem>>, vector<16xf32>,
        %add3A_972 = arith.constant 0 : i32
        %add3A_973 = arith.addi %mul3A_949, %add3A_972 : i32
        %get3A_974 = arith.index_cast %add3A_973 : i32 to index
        %get3A_975 = tpu.vector_load %arg8[%get3A_974] {strides = array<i32>} : memref<12800xf32, #tpu.memory_space<vmem>>, vector<16xf32>,
        %add3A_976 = arith.constant 16 : i32
        %add3A_977 = arith.addi %mul3A_949, %add3A_976 : i32
        %get3A_978 = arith.index_cast %add3A_977 : i32 to index
        %get3A_979 = tpu.vector_load %arg8[%get3A_978] {strides = array<i32>} : memref<12800xf32, #tpu.memory_space<vmem>>, vector<16xf32>,
        %add3A_980 = arith.constant 32 : i32
        %add3A_981 = arith.addi %mul3A_949, %add3A_980 : i32
        %get3A_982 = arith.index_cast %add3A_981 : i32 to index
        %get3A_983 = tpu.vector_load %arg8[%get3A_982] {strides = array<i32>} : memref<12800xf32, #tpu.memory_space<vmem>>, vector<16xf32>,
        %add3A_984 = arith.constant 48 : i32
        %add3A_985 = arith.addi %mul3A_949, %add3A_984 : i32
        %get3A_986 = arith.index_cast %add3A_985 : i32 to index
        %get3A_987 = tpu.vector_load %arg8[%get3A_986] {strides = array<i32>} : memref<12800xf32, #tpu.memory_space<vmem>>, vector<16xf32>,
        %add3A_988 = arith.addf %get3A_956, %get3A_975 : vector<16xf32>
        %swap3A_989 = arith.index_cast %add3A_941 : i32 to index
        %swap3A_990 = arith.constant 0 : index
        %swap3A_991 = tpu.vector_load %arg12[%swap3A_989, %swap3A_990] {strides = array<i32>} : memref<128x128xf32, #tpu.memory_space<vmem>>, vector<16xf32>,
        tpu.vector_store %arg12[%swap3A_989, %swap3A_990], %add3A_988 {strides = array<i32>} : memref<128x128xf32, #tpu.memory_space<vmem>>, vector<16xf32>,
        %add3A_992 = arith.addf %get3A_961, %get3A_979 : vector<16xf32>
        %swap3A_993 = arith.index_cast %add3A_941 : i32 to index
        %swap3A_994 = arith.constant 16 : index
        %swap3A_995 = tpu.vector_load %arg12[%swap3A_993, %swap3A_994] {strides = array<i32>} : memref<128x128xf32, #tpu.memory_space<vmem>>, vector<16xf32>,
        tpu.vector_store %arg12[%swap3A_993, %swap3A_994], %add3A_992 {strides = array<i32>} : memref<128x128xf32, #tpu.memory_space<vmem>>, vector<16xf32>,
        %add3A_996 = arith.addf %get3A_966, %get3A_983 : vector<16xf32>
        %swap3A_997 = arith.index_cast %add3A_941 : i32 to index
        %swap3A_998 = arith.constant 32 : index
        %swap3A_999 = tpu.vector_load %arg12[%swap3A_997, %swap3A_998] {strides = array<i32>} : memref<128x128xf32, #tpu.memory_space<vmem>>, vector<16xf32>,
        tpu.vector_store %arg12[%swap3A_997, %swap3A_998], %add3A_996 {strides = array<i32>} : memref<128x128xf32, #tpu.memory_space<vmem>>, vector<16xf32>,
        %add3A_1000 = arith.addf %get3A_971, %get3A_987 : vector<16xf32>
        %swap3A_1001 = arith.index_cast %add3A_941 : i32 to index
        %swap3A_1002 = arith.constant 48 : index
        %swap3A_1003 = tpu.vector_load %arg12[%swap3A_1001, %swap3A_1002] {strides = array<i32>} : memref<128x128xf32, #tpu.memory_space<vmem>>, vector<16xf32>,
        tpu.vector_store %arg12[%swap3A_1001, %swap3A_1002], %add3A_1000 {strides = array<i32>} : memref<128x128xf32, #tpu.memory_space<vmem>>, vector<16xf32>,
        %add3A_1004 = arith.constant 14 : i32
        %add3A_1005 = arith.addi %mul3A_103, %add3A_1004 : i32
        %add3A_1006 = arith.addi %rem3A_87, %add3A_1005 : i32
        %ge3A_1007 = arith.constant 200 : i32
        %ge3A_1008 = arith.cmpi sge, %add3A_1006, %ge3A_1007 : i32
        %sub3A_1009 = arith.constant 200 : i32
        %sub3A_1010 = arith.subi %add3A_1006, %sub3A_1009 : i32
        %select_n3A_1011 = arith.select %ge3A_1008, %sub3A_1010, %add3A_1006 : i32
        %mul3A_1012 = arith.constant 64 : i32
        %mul3A_1013 = arith.muli %select_n3A_1011, %mul3A_1012 : i32
        %slice3A_1014 = vector.extract_strided_slice %mul3A_112 {offsets = [14], sizes = [1], strides = [1]} : vector<16xi32> to vector<1xi32>
        %squeeze3A_1015 = vector.extract %slice3A_1014[0] : i32 from vector<1xi32>
        %add3A_1016 = arith.constant 0 : i32
        %add3A_1017 = arith.addi %squeeze3A_1015, %add3A_1016 : i32
        %get3A_1018 = arith.index_cast %add3A_1005 : i32 to index
        %get3A_1019 = arith.index_cast %add3A_1017 : i32 to index
        %get3A_1020 = tpu.vector_load %arg10[%get3A_1018, %get3A_1019] {strides = array<i32>} : memref<128x128xf32, #tpu.memory_space<vmem>>, vector<16xf32>,
        %add3A_1021 = arith.constant 16 : i32
        %add3A_1022 = arith.addi %squeeze3A_1015, %add3A_1021 : i32
        %get3A_1023 = arith.index_cast %add3A_1005 : i32 to index
        %get3A_1024 = arith.index_cast %add3A_1022 : i32 to index
        %get3A_1025 = tpu.vector_load %arg10[%get3A_1023, %get3A_1024] {strides = array<i32>} : memref<128x128xf32, #tpu.memory_space<vmem>>, vector<16xf32>,
        %add3A_1026 = arith.constant 32 : i32
        %add3A_1027 = arith.addi %squeeze3A_1015, %add3A_1026 : i32
        %get3A_1028 = arith.index_cast %add3A_1005 : i32 to index
        %get3A_1029 = arith.index_cast %add3A_1027 : i32 to index
        %get3A_1030 = tpu.vector_load %arg10[%get3A_1028, %get3A_1029] {strides = array<i32>} : memref<128x128xf32, #tpu.memory_space<vmem>>, vector<16xf32>,
        %add3A_1031 = arith.constant 48 : i32
        %add3A_1032 = arith.addi %squeeze3A_1015, %add3A_1031 : i32
        %get3A_1033 = arith.index_cast %add3A_1005 : i32 to index
        %get3A_1034 = arith.index_cast %add3A_1032 : i32 to index
        %get3A_1035 = tpu.vector_load %arg10[%get3A_1033, %get3A_1034] {strides = array<i32>} : memref<128x128xf32, #tpu.memory_space<vmem>>, vector<16xf32>,
        %add3A_1036 = arith.constant 0 : i32
        %add3A_1037 = arith.addi %mul3A_1013, %add3A_1036 : i32
        %get3A_1038 = arith.index_cast %add3A_1037 : i32 to index
        %get3A_1039 = tpu.vector_load %arg8[%get3A_1038] {strides = array<i32>} : memref<12800xf32, #tpu.memory_space<vmem>>, vector<16xf32>,
        %add3A_1040 = arith.constant 16 : i32
        %add3A_1041 = arith.addi %mul3A_1013, %add3A_1040 : i32
        %get3A_1042 = arith.index_cast %add3A_1041 : i32 to index
        %get3A_1043 = tpu.vector_load %arg8[%get3A_1042] {strides = array<i32>} : memref<12800xf32, #tpu.memory_space<vmem>>, vector<16xf32>,
        %add3A_1044 = arith.constant 32 : i32
        %add3A_1045 = arith.addi %mul3A_1013, %add3A_1044 : i32
        %get3A_1046 = arith.index_cast %add3A_1045 : i32 to index
        %get3A_1047 = tpu.vector_load %arg8[%get3A_1046] {strides = array<i32>} : memref<12800xf32, #tpu.memory_space<vmem>>, vector<16xf32>,
        %add3A_1048 = arith.constant 48 : i32
        %add3A_1049 = arith.addi %mul3A_1013, %add3A_1048 : i32
        %get3A_1050 = arith.index_cast %add3A_1049 : i32 to index
        %get3A_1051 = tpu.vector_load %arg8[%get3A_1050] {strides = array<i32>} : memref<12800xf32, #tpu.memory_space<vmem>>, vector<16xf32>,
        %add3A_1052 = arith.addf %get3A_1020, %get3A_1039 : vector<16xf32>
        %swap3A_1053 = arith.index_cast %add3A_1005 : i32 to index
        %swap3A_1054 = arith.constant 0 : index
        %swap3A_1055 = tpu.vector_load %arg12[%swap3A_1053, %swap3A_1054] {strides = array<i32>} : memref<128x128xf32, #tpu.memory_space<vmem>>, vector<16xf32>,
        tpu.vector_store %arg12[%swap3A_1053, %swap3A_1054], %add3A_1052 {strides = array<i32>} : memref<128x128xf32, #tpu.memory_space<vmem>>, vector<16xf32>,
        %add3A_1056 = arith.addf %get3A_1025, %get3A_1043 : vector<16xf32>
        %swap3A_1057 = arith.index_cast %add3A_1005 : i32 to index
        %swap3A_1058 = arith.constant 16 : index
        %swap3A_1059 = tpu.vector_load %arg12[%swap3A_1057, %swap3A_1058] {strides = array<i32>} : memref<128x128xf32, #tpu.memory_space<vmem>>, vector<16xf32>,
        tpu.vector_store %arg12[%swap3A_1057, %swap3A_1058], %add3A_1056 {strides = array<i32>} : memref<128x128xf32, #tpu.memory_space<vmem>>, vector<16xf32>,
        %add3A_1060 = arith.addf %get3A_1030, %get3A_1047 : vector<16xf32>
        %swap3A_1061 = arith.index_cast %add3A_1005 : i32 to index
        %swap3A_1062 = arith.constant 32 : index
        %swap3A_1063 = tpu.vector_load %arg12[%swap3A_1061, %swap3A_1062] {strides = array<i32>} : memref<128x128xf32, #tpu.memory_space<vmem>>, vector<16xf32>,
        tpu.vector_store %arg12[%swap3A_1061, %swap3A_1062], %add3A_1060 {strides = array<i32>} : memref<128x128xf32, #tpu.memory_space<vmem>>, vector<16xf32>,
        %add3A_1064 = arith.addf %get3A_1035, %get3A_1051 : vector<16xf32>
        %swap3A_1065 = arith.index_cast %add3A_1005 : i32 to index
        %swap3A_1066 = arith.constant 48 : index
        %swap3A_1067 = tpu.vector_load %arg12[%swap3A_1065, %swap3A_1066] {strides = array<i32>} : memref<128x128xf32, #tpu.memory_space<vmem>>, vector<16xf32>,
        tpu.vector_store %arg12[%swap3A_1065, %swap3A_1066], %add3A_1064 {strides = array<i32>} : memref<128x128xf32, #tpu.memory_space<vmem>>, vector<16xf32>,
        %add3A_1068 = arith.constant 15 : i32
        %add3A_1069 = arith.addi %mul3A_103, %add3A_1068 : i32
        %add3A_1070 = arith.addi %rem3A_87, %add3A_1069 : i32
        %ge3A_1071 = arith.constant 200 : i32
        %ge3A_1072 = arith.cmpi sge, %add3A_1070, %ge3A_1071 : i32
        %sub3A_1073 = arith.constant 200 : i32
        %sub3A_1074 = arith.subi %add3A_1070, %sub3A_1073 : i32
        %select_n3A_1075 = arith.select %ge3A_1072, %sub3A_1074, %add3A_1070 : i32
        %mul3A_1076 = arith.constant 64 : i32
        %mul3A_1077 = arith.muli %select_n3A_1075, %mul3A_1076 : i32
        %slice3A_1078 = vector.extract_strided_slice %mul3A_112 {offsets = [15], sizes = [1], strides = [1]} : vector<16xi32> to vector<1xi32>
        %squeeze3A_1079 = vector.extract %slice3A_1078[0] : i32 from vector<1xi32>
        %add3A_1080 = arith.constant 0 : i32
        %add3A_1081 = arith.addi %squeeze3A_1079, %add3A_1080 : i32
        %get3A_1082 = arith.index_cast %add3A_1069 : i32 to index
        %get3A_1083 = arith.index_cast %add3A_1081 : i32 to index
        %get3A_1084 = tpu.vector_load %arg10[%get3A_1082, %get3A_1083] {strides = array<i32>} : memref<128x128xf32, #tpu.memory_space<vmem>>, vector<16xf32>,
        %add3A_1085 = arith.constant 16 : i32
        %add3A_1086 = arith.addi %squeeze3A_1079, %add3A_1085 : i32
        %get3A_1087 = arith.index_cast %add3A_1069 : i32 to index
        %get3A_1088 = arith.index_cast %add3A_1086 : i32 to index
        %get3A_1089 = tpu.vector_load %arg10[%get3A_1087, %get3A_1088] {strides = array<i32>} : memref<128x128xf32, #tpu.memory_space<vmem>>, vector<16xf32>,
        %add3A_1090 = arith.constant 32 : i32
        %add3A_1091 = arith.addi %squeeze3A_1079, %add3A_1090 : i32
        %get3A_1092 = arith.index_cast %add3A_1069 : i32 to index
        %get3A_1093 = arith.index_cast %add3A_1091 : i32 to index
        %get3A_1094 = tpu.vector_load %arg10[%get3A_1092, %get3A_1093] {strides = array<i32>} : memref<128x128xf32, #tpu.memory_space<vmem>>, vector<16xf32>,
        %add3A_1095 = arith.constant 48 : i32
        %add3A_1096 = arith.addi %squeeze3A_1079, %add3A_1095 : i32
        %get3A_1097 = arith.index_cast %add3A_1069 : i32 to index
        %get3A_1098 = arith.index_cast %add3A_1096 : i32 to index
        %get3A_1099 = tpu.vector_load %arg10[%get3A_1097, %get3A_1098] {strides = array<i32>} : memref<128x128xf32, #tpu.memory_space<vmem>>, vector<16xf32>,
        %add3A_1100 = arith.constant 0 : i32
        %add3A_1101 = arith.addi %mul3A_1077, %add3A_1100 : i32
        %get3A_1102 = arith.index_cast %add3A_1101 : i32 to index
        %get3A_1103 = tpu.vector_load %arg8[%get3A_1102] {strides = array<i32>} : memref<12800xf32, #tpu.memory_space<vmem>>, vector<16xf32>,
        %add3A_1104 = arith.constant 16 : i32
        %add3A_1105 = arith.addi %mul3A_1077, %add3A_1104 : i32
        %get3A_1106 = arith.index_cast %add3A_1105 : i32 to index
        %get3A_1107 = tpu.vector_load %arg8[%get3A_1106] {strides = array<i32>} : memref<12800xf32, #tpu.memory_space<vmem>>, vector<16xf32>,
        %add3A_1108 = arith.constant 32 : i32
        %add3A_1109 = arith.addi %mul3A_1077, %add3A_1108 : i32
        %get3A_1110 = arith.index_cast %add3A_1109 : i32 to index
        %get3A_1111 = tpu.vector_load %arg8[%get3A_1110] {strides = array<i32>} : memref<12800xf32, #tpu.memory_space<vmem>>, vector<16xf32>,
        %add3A_1112 = arith.constant 48 : i32
        %add3A_1113 = arith.addi %mul3A_1077, %add3A_1112 : i32
        %get3A_1114 = arith.index_cast %add3A_1113 : i32 to index
        %get3A_1115 = tpu.vector_load %arg8[%get3A_1114] {strides = array<i32>} : memref<12800xf32, #tpu.memory_space<vmem>>, vector<16xf32>,
        %add3A_1116 = arith.addf %get3A_1084, %get3A_1103 : vector<16xf32>
        %swap3A_1117 = arith.index_cast %add3A_1069 : i32 to index
        %swap3A_1118 = arith.constant 0 : index
        %swap3A_1119 = tpu.vector_load %arg12[%swap3A_1117, %swap3A_1118] {strides = array<i32>} : memref<128x128xf32, #tpu.memory_space<vmem>>, vector<16xf32>,
        tpu.vector_store %arg12[%swap3A_1117, %swap3A_1118], %add3A_1116 {strides = array<i32>} : memref<128x128xf32, #tpu.memory_space<vmem>>, vector<16xf32>,
        %add3A_1120 = arith.addf %get3A_1089, %get3A_1107 : vector<16xf32>
        %swap3A_1121 = arith.index_cast %add3A_1069 : i32 to index
        %swap3A_1122 = arith.constant 16 : index
        %swap3A_1123 = tpu.vector_load %arg12[%swap3A_1121, %swap3A_1122] {strides = array<i32>} : memref<128x128xf32, #tpu.memory_space<vmem>>, vector<16xf32>,
        tpu.vector_store %arg12[%swap3A_1121, %swap3A_1122], %add3A_1120 {strides = array<i32>} : memref<128x128xf32, #tpu.memory_space<vmem>>, vector<16xf32>,
        %add3A_1124 = arith.addf %get3A_1094, %get3A_1111 : vector<16xf32>
        %swap3A_1125 = arith.index_cast %add3A_1069 : i32 to index
        %swap3A_1126 = arith.constant 32 : index
        %swap3A_1127 = tpu.vector_load %arg12[%swap3A_1125, %swap3A_1126] {strides = array<i32>} : memref<128x128xf32, #tpu.memory_space<vmem>>, vector<16xf32>,
        tpu.vector_store %arg12[%swap3A_1125, %swap3A_1126], %add3A_1124 {strides = array<i32>} : memref<128x128xf32, #tpu.memory_space<vmem>>, vector<16xf32>,
        %add3A_1128 = arith.addf %get3A_1099, %get3A_1115 : vector<16xf32>
        %swap3A_1129 = arith.index_cast %add3A_1069 : i32 to index
        %swap3A_1130 = arith.constant 48 : index
        %swap3A_1131 = tpu.vector_load %arg12[%swap3A_1129, %swap3A_1130] {strides = array<i32>} : memref<128x128xf32, #tpu.memory_space<vmem>>, vector<16xf32>,
        tpu.vector_store %arg12[%swap3A_1129, %swap3A_1130], %add3A_1128 {strides = array<i32>} : memref<128x128xf32, #tpu.memory_space<vmem>>, vector<16xf32>,
      }
      %scan3A_93 = arith.constant 8 : i32
      %mul3A_94 = arith.constant 128 : i32
      %mul3A_95 = arith.muli %add3A_67, %mul3A_94 : i32
      %add3A_96 = arith.addi %mul3A_13, %mul3A_95 : i32
      %dma_start3A_97 = arith.constant 0 : i32
      %dma_start3A_98 = tpu.memref_slice %arg5[%add3A_96, %dma_start3A_97] : memref<204800x128xf32, #tpu.memory_space<hbm>> -> memref<128x128xf32, #tpu.memory_space<hbm>>
      %dma_start3A_99 = arith.constant 0 : i32
      %dma_start3A_100 = tpu.memref_slice %arg5[%add3A_96, %dma_start3A_99] : memref<204800x128xf32, #tpu.memory_space<hbm>> -> memref<128x128xf32, #tpu.memory_space<hbm>>
      tpu.enqueue_dma source(%arg12 : memref<128x128xf32, #tpu.memory_space<vmem>>) target(%dma_start3A_100 : memref<128x128xf32, #tpu.memory_space<hbm>>) target_semaphore(%arg16 : memref<!tpu.dma_semaphore, #tpu.memory_space<semaphore_mem>>)
    }
    %scan3A_19 = arith.constant 25 : i32
    %add3A_20 = arith.constant 6144 : i32
    %add3A_21 = arith.addi %mul3A_13, %add3A_20 : i32
    %dma_wait3A = arith.constant 0 : i32
    %dma_wait3A_22 = tpu.memref_slice %arg5[%add3A_21, %dma_wait3A] : memref<204800x128xf32, #tpu.memory_space<hbm>> -> memref<128x128xf32, #tpu.memory_space<hbm>>
    %dma_wait3A_23 = arith.constant 0 : i32
    %dma_wait3A_24 = tpu.memref_slice %arg5[%add3A_21, %dma_wait3A_23] : memref<204800x128xf32, #tpu.memory_space<hbm>> -> memref<128x128xf32, #tpu.memory_space<hbm>>
    tpu.wait_dma2 semaphore(%arg15 : memref<!tpu.dma_semaphore, #tpu.memory_space<semaphore_mem>>) src(%arg11 : memref<128x128xf32, #tpu.memory_space<vmem>>) dst(%dma_wait3A_24 : memref<128x128xf32, #tpu.memory_space<hbm>>)
    %add3A_25 = arith.constant 6272 : i32
    %add3A_26 = arith.addi %mul3A_13, %add3A_25 : i32
    %dma_wait3A_27 = arith.constant 0 : i32
    %dma_wait3A_28 = tpu.memref_slice %arg5[%add3A_26, %dma_wait3A_27] : memref<204800x128xf32, #tpu.memory_space<hbm>> -> memref<128x128xf32, #tpu.memory_space<hbm>>
    %dma_wait3A_29 = arith.constant 0 : i32
    %dma_wait3A_30 = tpu.memref_slice %arg5[%add3A_26, %dma_wait3A_29] : memref<204800x128xf32, #tpu.memory_space<hbm>> -> memref<128x128xf32, #tpu.memory_space<hbm>>
    tpu.wait_dma2 semaphore(%arg16 : memref<!tpu.dma_semaphore, #tpu.memory_space<semaphore_mem>>) src(%arg12 : memref<128x128xf32, #tpu.memory_space<vmem>>) dst(%dma_wait3A_30 : memref<128x128xf32, #tpu.memory_space<hbm>>)
    return
  }
}

</mosaic_0001>

<sc_bundles>
// kernel: kernel.3.cloned.1.call-start
scs
__scs_entry_jumppad:
0x0: {  	(pc) =	sbr.rel $0x88, $3  }
0x1: {  	(tag) =	ssettag $0x0;
	lr =	simm.s32 $0x1  }
0x2: {  	[smem:$0x3F9E] =	sst lr;
	_ =	strace $0xD0000000  }
0x3: {  	_ = 	snop  }
0x4: {  	_ = 	snop  }
0x5: {  	_ = 	snop  }
0x6: {  	_ = 	snop  }
0x7: {  	_ = 	snop  }
__scs_overlays_trampoline_lowered:
0x8: {  	[smem:$0x3FAD] =	sst s0  }
0x9: {  	[smem:$0x3FAE] =	sst s1  }
0xa: {  	[smem:$0x3FAF] =	sst s2  }
0xb: {  	[smem:$0x3FB0] =	sst s3  }
0xc: {  	[smem:$0x3FB1] =	sst s4  }
0xd: {  	[smem:$0x3FB2] =	sst s5  }
0xe: {  	[smem:$0x3FB3] =	sst s6  }
0xf: {  	[smem:$0x3FB4] =	sst s7  }
0x10: {  	[smem:$0x3FB5] =	sst s8  }
0x11: {  	[smem:$0x3FB6] =	sst s9;
	s0 =	simm.s32 @!p0 $0x0  }
0x12: {  	s1 =	sld [smem:$0x3F9C];
	s0 =	simm.s32 @p0 $0x1  }
0x13: {  	[smem:$0x3FB7] =	sst s0;
	s0 =	simm.s32 @!p1 $0x0  }
0x14: {  	s2 =	sld [smem:$0x3F9B];
	s0 =	simm.s32 @p1 $0x1  }
0x15: {  	[smem:$0x3FB8] =	sst s0;
	s0 =	simm.s32 @!p2 $0x0  }
0x16: {  	s3 =	sld [smem:$0x3FDB];
	s0 =	simm.s32 @p2 $0x1  }
0x17: {  	s4 =	simm.s32 $0x1BF5;
	[smem:$0x3FBA] =	sst s0  }
0x18: {  	s0 =	sld [smem:$0x3F9D];
	_ =	swait.ge [sflag:s4], $0x0  }
0x19: {  	s7 =	sld [smem:$0x3F9E]  }
0x1a: {  	s8 =	sadd.s32 $0xFFFFE003, lr  }
0x1b: {  	s9 =	sadd.s32 $0xFFFFFEF7, lr;
	s5 =	simm.s32 $0xFFFFFFFF;
	p2 =	slt.u32 s8, $0xFFFFF086  }
0x1c: {  	p1 =	slt.u32 s9, $0xF7A;
	s5 =	simm.s32 @!p2 $0x0  }
0x1d: {  	s5 =	simm.s32 @p1 $0x1;
	p0 =	seq.s32 s7, s2  }
0x1e: {  	s7 =	smul.u32 @!p0 $0xF7A, s2;
	p2 =	seq.s32 @!p0 s5, $0x0  }
0x1f: {  	s9 =	smul.u32 $0xF7A, s1;
	s8 =	simm.s32 @!p0 $0x1BF5;
	p2 =	por !p2, p0  }
0x20: {  	[sflag:s8] =	ssyncset.s32 @!p0 $0xFFFFF086;
	s6 =	sadd.s32 @!p0 s3, s7;
	s7 =	simm.s32 @!p0 $0x108  }
0x21: {  	s3 =	sadd.s32 s3, s9;
	s6 =	sadd.s32 @!p0 $0x88, s6;
	s7 =	simm.s32 @p2 $0x1082  }
0x22: {  	[simem:s7], [sflag:s8] =	dma.local @!p0 [hbm:s6], $0xF7A  }
0x23: {  	s9 =	sor.u32 $0xD0000000, s2;
	s6 =	simm.s32 $0x108;
	_ =	swait.ge @!p0 [sflag:s8], $0x0  }
0x24: {  	s3 =	sadd.s32 $0x88, s3;
	s6 =	simm.s32 @!p1 $0x1082;
	[sflag:s4] =	ssyncset.s32 $0xFFFFF086  }
0x25: {  	[simem:s6], [sflag:s4] =	dma.local [hbm:s3], $0xF7A  }
0x26: {  	[smem:$0x3F9E] =	sst s1;
	(tag) =	ssettag s2;
	_ =	strace s9  }
0x27: {  	s1 =	sld [smem:$0x3FAE]  }
0x28: {  	s2 =	sld [smem:$0x3FAF]  }
0x29: {  	s4 =	sld [smem:$0x3FB1]  }
0x2a: {  	p0 =	seq.s32 s5, $0x0;
	s5 =	sld [smem:$0x3FB2]  }
0x2b: {  	s6 =	sld [smem:$0x3FB3]  }
0x2c: {  	s7 =	sld [smem:$0x3FB4]  }
0x2d: {  	s3 =	simm.s32 $0x108;
	s8 =	sld [smem:$0x3FB5]  }
0x2e: {  	s3 =	simm.s32 @!p0 $0x1082;
	s9 =	sld [smem:$0x3FB6]  }
0x2f: {  	lr =	sadd.s32 s0, s3;
	s0 =	sld [smem:$0x3FAD]  }
0x30: {  	s3 =	sld [smem:$0x3FB0]  }
0x31: {  	[smem:$0x3FB9] =	sst s10  }
0x32: {  	s10 =	sld [smem:$0x3FB7];
	_ =	sdelay $0x3  }
0x33: {  	p0 =	seq.s32 s10, $0x1;
	s10 =	sld [smem:$0x3FB9];
	_ =	sdelay $0x3  }
0x34: {  	[smem:$0x3FB9] =	sst s10  }
0x35: {  	s10 =	sld [smem:$0x3FB8];
	_ =	sdelay $0x3  }
0x36: {  	p1 =	seq.s32 s10, $0x1;
	s10 =	sld [smem:$0x3FB9];
	_ =	sdelay $0x3  }
0x37: {  	[smem:$0x3FB9] =	sst s10  }
0x38: {  	s10 =	sld [smem:$0x3FBA]  }
0x39: {  	_ = 	snop;
	(pc) =	sbr.ind lr, $3  }
0x3a: {  	_ = 	snop  }
0x3b: {  	_ = 	snop  }
0x3c: {  	p2 =	seq.s32 s10, $0x1;
	s10 =	sld [smem:$0x3FB9]  }
0x3d: {  	_ =	shalt  }
0x3e: {  	_ =	shalt  }
0x3f: {  	_ =	shalt  }
0x40: {  	_ =	shalt  }
0x41: {  	_ =	shalt  }
0x42: {  	_ =	shalt  }
0x43: {  	_ =	shalt  }
0x44: {  	_ =	shalt  }
0x45: {  	_ =	shalt  }
0x46: {  	_ =	shalt  }
0x47: {  	_ =	shalt  }
0x48: {  	_ =	shalt  }
0x49: {  	_ =	shalt  }
0x4a: {  	_ =	shalt  }
0x4b: {  	_ =	shalt  }
0x4c: {  	_ =	shalt  }
0x4d: {  	_ =	shalt  }
0x4e: {  	_ =	shalt  }
0x4f: {  	_ =	shalt  }
0x50: {  	_ =	shalt  }
0x51: {  	_ =	shalt  }
0x52: {  	_ =	shalt  }
0x53: {  	_ =	shalt  }
0x54: {  	_ =	shalt  }
0x55: {  	_ =	shalt  }
0x56: {  	_ =	shalt  }
0x57: {  	_ =	shalt  }
0x58: {  	_ =	shalt  }
0x59: {  	_ =	shalt  }
0x5a: {  	_ =	shalt  }
0x5b: {  	_ =	shalt  }
0x5c: {  	_ =	shalt  }
0x5d: {  	_ =	shalt  }
0x5e: {  	_ =	shalt  }
0x5f: {  	_ =	shalt  }
0x60: {  	_ =	shalt  }
0x61: {  	_ =	shalt  }
0x62: {  	_ =	shalt  }
0x63: {  	_ =	shalt  }
0x64: {  	_ =	shalt  }
0x65: {  	_ =	shalt  }
0x66: {  	_ =	shalt  }
0x67: {  	_ =	shalt  }
0x68: {  	_ =	shalt  }
0x69: {  	_ =	shalt  }
0x6a: {  	_ =	shalt  }
0x6b: {  	_ =	shalt  }
0x6c: {  	_ =	shalt  }
0x6d: {  	_ =	shalt  }
0x6e: {  	_ =	shalt  }
0x6f: {  	_ =	shalt  }
0x70: {  	_ =	shalt  }
0x71: {  	_ =	shalt  }
0x72: {  	_ =	shalt  }
0x73: {  	_ =	shalt  }
0x74: {  	_ =	shalt  }
0x75: {  	_ =	shalt  }
0x76: {  	_ =	shalt  }
0x77: {  	_ =	shalt  }
0x78: {  	_ =	shalt  }
0x79: {  	_ =	shalt  }
0x7a: {  	_ =	shalt  }
0x7b: {  	_ =	shalt  }
0x7c: {  	_ =	shalt  }
0x7d: {  	_ =	shalt  }
0x7e: {  	_ =	shalt  }
0x7f: {  	_ =	shalt  }
0x80: {  	_ =	shalt  }
0x81: {  	_ =	shalt  }
0x82: {  	_ =	shalt  }
0x83: {  	_ =	shalt  }
0x84: {  	_ =	shalt  }
0x85: {  	_ =	shalt  }
0x86: {  	_ =	shalt  }
0x87: {  	_ =	shalt  }
.Lfunc_end0:
.L_simem_size_0:
called_computation.1_lowered:
.L_overlay_start_0:
0x88: {  	s2 =	sld [smem:$0x3FD9]  }
0x89: {  	s3 =	sld [smem:$0x3FFE];
	_ =	sdelay $0x1  }
0x8a: {  	s1 =	srdreg.scid  }
0x8b: {  	s0 =	sand.u32 $0x1, s1  }
0x8c: {  	s17 =	sshll.u32 s0, $0xA;
	s2 =	sadd.s32 s3, s2  }
0x8d: {  	s2 =	sadd.s32 s2, s17  }
0x8e: {  	[smem:$0x3FC5] =	sst s2  }
0x8f: {  	_ = 	snop  }
0x90: {  	s2 =	sld [smem:$0x3FD0];
	(tm) =	ssettm $0x1  }
0x91: {  	s18 =	sld [smem:$0x3FFB];
	_ =	sdelay $0x3  }
0x92: {  	_ =	strace s18  }
0x93: {  	s3 =	sld [smem:$0x3FFC];
	_ =	sdelay $0x3  }
0x94: {  	_ =	strace s3  }
0x95: {  	s3 =	sld [smem:$0x3FFD];
	_ =	sdelay $0x3  }
0x96: {  	_ =	strace s3  }
0x97: {  	_ =	strace $0x8FFFFFFF  }
0x98: {  	s19 =	sld [smem:$0x3FDB];
	_ =	sdelay $0x1  }
0x99: {  	s4 =	simm.s32 $_scs_section_size  }
0x9a: {  	s5 =	simm.s32 $_size__tile_overlayer_lowered;
	s6 =	simm.s32 $_tile_overlayer_lowered  }
0x9b: {  	s22 =	simm.s32 $0x1BFF;
	s21 =	sshll.u32 s6, $0x1;
	s3 =	sadd.s32 s4, s19  }
0x9c: {  	s7 =	simm.s32 $0x0;
	s20 =	sshll.u32 s5, $0x1;
	s5 =	sadd.s32 s21, s3  }
0x9d: {  	[timem:s7], [sflag:s22] =	dma.local [hbm:s5], s20  }
0x9e: {  	_ =	swait.ge [sflag:s22], s20  }
0x9f: {  	s4 =	ssub.s32 $0x0, s20;
	[sflag:s22] =	ssyncset.done $0x0  }
0xa0: {  	[sflag:s22] =	ssyncadd.s32 s4;
	_ =	sdelay $0x1  }
0xa1: {  	s23 =	simm.s32 $0x1B8B  }
0xa2: {  	_ =	swait.ge [sflag:s23], $0x1  }
0xa3: {  	[sflag:s23] =	ssyncset.done $0x0  }
0xa4: {  	s25 =	simm.s32 $0x1B8E;
	s24 =	sld [smem:$0x3FFE];
	[sflag:s23] =	ssyncadd.s32 $0xFFFFFFFF  }
0xa5: {  	s26 =	simm.s32 $execute0_lowered;
	[smem:$0x3FD2] =	sst s25  }
0xa6: {  	s5 =	sshll.u32 s26, $0x1;
	_ =	strace $0x80000046;
	[dreg:$0x1] =	wrdreg $0xFFFFFFFF  }
0xa7: {  	s28 =	simm.s32 $_size_execute0_lowered;
	s3 =	sadd.s32 s3, s5;
	[dreg:$0x0] =	wrdreg $0x0  }
0xa8: {  	s5 =	sshll.u32 s28, $0x1;
	[dreg:$0x2] =	wrdreg s3  }
0xa9: {  	[dreg:$0x3] =	wrdreg s5  }
0xaa: {  	[dreg:$0x4] =	wrdreg $0xC0  }
0xab: {  	_ =	task [dreg:s7], $0x5FFFF  }
0xac: {  	[dreg:$0x1] =	wrdreg $0xFFFFFFFF  }
0xad: {  	[dreg:$0x0] =	wrdreg $0x60  }
0xae: {  	[dreg:$0x2] =	wrdreg s2  }
0xaf: {  	[dreg:$0x3] =	wrdreg s24  }
0xb0: {  	[dreg:$0x4] =	wrdreg $0x9  }
0xb1: {  	_ =	task.clear_ibuf [dreg:s7], $0x5FFFF;
	_ =	strace $0x90000046  }
0xb2: {  	s29 =	simm.s32 $0x9;
	_ =	strace $0x80000048  }
0xb3: {  	_ =	swait.ge [sflag:s29], $0x1  }
0xb4: {  	[sflag:s29] =	ssyncadd.s32 $0xFFFFFFFF  }
0xb5: {  	_ =	strace $0x90000048  }
0xb6: {  	_ =	sfence  }
0xb7: {  	s30 =	sld [smem:$0x0];
	_ =	sdelay $0x2  }
0xb8: {  	s31 =	sshll.u32 s1, $0xD;
	s1 =	sshrl.u32 s1, $0x2  }
0xb9: {  	s3 =	sand.u32 $0x4000, s31;
	s1 =	sadd.s32 s1, s30  }
0xba: {  	s0 =	sor.u32 s3, s0;
	s1 =	sshll.u32 s1, $0x11  }
0xbb: {  	s0 =	sor.u32 s1, s0  }
0xbc: {  	s0 =	sadd.s32 $0x8F2B, s0  }
0xbd: {  	[sflag:s0] =	ssyncadd.remote.s32 $0x1  }
0xbe: {  	_ =	sfence.sel $0xFFFF  }
0xbf: {  	[dreg:$0x0] =	wrdreg $0xFFFFFFFF;
	(pc) =	sbr.abs _section_cstart, $3  }
0xc0: {  	[dreg:$0x1] =	wrdreg $0xFFFFFFFF  }
0xc1: {  	_ =	task.clear_ibuf [dreg:s7], $0x2FFFF;
	_ =	strace $0x9FFFFFFF  }
0xc2: {  	(tm) =	ssettm $0x7FFFFFFF  }
0xc3: {  	_ =	shalt  }
tec
execute0_lowered:
.L_overlay_start_1:
0x0: {  	(tag) =	ssettag $0x1  }
0x1: {  	s0 =	rddreg [dreg:$0x0]  }
0x2: {  	s3 =	rddreg [dreg:$0x1];
	s1 =	simm.s32 $0x0  }
0x3: {  	s2 =	simm.s32 $0xFFFFCE40;
	[smem:$0x7FF] =	sst s1  }
0x4: {  	s24 =	simm.s32 $0xFFFFCE80;
	_ =	strace $0x80000047;
	[dreg:$0x3] =	wrdreg s2  }
0x5: {  	s25 =	simm.s32 $0xFFFFCEC0;
	[dreg:$0x4] =	wrdreg s24  }
0x6: {  	s26 =	simm.s32 $0xFFFFCF00;
	[dreg:$0x5] =	wrdreg s25  }
0x7: {  	s28 =	simm.s32 $0xFFFFCF40;
	[dreg:$0x6] =	wrdreg s26  }
0x8: {  	s29 =	simm.s32 $0xFFFFCF80;
	[dreg:$0x7] =	wrdreg s28  }
0x9: {  	s4 =	simm.s32 $0xFFFFCFC0;
	[dreg:$0x8] =	wrdreg s29  }
0xa: {  	s5 =	sadd.s32 $0xC00, s3;
	[dreg:$0x9] =	wrdreg s4  }
0xb: {  	s30 =	simm.s32 $0xFFFFD000;
	[smem:$0x7F8] =	sst s5  }
0xc: {  	s31 =	simm.s32 $0xFFFFD040;
	[dreg:$0xa] =	wrdreg s30  }
0xd: {  	s6 =	simm.s32 $0xFFFFD080;
	[dreg:$0xb] =	wrdreg s31  }
0xe: {  	s8 =	simm.s32 $0xFFFFD0C0;
	[dreg:$0xc] =	wrdreg s6  }
0xf: {  	s9 =	simm.s32 $0xFFFFD100;
	[dreg:$0xd] =	wrdreg s8  }
0x10: {  	s10 =	simm.s32 $0xFFFFD140;
	[dreg:$0xe] =	wrdreg s9  }
0x11: {  	s11 =	simm.s32 $0xFFFFD180;
	[dreg:$0xf] =	wrdreg s10  }
0x12: {  	s12 =	simm.s32 $0xFFFFD1C0;
	[dreg:$0x10] =	wrdreg s11  }
0x13: {  	s13 =	simm.s32 $0xFFFFCA40;
	[dreg:$0x11] =	wrdreg s12  }
0x14: {  	s14 =	simm.s32 $0xFFFFCA80;
	[dreg:$0x14] =	wrdreg s13  }
0x15: {  	s15 =	simm.s32 $0xFFFFCAC0;
	[dreg:$0x15] =	wrdreg s14  }
0x16: {  	s7 =	srdreg.scid;
	s17 =	simm.s32 $0xFFFFCB00;
	[dreg:$0x16] =	wrdreg s15  }
0x17: {  	s19 =	simm.s32 $0xFFFFCB40;
	s20 =	simm.s32 $0xFFFFCB80;
	[dreg:$0x17] =	wrdreg s17  }
0x18: {  	s22 =	simm.s32 $0xFFFFCBC0;
	s23 =	simm.s32 $0xFFFFCC00;
	[dreg:$0x18] =	wrdreg s19  }
0x19: {  	s2 =	sadd.s32 $0xF43000, s3;
	s4 =	sadd.s32 $0x1400, s3;
	[dreg:$0x19] =	wrdreg s20  }
0x1a: {  	s6 =	stileid.u32;
	s5 =	sand.u32 $0x1, s7;
	[dreg:$0x1a] =	wrdreg s22  }
0x1b: {  	[dreg:$0x1b] =	wrdreg s23;
	s24 =	simm.s32 $0xFFFFCC40;
	s25 =	simm.s32 $0xFFFFCC80  }
0x1c: {  	s26 =	simm.s32 $0xFFFFCCC0;
	s13 =	simm.s32 $0x1;
	s28 =	simm.s32 $0xFFFFCD00  }
0x1d: {  	s14 =	simm.s32 $0x80;
	s29 =	simm.s32 $0xFFFFCD40;
	[dreg:$0x1c] =	wrdreg s24  }
0x1e: {  	s15 =	simm.s32 $0xA480;
	s30 =	simm.s32 $0xFFFFCD80;
	[dreg:$0x1d] =	wrdreg s25  }
0x1f: {  	s31 =	simm.s32 $0xFFFFCDC0;
	s6 =	sshll.u32 s6, $0x1;
	[dreg:$0x1e] =	wrdreg s26  }
0x20: {  	s7 =	ssub.s32 $0x2, s5;
	[dreg:$0x1f] =	wrdreg s28;
	s5 =	sor.u32 s5, s6  }
0x21: {  	[smem:$0x7FB] =	sst s29;
	s8 =	sshrl.u32 s7, $0x1;
	s6 =	smul.u32 $0x1900, s5  }
0x22: {  	s17 =	simm.s32 $0x2;
	[smem:$0x7FC] =	sst s30;
	s16 =	ssub.s32 s7, s8  }
0x23: {  	[smem:$0x7FD] =	sst s31;
	s21 =	smax.u32 s16, $0x1;
	s18 =	sshrl.u32 s6, $0x3  }
0x24: {  	s16 =	simm.s32 $0xE480;
	[smem:$0x7FA] =	sst s21;
	s0 =	sadd.s32 s0, s18  }
0x25: {  	s21 =	simm.s32 $0x0;
	s18 =	simm.s32 $0x12480;
	[smem:$0x7F9] =	sst s0  }
.LBB2_1:
0x26: {  	s0 =	sld [smem:$0x7F9];
	_ =	sdelay $0x1  }
0x27: {  	s3 =	simm.s32 $0x5  }
0x28: {  	[tilespmem:s1], [sflag:$0x5] =	stream.linear.gather [hbm4b:s0+s1], $0x1900, $0x38;
	[tilespmem:$0x16480] =	vst v63  }
0x29: {  	_ =	swait.ge [sflag:s3], $0x1900  }
0x2a: {  	s30 =	sld [smem:$0x7F8]  }
0x2b: {  	[sflag:s3] =	ssyncset.done $0x0  }
0x2c: {  	s5 =	simm.s32 $0x3280;
	[sflag:s3] =	ssyncadd.s32 $0xFFFFE700  }
0x2d: {  	[tilespmem:s5], [sflag:$0x5] =	stream.linear.gather [hbm4b:s30+s1], $0x3200, $0x38;
	[tilespmem:$0x16480] =	vst v63  }
0x2e: {  	_ =	swait.ge [sflag:s3], $0x3200  }
0x2f: {  	[sflag:s3] =	ssyncset.done $0x0  }
0x30: {  	s31 =	simm.s32 $0x20;
	[sflag:s3] =	ssyncadd.s32 $0xFFFFCE00  }
0x31: {  	v0 =	vld [tilespmem:s31+$0xFFFFFFE0];
	_ =	sdelay $0x4  }
0x32: {  	s0 =	simm.s32 $0x19A0;
	v0 =	vshra.s32 v0, $0x1  }
0x33: {  	[tilespmem:s0+$0xFFFFFFE0] =	vst v0  }
0x34: {  	v0 =	vld [tilespmem:s31+$0xFFFFFFF0];
	_ =	sdelay $0x4  }
0x35: {  	v0 =	vshra.s32 v0, $0x1  }
0x36: {  	[tilespmem:s0+$0xFFFFFFF0] =	vst v0  }
0x37: {  	v0 =	vld [tilespmem:s31+$0x0];
	_ =	sdelay $0x4  }
0x38: {  	v0 =	vshra.s32 v0, $0x1  }
0x39: {  	[tilespmem:s0+$0x0] =	vst v0  }
0x3a: {  	v0 =	vld [tilespmem:s31+$0x10];
	_ =	sdelay $0x4  }
0x3b: {  	v0 =	vshra.s32 v0, $0x1  }
0x3c: {  	s5 =	simm.s32 $0x60;
	s3 =	simm.s32 $0x0;
	[tilespmem:s0+$0x10] =	vst v0  }
.LBB2_2:
0x3d: {  	v0 =	vld [tilespmem:s5+$0xFFFFFFE0];
	s3 =	sadd.s32 $0x4, s3  }
0x3e: {  	p0 =	slt.u32 s3, $0x18C;
	_ =	sdelay $0x3  }
0x3f: {  	s0 =	sadd.s32 $0x40, s0;
	v0 =	vshra.s32 v0, $0x1  }
0x40: {  	[tilespmem:s0+$0xFFFFFFE0] =	vst v0  }
0x41: {  	v0 =	vld [tilespmem:s5+$0xFFFFFFF0];
	_ =	sdelay $0x4  }
0x42: {  	v0 =	vshra.s32 v0, $0x1  }
0x43: {  	[tilespmem:s0+$0xFFFFFFF0] =	vst v0  }
0x44: {  	v0 =	vld [tilespmem:s5+$0x0];
	_ =	sdelay $0x4  }
0x45: {  	v0 =	vshra.s32 v0, $0x1  }
0x46: {  	[tilespmem:s0+$0x0] =	vst v0  }
0x47: {  	v0 =	vld [tilespmem:s5+$0x10];
	_ =	sdelay $0x1  }
.Ltmp0:
0x48: {  	(pc) =	sbr.rel @p0 .LBB2_2-.Ltmp0, $3  }
0x49: {  	_ =	sdelay $0x1  }
0x4a: {  	v0 =	vshra.s32 v0, $0x1  }
0x4b: {  	s5 =	sadd.s32 $0x40, s5;
	[tilespmem:s0+$0x10] =	vst v0  }
0x4c: {  	s22 =	simm.s32 $0x80  }
0x4d: {  	s0 =	simm.s32 $0x1980;
	s3 =	simm.s32 $0x6480;
	s12 =	simm.s32 $0x0  }
0x4e: {  	s24 =	simm.s32 $0x8F;
	s25 =	simm.s32 $0x23C0;
	s26 =	simm.s32 $0x80  }
0x4f: {  	s28 =	simm.s32 $0x0;
	s29 =	simm.s32 $0x0;
	s30 =	simm.s32 $0x0  }
0x50: {  	[tilespmem:s3], [sflag:$0x1] =	stream.indirect.gather [hbm4b:s2+s22], $0x80, s0, s22, $0xb8;
	[tilespmem:$0x16480] =	vst v63  }
.LBB2_4:
0x51: {  	s0 =	smulhi.u32 $0x51EB851F, s26;
	_ =	sdelay $0x1  }
0x52: {  	s0 =	sshrl.u32 s0, $0x6  }
0x53: {  	s3 =	smul.u32 $0xFFFFFF38, s0  }
0x54: {  	s0 =	smul.u32 $0xFFFFCE00, s0  }
0x55: {  	s20 =	smulhi.u32 $0x51EB851F, s29;
	p0 =	seq.s32 s30, $0x0;
	[dreg:$0x12] =	wrdreg s3  }
0x56: {  	s7 =	simm.s32 @!p0 $0x3;
	[dreg:$0x13] =	wrdreg s0  }
0x57: {  	s0 =	sshll.u32 s30, $0x8;
	s3 =	sshrl.u32 s20, $0x6;
	_ =	swait.ge [sflag:s13], $0x4000  }
0x58: {  	s31 =	sand.u32 $0x3FFFFF00, s0;
	s23 =	smul.u32 $0xC8, s3;
	[sflag:s13] =	ssyncset.done $0x0  }
0x59: {  	s3 =	smul.u32 $0x3200, s3;
	s5 =	sadd.s32 $0x1A00, s31;
	[sflag:s13] =	ssyncadd.s32 $0xFFFFC000  }
0x5a: {  	[tilespmem:s15], [sflag:$0x2] =	stream.indirect.gather [hbm4b:s2+s14], $0x80, s5, s14, $0xb8;
	[tilespmem:$0x16480] =	vst v63  }
0x5b: {  	s10 =	ssub.s32 s29, s23;
	_ =	swait.ge @!p0 [sflag:s7], $0x4000  }
0x5c: {  	s9 =	ssub.s32 s28, s3;
	s23 =	smov.u32 s12;
	[sflag:s7] =	ssyncset.done @!p0 $0x0  }
0x5d: {  	s3 =	simm.s32 $0x0;
	s5 =	sshll.u32 s30, $0x1;
	[sflag:s7] =	ssyncadd.s32 @!p0 $0xFFFFC000  }
.LBB2_5:
0x5e: {  	v0 =	vld [tilespmem:s23+$0x0];
	_ =	sdelay $0x4  }
0x5f: {  	v0 =	vshll.u32 v0, $0x6  }
0x60: {  	s7 =	sshra.s32 s3, $0x2;
	v0 =	vand.u32 $0x40, v0  }
0x61: {  	v0 =	vadd.s32 s7, v0  }
0x62: {  	(v2sf) =	vpush v0, $0x1  }
0x63: {  	(v2sf) =	vpush v0, $0x0;
	_ =	sdelay $0x9  }
0x64: {  	p1 =	sgt.u32 s10, $0xC7;
	s20 =	sadd.s32 $0xFFFFCE00, s9;
	s11 =	smov.u32 s9  }
0x65: {  	s11 =	smov.u32 @p1 s20  }
0x66: {  	v5 =	vld [tilespmem:s11+$0x3280]  }
0x67: {  	v6 =	vld [tilespmem:s11+$0x3290]  }
0x68: {  	v7 =	vld [tilespmem:s11+$0x32A0];
	s8 =	spop (v2sf)  }
0x69: {  	v8 =	vld [tilespmem:s11+$0x32B0];
	s19 =	spop (v2sf)  }
0x6a: {  	v1 =	vld [tilespmem:s19+$0x6480]  }
0x6b: {  	v2 =	vld [tilespmem:s19+$0x6490]  }
0x6c: {  	v3 =	vld [tilespmem:s19+$0x64A0]  }
0x6d: {  	v4 =	vld [tilespmem:s19+$0x64B0];
	_ =	sdelay $0x1  }
0x6e: {  	v1 =	vadd.f32 v5, v1  }
0x6f: {  	v2 =	vadd.f32 v6, v2  }
0x70: {  	v48 =	vadd.f32 v7, v3;
	[tilespmem:s7+$0xE480] =	vst v1  }
0x71: {  	v49 =	vadd.f32 v8, v4;
	[tilespmem:s7+$0xE490] =	vst v2  }
0x72: {  	(v2sf) =	vpush v0, $0x3;
	[tilespmem:s7+$0xE4A0] =	vst v48  }
0x73: {  	(v2sf) =	vpush v0, $0x2;
	[tilespmem:s7+$0xE4B0] =	vst v49  }
0x74: {  	s20 =	sadd.s32 $0x1, s10;
	v1 =	vld [tilespmem:s8+$0x6500]  }
0x75: {  	s11 =	rddreg [dreg:$0x3];
	p1 =	sgt.u32 s20, $0xC7;
	v2 =	vld [tilespmem:s8+$0x6510]  }
0x76: {  	s11 =	simm.s32 @!p1 $0x40;
	v50 =	vld [tilespmem:s8+$0x6520]  }
0x77: {  	s11 =	sadd.s32 s11, s9;
	v51 =	vld [tilespmem:s8+$0x6530]  }
0x78: {  	v52 =	vld [tilespmem:s11+$0x3280]  }
0x79: {  	v53 =	vld [tilespmem:s11+$0x3290]  }
0x7a: {  	v54 =	vld [tilespmem:s11+$0x32A0]  }
0x7b: {  	v55 =	vld [tilespmem:s11+$0x32B0];
	_ =	sdelay $0x1  }
0x7c: {  	v1 =	vadd.f32 v52, v1  }
0x7d: {  	v2 =	vadd.f32 v53, v2  }
0x7e: {  	v56 =	vadd.f32 v54, v50;
	[tilespmem:s7+$0xE500] =	vst v1  }
0x7f: {  	v57 =	vadd.f32 v55, v51;
	[tilespmem:s7+$0xE510] =	vst v2  }
0x80: {  	s8 =	spop (v2sf);
	[tilespmem:s7+$0xE520] =	vst v56  }
0x81: {  	s19 =	spop (v2sf);
	[tilespmem:s7+$0xE530] =	vst v57  }
0x82: {  	s20 =	sadd.s32 $0x2, s10;
	v1 =	vld [tilespmem:s19+$0x6580]  }
0x83: {  	p1 =	sgt.u32 s20, $0xC7;
	s11 =	rddreg [dreg:$0x4];
	v2 =	vld [tilespmem:s19+$0x6590]  }
0x84: {  	s11 =	simm.s32 @!p1 $0x80;
	v58 =	vld [tilespmem:s19+$0x65A0]  }
0x85: {  	s11 =	sadd.s32 s11, s9;
	v59 =	vld [tilespmem:s19+$0x65B0]  }
0x86: {  	v60 =	vld [tilespmem:s11+$0x3280]  }
0x87: {  	v61 =	vld [tilespmem:s11+$0x3290]  }
0x88: {  	v62 =	vld [tilespmem:s11+$0x32A0]  }
0x89: {  	v63 =	vld [tilespmem:s11+$0x32B0];
	_ =	sdelay $0x1  }
0x8a: {  	v1 =	vadd.f32 v60, v1  }
0x8b: {  	v2 =	vadd.f32 v61, v2  }
0x8c: {  	v10 =	vadd.f32 v62, v58;
	[tilespmem:s7+$0xE580] =	vst v1  }
0x8d: {  	v11 =	vadd.f32 v63, v59;
	[tilespmem:s7+$0xE590] =	vst v2  }
0x8e: {  	(v2sf) =	vpush v0, $0x5;
	[tilespmem:s7+$0xE5A0] =	vst v10  }
0x8f: {  	(v2sf) =	vpush v0, $0x4;
	[tilespmem:s7+$0xE5B0] =	vst v11  }
0x90: {  	s20 =	sadd.s32 $0x3, s10;
	v1 =	vld [tilespmem:s8+$0x6600]  }
0x91: {  	p1 =	sgt.u32 s20, $0xC7;
	s11 =	rddreg [dreg:$0x5];
	v2 =	vld [tilespmem:s8+$0x6610]  }
0x92: {  	s11 =	simm.s32 @!p1 $0xC0;
	v12 =	vld [tilespmem:s8+$0x6620]  }
0x93: {  	s11 =	sadd.s32 s11, s9;
	v13 =	vld [tilespmem:s8+$0x6630]  }
0x94: {  	v14 =	vld [tilespmem:s11+$0x3280]  }
0x95: {  	v15 =	vld [tilespmem:s11+$0x3290]  }
0x96: {  	v16 =	vld [tilespmem:s11+$0x32A0]  }
0x97: {  	v17 =	vld [tilespmem:s11+$0x32B0];
	_ =	sdelay $0x1  }
0x98: {  	v1 =	vadd.f32 v14, v1  }
0x99: {  	v2 =	vadd.f32 v15, v2  }
0x9a: {  	v18 =	vadd.f32 v16, v12;
	[tilespmem:s7+$0xE600] =	vst v1  }
0x9b: {  	v19 =	vadd.f32 v17, v13;
	[tilespmem:s7+$0xE610] =	vst v2  }
0x9c: {  	s8 =	spop (v2sf);
	[tilespmem:s7+$0xE620] =	vst v18  }
0x9d: {  	s19 =	spop (v2sf);
	[tilespmem:s7+$0xE630] =	vst v19  }
0x9e: {  	s20 =	sadd.s32 $0x4, s10;
	v1 =	vld [tilespmem:s19+$0x6680]  }
0x9f: {  	p1 =	sgt.u32 s20, $0xC7;
	s11 =	rddreg [dreg:$0x6];
	v2 =	vld [tilespmem:s19+$0x6690]  }
0xa0: {  	s11 =	simm.s32 @!p1 $0x100;
	v20 =	vld [tilespmem:s19+$0x66A0]  }
0xa1: {  	s11 =	sadd.s32 s11, s9;
	v21 =	vld [tilespmem:s19+$0x66B0]  }
0xa2: {  	v22 =	vld [tilespmem:s11+$0x3280]  }
0xa3: {  	v23 =	vld [tilespmem:s11+$0x3290]  }
0xa4: {  	v24 =	vld [tilespmem:s11+$0x32A0]  }
0xa5: {  	v25 =	vld [tilespmem:s11+$0x32B0];
	_ =	sdelay $0x1  }
0xa6: {  	v1 =	vadd.f32 v22, v1  }
0xa7: {  	v2 =	vadd.f32 v23, v2  }
0xa8: {  	v26 =	vadd.f32 v24, v20;
	[tilespmem:s7+$0xE680] =	vst v1  }
0xa9: {  	v27 =	vadd.f32 v25, v21;
	[tilespmem:s7+$0xE690] =	vst v2  }
0xaa: {  	(v2sf) =	vpush v0, $0x7;
	[tilespmem:s7+$0xE6A0] =	vst v26  }
0xab: {  	(v2sf) =	vpush v0, $0x6;
	[tilespmem:s7+$0xE6B0] =	vst v27  }
0xac: {  	s20 =	sadd.s32 $0x5, s10;
	v1 =	vld [tilespmem:s8+$0x6700]  }
0xad: {  	p1 =	sgt.u32 s20, $0xC7;
	s11 =	rddreg [dreg:$0x7];
	v2 =	vld [tilespmem:s8+$0x6710]  }
0xae: {  	s11 =	simm.s32 @!p1 $0x140;
	v28 =	vld [tilespmem:s8+$0x6720]  }
0xaf: {  	s11 =	sadd.s32 s11, s9;
	v29 =	vld [tilespmem:s8+$0x6730]  }
0xb0: {  	v30 =	vld [tilespmem:s11+$0x3280]  }
0xb1: {  	v31 =	vld [tilespmem:s11+$0x3290]  }
0xb2: {  	v32 =	vld [tilespmem:s11+$0x32A0]  }
0xb3: {  	v33 =	vld [tilespmem:s11+$0x32B0];
	_ =	sdelay $0x1  }
0xb4: {  	v1 =	vadd.f32 v30, v1  }
0xb5: {  	v2 =	vadd.f32 v31, v2  }
0xb6: {  	v34 =	vadd.f32 v32, v28;
	[tilespmem:s7+$0xE700] =	vst v1  }
0xb7: {  	v35 =	vadd.f32 v33, v29;
	[tilespmem:s7+$0xE710] =	vst v2  }
0xb8: {  	s8 =	spop (v2sf);
	[tilespmem:s7+$0xE720] =	vst v34  }
0xb9: {  	s19 =	spop (v2sf);
	[tilespmem:s7+$0xE730] =	vst v35  }
0xba: {  	s20 =	sadd.s32 $0x6, s10;
	v1 =	vld [tilespmem:s19+$0x6780]  }
0xbb: {  	p1 =	sgt.u32 s20, $0xC7;
	s11 =	rddreg [dreg:$0x8];
	v2 =	vld [tilespmem:s19+$0x6790]  }
0xbc: {  	s11 =	simm.s32 @!p1 $0x180;
	v36 =	vld [tilespmem:s19+$0x67A0]  }
0xbd: {  	s11 =	sadd.s32 s11, s9;
	v37 =	vld [tilespmem:s19+$0x67B0]  }
0xbe: {  	v38 =	vld [tilespmem:s11+$0x3280]  }
0xbf: {  	v39 =	vld [tilespmem:s11+$0x3290]  }
0xc0: {  	v40 =	vld [tilespmem:s11+$0x32A0]  }
0xc1: {  	v41 =	vld [tilespmem:s11+$0x32B0];
	_ =	sdelay $0x1  }
0xc2: {  	v1 =	vadd.f32 v38, v1  }
0xc3: {  	v2 =	vadd.f32 v39, v2  }
0xc4: {  	v42 =	vadd.f32 v40, v36;
	[tilespmem:s7+$0xE780] =	vst v1  }
0xc5: {  	v43 =	vadd.f32 v41, v37;
	[tilespmem:s7+$0xE790] =	vst v2  }
0xc6: {  	(v2sf) =	vpush v0, $0x9;
	[tilespmem:s7+$0xE7A0] =	vst v42  }
0xc7: {  	(v2sf) =	vpush v0, $0x8;
	[tilespmem:s7+$0xE7B0] =	vst v43  }
0xc8: {  	s20 =	sadd.s32 $0x7, s10;
	v1 =	vld [tilespmem:s8+$0x6800]  }
0xc9: {  	p1 =	sgt.u32 s20, $0xC7;
	s11 =	rddreg [dreg:$0x9];
	v2 =	vld [tilespmem:s8+$0x6810]  }
0xca: {  	s11 =	simm.s32 @!p1 $0x1C0;
	v44 =	vld [tilespmem:s8+$0x6820]  }
0xcb: {  	s11 =	sadd.s32 s11, s9;
	v45 =	vld [tilespmem:s8+$0x6830]  }
0xcc: {  	v46 =	vld [tilespmem:s11+$0x3280]  }
0xcd: {  	v47 =	vld [tilespmem:s11+$0x3290]  }
0xce: {  	v48 =	vld [tilespmem:s11+$0x32A0]  }
0xcf: {  	v49 =	vld [tilespmem:s11+$0x32B0];
	_ =	sdelay $0x1  }
0xd0: {  	v1 =	vadd.f32 v46, v1  }
0xd1: {  	v2 =	vadd.f32 v47, v2  }
0xd2: {  	v50 =	vadd.f32 v48, v44;
	[tilespmem:s7+$0xE800] =	vst v1  }
0xd3: {  	v51 =	vadd.f32 v49, v45;
	[tilespmem:s7+$0xE810] =	vst v2  }
0xd4: {  	s8 =	spop (v2sf);
	[tilespmem:s7+$0xE820] =	vst v50  }
0xd5: {  	s19 =	spop (v2sf);
	[tilespmem:s7+$0xE830] =	vst v51  }
0xd6: {  	s20 =	sadd.s32 $0x8, s10;
	v1 =	vld [tilespmem:s19+$0x6880]  }
0xd7: {  	p1 =	sgt.u32 s20, $0xC7;
	s11 =	rddreg [dreg:$0xa];
	v2 =	vld [tilespmem:s19+$0x6890]  }
0xd8: {  	s11 =	simm.s32 @!p1 $0x200;
	v52 =	vld [tilespmem:s19+$0x68A0]  }
0xd9: {  	s11 =	sadd.s32 s11, s9;
	v53 =	vld [tilespmem:s19+$0x68B0]  }
0xda: {  	v54 =	vld [tilespmem:s11+$0x3280]  }
0xdb: {  	v55 =	vld [tilespmem:s11+$0x3290]  }
0xdc: {  	v56 =	vld [tilespmem:s11+$0x32A0]  }
0xdd: {  	v57 =	vld [tilespmem:s11+$0x32B0];
	_ =	sdelay $0x1  }
0xde: {  	v1 =	vadd.f32 v54, v1  }
0xdf: {  	v2 =	vadd.f32 v55, v2  }
0xe0: {  	v58 =	vadd.f32 v56, v52;
	[tilespmem:s7+$0xE880] =	vst v1  }
0xe1: {  	v59 =	vadd.f32 v57, v53;
	[tilespmem:s7+$0xE890] =	vst v2  }
0xe2: {  	(v2sf) =	vpush v0, $0xB;
	[tilespmem:s7+$0xE8A0] =	vst v58  }
0xe3: {  	(v2sf) =	vpush v0, $0xA;
	[tilespmem:s7+$0xE8B0] =	vst v59  }
0xe4: {  	s20 =	sadd.s32 $0x9, s10;
	v1 =	vld [tilespmem:s8+$0x6900]  }
0xe5: {  	p1 =	sgt.u32 s20, $0xC7;
	s11 =	rddreg [dreg:$0xb];
	v2 =	vld [tilespmem:s8+$0x6910]  }
0xe6: {  	s11 =	simm.s32 @!p1 $0x240;
	v60 =	vld [tilespmem:s8+$0x6920]  }
0xe7: {  	s11 =	sadd.s32 s11, s9;
	v61 =	vld [tilespmem:s8+$0x6930]  }
0xe8: {  	v62 =	vld [tilespmem:s11+$0x3280]  }
0xe9: {  	v63 =	vld [tilespmem:s11+$0x3290]  }
0xea: {  	v12 =	vld [tilespmem:s11+$0x32A0]  }
0xeb: {  	v13 =	vld [tilespmem:s11+$0x32B0];
	_ =	sdelay $0x1  }
0xec: {  	v1 =	vadd.f32 v62, v1  }
0xed: {  	v2 =	vadd.f32 v63, v2  }
0xee: {  	v14 =	vadd.f32 v12, v60;
	[tilespmem:s7+$0xE900] =	vst v1  }
0xef: {  	v15 =	vadd.f32 v13, v61;
	[tilespmem:s7+$0xE910] =	vst v2  }
0xf0: {  	s8 =	spop (v2sf);
	[tilespmem:s7+$0xE920] =	vst v14  }
0xf1: {  	s19 =	spop (v2sf);
	[tilespmem:s7+$0xE930] =	vst v15  }
0xf2: {  	s20 =	sadd.s32 $0xA, s10;
	v1 =	vld [tilespmem:s19+$0x6980]  }
0xf3: {  	p1 =	sgt.u32 s20, $0xC7;
	s11 =	rddreg [dreg:$0xc];
	v2 =	vld [tilespmem:s19+$0x6990]  }
0xf4: {  	s11 =	simm.s32 @!p1 $0x280;
	v16 =	vld [tilespmem:s19+$0x69A0]  }
0xf5: {  	s11 =	sadd.s32 s11, s9;
	v17 =	vld [tilespmem:s19+$0x69B0]  }
0xf6: {  	v18 =	vld [tilespmem:s11+$0x3280]  }
0xf7: {  	v19 =	vld [tilespmem:s11+$0x3290]  }
0xf8: {  	v20 =	vld [tilespmem:s11+$0x32A0]  }
0xf9: {  	v21 =	vld [tilespmem:s11+$0x32B0];
	_ =	sdelay $0x1  }
0xfa: {  	v1 =	vadd.f32 v18, v1  }
0xfb: {  	v2 =	vadd.f32 v19, v2  }
0xfc: {  	v22 =	vadd.f32 v20, v16;
	[tilespmem:s7+$0xE980] =	vst v1  }
0xfd: {  	v23 =	vadd.f32 v21, v17;
	[tilespmem:s7+$0xE990] =	vst v2  }
0xfe: {  	(v2sf) =	vpush v0, $0xD;
	[tilespmem:s7+$0xE9A0] =	vst v22  }
0xff: {  	(v2sf) =	vpush v0, $0xC;
	[tilespmem:s7+$0xE9B0] =	vst v23  }
0x100: {  	s20 =	sadd.s32 $0xB, s10;
	v1 =	vld [tilespmem:s8+$0x6A00]  }
0x101: {  	p1 =	sgt.u32 s20, $0xC7;
	s11 =	rddreg [dreg:$0xd];
	v2 =	vld [tilespmem:s8+$0x6A10]  }
0x102: {  	s11 =	simm.s32 @!p1 $0x2C0;
	v24 =	vld [tilespmem:s8+$0x6A20]  }
0x103: {  	s11 =	sadd.s32 s11, s9;
	v25 =	vld [tilespmem:s8+$0x6A30]  }
0x104: {  	v26 =	vld [tilespmem:s11+$0x3280]  }
0x105: {  	v27 =	vld [tilespmem:s11+$0x3290]  }
0x106: {  	v28 =	vld [tilespmem:s11+$0x32A0]  }
0x107: {  	v29 =	vld [tilespmem:s11+$0x32B0];
	_ =	sdelay $0x1  }
0x108: {  	v1 =	vadd.f32 v26, v1  }
0x109: {  	v2 =	vadd.f32 v27, v2  }
0x10a: {  	v30 =	vadd.f32 v28, v24;
	[tilespmem:s7+$0xEA00] =	vst v1  }
0x10b: {  	v31 =	vadd.f32 v29, v25;
	[tilespmem:s7+$0xEA10] =	vst v2  }
0x10c: {  	s8 =	spop (v2sf);
	[tilespmem:s7+$0xEA20] =	vst v30  }
0x10d: {  	s19 =	spop (v2sf);
	[tilespmem:s7+$0xEA30] =	vst v31  }
0x10e: {  	s20 =	sadd.s32 $0xC, s10;
	v1 =	vld [tilespmem:s19+$0x6A80]  }
0x10f: {  	p1 =	sgt.u32 s20, $0xC7;
	s11 =	rddreg [dreg:$0xe];
	v2 =	vld [tilespmem:s19+$0x6A90]  }
0x110: {  	s11 =	simm.s32 @!p1 $0x300;
	v32 =	vld [tilespmem:s19+$0x6AA0]  }
0x111: {  	s11 =	sadd.s32 s11, s9;
	v33 =	vld [tilespmem:s19+$0x6AB0]  }
0x112: {  	v34 =	vld [tilespmem:s11+$0x3280]  }
0x113: {  	v35 =	vld [tilespmem:s11+$0x3290]  }
0x114: {  	v36 =	vld [tilespmem:s11+$0x32A0]  }
0x115: {  	v37 =	vld [tilespmem:s11+$0x32B0];
	_ =	sdelay $0x1  }
0x116: {  	v1 =	vadd.f32 v34, v1  }
0x117: {  	v2 =	vadd.f32 v35, v2  }
0x118: {  	v38 =	vadd.f32 v36, v32;
	[tilespmem:s7+$0xEA80] =	vst v1  }
0x119: {  	v39 =	vadd.f32 v37, v33;
	[tilespmem:s7+$0xEA90] =	vst v2  }
0x11a: {  	(v2sf) =	vpush v0, $0xF;
	[tilespmem:s7+$0xEAA0] =	vst v38  }
0x11b: {  	(v2sf) =	vpush v0, $0xE;
	[tilespmem:s7+$0xEAB0] =	vst v39  }
0x11c: {  	s20 =	sadd.s32 $0xD, s10;
	v40 =	vld [tilespmem:s8+$0x6B00]  }
0x11d: {  	p1 =	sgt.u32 s20, $0xC7;
	s11 =	rddreg [dreg:$0xf];
	v1 =	vld [tilespmem:s8+$0x6B10]  }
0x11e: {  	s11 =	simm.s32 @!p1 $0x340;
	v2 =	vld [tilespmem:s8+$0x6B20]  }
0x11f: {  	s11 =	sadd.s32 s11, s9;
	v41 =	vld [tilespmem:s8+$0x6B30]  }
0x120: {  	v42 =	vld [tilespmem:s11+$0x3280]  }
0x121: {  	v43 =	vld [tilespmem:s11+$0x3290]  }
0x122: {  	v44 =	vld [tilespmem:s11+$0x32A0]  }
0x123: {  	v45 =	vld [tilespmem:s11+$0x32B0];
	_ =	sdelay $0x1  }
0x124: {  	v0 =	vadd.f32 v42, v40  }
0x125: {  	v1 =	vadd.f32 v43, v1  }
0x126: {  	v46 =	vadd.f32 v44, v2;
	[tilespmem:s7+$0xEB00] =	vst v0  }
0x127: {  	v47 =	vadd.f32 v45, v41;
	[tilespmem:s7+$0xEB10] =	vst v1  }
0x128: {  	s8 =	spop (v2sf);
	[tilespmem:s7+$0xEB20] =	vst v46  }
0x129: {  	s19 =	spop (v2sf);
	[tilespmem:s7+$0xEB30] =	vst v47  }
0x12a: {  	s20 =	sadd.s32 $0xE, s10;
	v0 =	vld [tilespmem:s19+$0x6B80]  }
0x12b: {  	p1 =	sgt.u32 s20, $0xC7;
	s11 =	rddreg [dreg:$0x10];
	v1 =	vld [tilespmem:s19+$0x6B90]  }
0x12c: {  	s11 =	simm.s32 @!p1 $0x380;
	v48 =	vld [tilespmem:s19+$0x6BA0]  }
0x12d: {  	s11 =	sadd.s32 s11, s9;
	v49 =	vld [tilespmem:s19+$0x6BB0]  }
0x12e: {  	v50 =	vld [tilespmem:s11+$0x3280]  }
0x12f: {  	v51 =	vld [tilespmem:s11+$0x3290]  }
0x130: {  	v52 =	vld [tilespmem:s11+$0x32A0]  }
0x131: {  	v53 =	vld [tilespmem:s11+$0x32B0];
	_ =	sdelay $0x1  }
0x132: {  	v0 =	vadd.f32 v50, v0  }
0x133: {  	v1 =	vadd.f32 v51, v1  }
0x134: {  	v54 =	vadd.f32 v52, v48;
	[tilespmem:s7+$0xEB80] =	vst v0  }
0x135: {  	v55 =	vadd.f32 v53, v49;
	[tilespmem:s7+$0xEB90] =	vst v1  }
0x136: {  	[tilespmem:s7+$0xEBA0] =	vst v54  }
0x137: {  	[tilespmem:s7+$0xEBB0] =	vst v55  }
0x138: {  	s20 =	sadd.s32 $0xF, s10;
	v0 =	vld [tilespmem:s8+$0x6C00]  }
0x139: {  	p1 =	sgt.u32 s20, $0xC7;
	s11 =	rddreg [dreg:$0x11];
	v1 =	vld [tilespmem:s8+$0x6C10]  }
0x13a: {  	s11 =	simm.s32 @!p1 $0x3C0;
	v56 =	vld [tilespmem:s8+$0x6C20]  }
0x13b: {  	s11 =	sadd.s32 s11, s9;
	v57 =	vld [tilespmem:s8+$0x6C30]  }
0x13c: {  	v58 =	vld [tilespmem:s11+$0x3280]  }
0x13d: {  	v59 =	vld [tilespmem:s11+$0x3290]  }
0x13e: {  	v60 =	vld [tilespmem:s11+$0x32A0]  }
0x13f: {  	v61 =	vld [tilespmem:s11+$0x32B0];
	_ =	sdelay $0x1  }
0x140: {  	p1 =	sne.s32 s3, $0xE000;
	v0 =	vadd.f32 v58, v0  }
.Ltmp1:
0x141: {  	v1 =	vadd.f32 v59, v1;
	(pc) =	sbr.rel @p1 .LBB2_5-.Ltmp1, $4  }
0x142: {  	v62 =	vadd.f32 v60, v56;
	[tilespmem:s7+$0xEC00] =	vst v0  }
0x143: {  	v63 =	vadd.f32 v61, v57;
	[tilespmem:s7+$0xEC10] =	vst v1  }
0x144: {  	s23 =	sadd.s32 $0x10, s23;
	[tilespmem:s7+$0xEC20] =	vst v62  }
0x145: {  	s10 =	sadd.s32 $0x10, s10;
	s3 =	sadd.s32 $0x2000, s3;
	s9 =	sadd.s32 $0x400, s9;
	[tilespmem:s7+$0xEC30] =	vst v63  }
0x146: {  	s0 =	sadd.s32 s6, s0  }
0x147: {  	s0 =	sshll.u32 s0, $0x4  }
0x148: {  	s23 =	sor.u32 $0x1, s5;
	s0 =	sadd.s32 s4, s0  }
0x149: {  	[hbm4b:s0+s1] =	stream.linear.scatter [tilespmem:s16], [sflag:$0x3], $0x4000, $0x38;
	[tilespmem:$0x16480] =	vst v63  }
0x14a: {  	p1 =	sgt.u32 s23, $0x30;
	_ =	swait.ge [sflag:s17], $0x4000  }
0x14b: {  	s3 =	sadd.s32 @!p1 $0x1A80, s31;
	[sflag:s17] =	ssyncset.done $0x0  }
0x14c: {  	s5 =	simm.s32 @!p1 $0x80;
	s7 =	simm.s32 @!p1 $0x6480;
	[sflag:s17] =	ssyncadd.s32 $0xFFFFC000  }
0x14d: {  	[tilespmem:s7], [sflag:$0x1] =	stream.indirect.gather @!p1 [hbm4b:s2+s5], $0x80, s3, s5, $0xb8;
	[tilespmem:$0x16480] =	vst v63  }
0x14e: {  	s3 =	simm.s32 @!p0 $0x4  }
0x14f: {  	s10 =	smov.u32 s22;
	_ =	swait.ge @!p0 [sflag:s3], $0x4000  }
0x150: {  	s11 =	smov.u32 s25;
	s31 =	smov.u32 s24;
	[sflag:s3] =	ssyncset.done @!p0 $0x0  }
0x151: {  	s0 =	sshll.u32 s23, $0x7;
	s5 =	simm.s32 $0x0;
	[sflag:s3] =	ssyncadd.s32 @!p0 $0xFFFFC000  }
.LBB2_7:
0x152: {  	v0 =	vld [tilespmem:s10+$0x0];
	_ =	sdelay $0x4  }
0x153: {  	v0 =	vshll.u32 v0, $0x6  }
0x154: {  	s3 =	sshra.s32 s5, $0x2;
	v0 =	vand.u32 $0x40, v0  }
0x155: {  	v0 =	vadd.s32 s3, v0  }
0x156: {  	(v2sf) =	vpush v0, $0x1  }
0x157: {  	(v2sf) =	vpush v0, $0x0;
	_ =	sdelay $0x5  }
0x158: {  	s7 =	rddreg [dreg:$0x12]  }
0x159: {  	s23 =	sadd.s32 s31, s7  }
0x15a: {  	s8 =	rddreg [dreg:$0x13];
	s7 =	sadd.s32 $0xFFFFFFF1, s23  }
0x15b: {  	s19 =	rddreg [dreg:$0x14];
	p0 =	sgt.u32 s7, $0xC7  }
0x15c: {  	s7 =	sadd.s32 s11, s8;
	s19 =	simm.s32 @!p0 $0xFFFFFC40  }
0x15d: {  	s8 =	sadd.s32 s19, s7  }
0x15e: {  	v5 =	vld [tilespmem:s8+$0x3280]  }
0x15f: {  	v6 =	vld [tilespmem:s8+$0x3290]  }
0x160: {  	v7 =	vld [tilespmem:s8+$0x32A0];
	s9 =	spop (v2sf)  }
0x161: {  	v8 =	vld [tilespmem:s8+$0x32B0];
	s20 =	spop (v2sf)  }
0x162: {  	v1 =	vld [tilespmem:s20+$0xA480]  }
0x163: {  	v2 =	vld [tilespmem:s20+$0xA490]  }
0x164: {  	v3 =	vld [tilespmem:s20+$0xA4A0]  }
0x165: {  	v4 =	vld [tilespmem:s20+$0xA4B0];
	_ =	sdelay $0x1  }
0x166: {  	v1 =	vadd.f32 v5, v1  }
0x167: {  	v2 =	vadd.f32 v6, v2  }
0x168: {  	v48 =	vadd.f32 v7, v3;
	[tilespmem:s3+$0x12480] =	vst v1  }
0x169: {  	v49 =	vadd.f32 v8, v4;
	[tilespmem:s3+$0x12490] =	vst v2  }
0x16a: {  	(v2sf) =	vpush v0, $0x3;
	[tilespmem:s3+$0x124A0] =	vst v48  }
0x16b: {  	(v2sf) =	vpush v0, $0x2;
	[tilespmem:s3+$0x124B0] =	vst v49  }
0x16c: {  	s20 =	sadd.s32 $0xFFFFFFF2, s23;
	v1 =	vld [tilespmem:s9+$0xA500]  }
0x16d: {  	s8 =	rddreg [dreg:$0x15];
	p0 =	sgt.u32 s20, $0xC7;
	v2 =	vld [tilespmem:s9+$0xA510]  }
0x16e: {  	s8 =	simm.s32 @!p0 $0xFFFFFC80;
	v50 =	vld [tilespmem:s9+$0xA520]  }
0x16f: {  	s8 =	sadd.s32 s8, s7;
	v51 =	vld [tilespmem:s9+$0xA530]  }
0x170: {  	v52 =	vld [tilespmem:s8+$0x3280]  }
0x171: {  	v53 =	vld [tilespmem:s8+$0x3290]  }
0x172: {  	v54 =	vld [tilespmem:s8+$0x32A0]  }
0x173: {  	v55 =	vld [tilespmem:s8+$0x32B0];
	_ =	sdelay $0x1  }
0x174: {  	v1 =	vadd.f32 v52, v1  }
0x175: {  	v2 =	vadd.f32 v53, v2  }
0x176: {  	v56 =	vadd.f32 v54, v50;
	[tilespmem:s3+$0x12500] =	vst v1  }
0x177: {  	v57 =	vadd.f32 v55, v51;
	[tilespmem:s3+$0x12510] =	vst v2  }
0x178: {  	s8 =	spop (v2sf);
	[tilespmem:s3+$0x12520] =	vst v56  }
0x179: {  	s19 =	spop (v2sf);
	[tilespmem:s3+$0x12530] =	vst v57  }
0x17a: {  	s20 =	sadd.s32 $0xFFFFFFF3, s23;
	v1 =	vld [tilespmem:s19+$0xA580]  }
0x17b: {  	p0 =	sgt.u32 s20, $0xC7;
	s9 =	rddreg [dreg:$0x16];
	v2 =	vld [tilespmem:s19+$0xA590]  }
0x17c: {  	s9 =	simm.s32 @!p0 $0xFFFFFCC0;
	v58 =	vld [tilespmem:s19+$0xA5A0]  }
0x17d: {  	s9 =	sadd.s32 s9, s7;
	v59 =	vld [tilespmem:s19+$0xA5B0]  }
0x17e: {  	v60 =	vld [tilespmem:s9+$0x3280]  }
0x17f: {  	v61 =	vld [tilespmem:s9+$0x3290]  }
0x180: {  	v62 =	vld [tilespmem:s9+$0x32A0]  }
0x181: {  	v63 =	vld [tilespmem:s9+$0x32B0];
	_ =	sdelay $0x1  }
0x182: {  	v1 =	vadd.f32 v60, v1  }
0x183: {  	v2 =	vadd.f32 v61, v2  }
0x184: {  	v10 =	vadd.f32 v62, v58;
	[tilespmem:s3+$0x12580] =	vst v1  }
0x185: {  	v11 =	vadd.f32 v63, v59;
	[tilespmem:s3+$0x12590] =	vst v2  }
0x186: {  	(v2sf) =	vpush v0, $0x5;
	[tilespmem:s3+$0x125A0] =	vst v10  }
0x187: {  	(v2sf) =	vpush v0, $0x4;
	[tilespmem:s3+$0x125B0] =	vst v11  }
0x188: {  	s20 =	sadd.s32 $0xFFFFFFF4, s23;
	v1 =	vld [tilespmem:s8+$0xA600]  }
0x189: {  	p0 =	sgt.u32 s20, $0xC7;
	s9 =	rddreg [dreg:$0x17];
	v2 =	vld [tilespmem:s8+$0xA610]  }
0x18a: {  	s9 =	simm.s32 @!p0 $0xFFFFFD00;
	v12 =	vld [tilespmem:s8+$0xA620]  }
0x18b: {  	s9 =	sadd.s32 s9, s7;
	v13 =	vld [tilespmem:s8+$0xA630]  }
0x18c: {  	v14 =	vld [tilespmem:s9+$0x3280]  }
0x18d: {  	v15 =	vld [tilespmem:s9+$0x3290]  }
0x18e: {  	v16 =	vld [tilespmem:s9+$0x32A0]  }
0x18f: {  	v17 =	vld [tilespmem:s9+$0x32B0];
	_ =	sdelay $0x1  }
0x190: {  	v1 =	vadd.f32 v14, v1  }
0x191: {  	v2 =	vadd.f32 v15, v2  }
0x192: {  	v18 =	vadd.f32 v16, v12;
	[tilespmem:s3+$0x12600] =	vst v1  }
0x193: {  	v19 =	vadd.f32 v17, v13;
	[tilespmem:s3+$0x12610] =	vst v2  }
0x194: {  	s8 =	spop (v2sf);
	[tilespmem:s3+$0x12620] =	vst v18  }
0x195: {  	s19 =	spop (v2sf);
	[tilespmem:s3+$0x12630] =	vst v19  }
0x196: {  	s20 =	sadd.s32 $0xFFFFFFF5, s23;
	v1 =	vld [tilespmem:s19+$0xA680]  }
0x197: {  	p0 =	sgt.u32 s20, $0xC7;
	s9 =	rddreg [dreg:$0x18];
	v2 =	vld [tilespmem:s19+$0xA690]  }
0x198: {  	s9 =	simm.s32 @!p0 $0xFFFFFD40;
	v20 =	vld [tilespmem:s19+$0xA6A0]  }
0x199: {  	s9 =	sadd.s32 s9, s7;
	v21 =	vld [tilespmem:s19+$0xA6B0]  }
0x19a: {  	v22 =	vld [tilespmem:s9+$0x3280]  }
0x19b: {  	v23 =	vld [tilespmem:s9+$0x3290]  }
0x19c: {  	v24 =	vld [tilespmem:s9+$0x32A0]  }
0x19d: {  	v25 =	vld [tilespmem:s9+$0x32B0];
	_ =	sdelay $0x1  }
0x19e: {  	v1 =	vadd.f32 v22, v1  }
0x19f: {  	v2 =	vadd.f32 v23, v2  }
0x1a0: {  	v26 =	vadd.f32 v24, v20;
	[tilespmem:s3+$0x12680] =	vst v1  }
0x1a1: {  	v27 =	vadd.f32 v25, v21;
	[tilespmem:s3+$0x12690] =	vst v2  }
0x1a2: {  	(v2sf) =	vpush v0, $0x7;
	[tilespmem:s3+$0x126A0] =	vst v26  }
0x1a3: {  	(v2sf) =	vpush v0, $0x6;
	[tilespmem:s3+$0x126B0] =	vst v27  }
0x1a4: {  	s20 =	sadd.s32 $0xFFFFFFF6, s23;
	v1 =	vld [tilespmem:s8+$0xA700]  }
0x1a5: {  	p0 =	sgt.u32 s20, $0xC7;
	s9 =	rddreg [dreg:$0x19];
	v2 =	vld [tilespmem:s8+$0xA710]  }
0x1a6: {  	s9 =	simm.s32 @!p0 $0xFFFFFD80;
	v28 =	vld [tilespmem:s8+$0xA720]  }
0x1a7: {  	s9 =	sadd.s32 s9, s7;
	v29 =	vld [tilespmem:s8+$0xA730]  }
0x1a8: {  	v30 =	vld [tilespmem:s9+$0x3280]  }
0x1a9: {  	v31 =	vld [tilespmem:s9+$0x3290]  }
0x1aa: {  	v32 =	vld [tilespmem:s9+$0x32A0]  }
0x1ab: {  	v33 =	vld [tilespmem:s9+$0x32B0];
	_ =	sdelay $0x1  }
0x1ac: {  	v1 =	vadd.f32 v30, v1  }
0x1ad: {  	v2 =	vadd.f32 v31, v2  }
0x1ae: {  	v34 =	vadd.f32 v32, v28;
	[tilespmem:s3+$0x12700] =	vst v1  }
0x1af: {  	v35 =	vadd.f32 v33, v29;
	[tilespmem:s3+$0x12710] =	vst v2  }
0x1b0: {  	s8 =	spop (v2sf);
	[tilespmem:s3+$0x12720] =	vst v34  }
0x1b1: {  	s19 =	spop (v2sf);
	[tilespmem:s3+$0x12730] =	vst v35  }
0x1b2: {  	s20 =	sadd.s32 $0xFFFFFFF7, s23;
	v1 =	vld [tilespmem:s19+$0xA780]  }
0x1b3: {  	p0 =	sgt.u32 s20, $0xC7;
	s9 =	rddreg [dreg:$0x1a];
	v2 =	vld [tilespmem:s19+$0xA790]  }
0x1b4: {  	s9 =	simm.s32 @!p0 $0xFFFFFDC0;
	v36 =	vld [tilespmem:s19+$0xA7A0]  }
0x1b5: {  	s9 =	sadd.s32 s9, s7;
	v37 =	vld [tilespmem:s19+$0xA7B0]  }
0x1b6: {  	v38 =	vld [tilespmem:s9+$0x3280]  }
0x1b7: {  	v39 =	vld [tilespmem:s9+$0x3290]  }
0x1b8: {  	v40 =	vld [tilespmem:s9+$0x32A0]  }
0x1b9: {  	v41 =	vld [tilespmem:s9+$0x32B0];
	_ =	sdelay $0x1  }
0x1ba: {  	v1 =	vadd.f32 v38, v1  }
0x1bb: {  	v2 =	vadd.f32 v39, v2  }
0x1bc: {  	v42 =	vadd.f32 v40, v36;
	[tilespmem:s3+$0x12780] =	vst v1  }
0x1bd: {  	v43 =	vadd.f32 v41, v37;
	[tilespmem:s3+$0x12790] =	vst v2  }
0x1be: {  	(v2sf) =	vpush v0, $0x9;
	[tilespmem:s3+$0x127A0] =	vst v42  }
0x1bf: {  	(v2sf) =	vpush v0, $0x8;
	[tilespmem:s3+$0x127B0] =	vst v43  }
0x1c0: {  	s20 =	sadd.s32 $0xFFFFFFF8, s23;
	v1 =	vld [tilespmem:s8+$0xA800]  }
0x1c1: {  	p0 =	sgt.u32 s20, $0xC7;
	s9 =	rddreg [dreg:$0x1b];
	v2 =	vld [tilespmem:s8+$0xA810]  }
0x1c2: {  	s9 =	simm.s32 @!p0 $0xFFFFFE00;
	v44 =	vld [tilespmem:s8+$0xA820]  }
0x1c3: {  	s9 =	sadd.s32 s9, s7;
	v45 =	vld [tilespmem:s8+$0xA830]  }
0x1c4: {  	v46 =	vld [tilespmem:s9+$0x3280]  }
0x1c5: {  	v47 =	vld [tilespmem:s9+$0x3290]  }
0x1c6: {  	v48 =	vld [tilespmem:s9+$0x32A0]  }
0x1c7: {  	v49 =	vld [tilespmem:s9+$0x32B0];
	_ =	sdelay $0x1  }
0x1c8: {  	v1 =	vadd.f32 v46, v1  }
0x1c9: {  	v2 =	vadd.f32 v47, v2  }
0x1ca: {  	v50 =	vadd.f32 v48, v44;
	[tilespmem:s3+$0x12800] =	vst v1  }
0x1cb: {  	v51 =	vadd.f32 v49, v45;
	[tilespmem:s3+$0x12810] =	vst v2  }
0x1cc: {  	s8 =	spop (v2sf);
	[tilespmem:s3+$0x12820] =	vst v50  }
0x1cd: {  	s19 =	spop (v2sf);
	[tilespmem:s3+$0x12830] =	vst v51  }
0x1ce: {  	s20 =	sadd.s32 $0xFFFFFFF9, s23;
	v1 =	vld [tilespmem:s19+$0xA880]  }
0x1cf: {  	p0 =	sgt.u32 s20, $0xC7;
	s9 =	rddreg [dreg:$0x1c];
	v2 =	vld [tilespmem:s19+$0xA890]  }
0x1d0: {  	s9 =	simm.s32 @!p0 $0xFFFFFE40;
	v52 =	vld [tilespmem:s19+$0xA8A0]  }
0x1d1: {  	s9 =	sadd.s32 s9, s7;
	v53 =	vld [tilespmem:s19+$0xA8B0]  }
0x1d2: {  	v54 =	vld [tilespmem:s9+$0x3280]  }
0x1d3: {  	v55 =	vld [tilespmem:s9+$0x3290]  }
0x1d4: {  	v56 =	vld [tilespmem:s9+$0x32A0]  }
0x1d5: {  	v57 =	vld [tilespmem:s9+$0x32B0];
	_ =	sdelay $0x1  }
0x1d6: {  	v1 =	vadd.f32 v54, v1  }
0x1d7: {  	v2 =	vadd.f32 v55, v2  }
0x1d8: {  	v58 =	vadd.f32 v56, v52;
	[tilespmem:s3+$0x12880] =	vst v1  }
0x1d9: {  	v59 =	vadd.f32 v57, v53;
	[tilespmem:s3+$0x12890] =	vst v2  }
0x1da: {  	(v2sf) =	vpush v0, $0xB;
	[tilespmem:s3+$0x128A0] =	vst v58  }
0x1db: {  	(v2sf) =	vpush v0, $0xA;
	[tilespmem:s3+$0x128B0] =	vst v59  }
0x1dc: {  	s20 =	sadd.s32 $0xFFFFFFFA, s23;
	v1 =	vld [tilespmem:s8+$0xA900]  }
0x1dd: {  	p0 =	sgt.u32 s20, $0xC7;
	s9 =	rddreg [dreg:$0x1d];
	v2 =	vld [tilespmem:s8+$0xA910]  }
0x1de: {  	s9 =	simm.s32 @!p0 $0xFFFFFE80;
	v60 =	vld [tilespmem:s8+$0xA920]  }
0x1df: {  	s9 =	sadd.s32 s9, s7;
	v61 =	vld [tilespmem:s8+$0xA930]  }
0x1e0: {  	v62 =	vld [tilespmem:s9+$0x3280]  }
0x1e1: {  	v63 =	vld [tilespmem:s9+$0x3290]  }
0x1e2: {  	v12 =	vld [tilespmem:s9+$0x32A0]  }
0x1e3: {  	v13 =	vld [tilespmem:s9+$0x32B0];
	_ =	sdelay $0x1  }
0x1e4: {  	v1 =	vadd.f32 v62, v1  }
0x1e5: {  	v2 =	vadd.f32 v63, v2  }
0x1e6: {  	v14 =	vadd.f32 v12, v60;
	[tilespmem:s3+$0x12900] =	vst v1  }
0x1e7: {  	v15 =	vadd.f32 v13, v61;
	[tilespmem:s3+$0x12910] =	vst v2  }
0x1e8: {  	s8 =	spop (v2sf);
	[tilespmem:s3+$0x12920] =	vst v14  }
0x1e9: {  	s19 =	spop (v2sf);
	[tilespmem:s3+$0x12930] =	vst v15  }
0x1ea: {  	s20 =	sadd.s32 $0xFFFFFFFB, s23;
	v1 =	vld [tilespmem:s19+$0xA980]  }
0x1eb: {  	p0 =	sgt.u32 s20, $0xC7;
	s9 =	rddreg [dreg:$0x1e];
	v2 =	vld [tilespmem:s19+$0xA990]  }
0x1ec: {  	s9 =	simm.s32 @!p0 $0xFFFFFEC0;
	v16 =	vld [tilespmem:s19+$0xA9A0]  }
0x1ed: {  	s9 =	sadd.s32 s9, s7;
	v17 =	vld [tilespmem:s19+$0xA9B0]  }
0x1ee: {  	v18 =	vld [tilespmem:s9+$0x3280]  }
0x1ef: {  	v19 =	vld [tilespmem:s9+$0x3290]  }
0x1f0: {  	v20 =	vld [tilespmem:s9+$0x32A0]  }
0x1f1: {  	v21 =	vld [tilespmem:s9+$0x32B0];
	_ =	sdelay $0x1  }
0x1f2: {  	v1 =	vadd.f32 v18, v1  }
0x1f3: {  	v2 =	vadd.f32 v19, v2  }
0x1f4: {  	v22 =	vadd.f32 v20, v16;
	[tilespmem:s3+$0x12980] =	vst v1  }
0x1f5: {  	v23 =	vadd.f32 v21, v17;
	[tilespmem:s3+$0x12990] =	vst v2  }
0x1f6: {  	(v2sf) =	vpush v0, $0xD;
	[tilespmem:s3+$0x129A0] =	vst v22  }
0x1f7: {  	(v2sf) =	vpush v0, $0xC;
	[tilespmem:s3+$0x129B0] =	vst v23  }
0x1f8: {  	s20 =	sadd.s32 $0xFFFFFFFC, s23;
	v1 =	vld [tilespmem:s8+$0xAA00]  }
0x1f9: {  	p0 =	sgt.u32 s20, $0xC7;
	s9 =	rddreg [dreg:$0x1f];
	v2 =	vld [tilespmem:s8+$0xAA10]  }
0x1fa: {  	s9 =	simm.s32 @!p0 $0xFFFFFF00;
	v24 =	vld [tilespmem:s8+$0xAA20]  }
0x1fb: {  	s9 =	sadd.s32 s9, s7;
	v25 =	vld [tilespmem:s8+$0xAA30]  }
0x1fc: {  	v26 =	vld [tilespmem:s9+$0x3280]  }
0x1fd: {  	v27 =	vld [tilespmem:s9+$0x3290]  }
0x1fe: {  	v28 =	vld [tilespmem:s9+$0x32A0]  }
0x1ff: {  	v29 =	vld [tilespmem:s9+$0x32B0];
	_ =	sdelay $0x1  }
0x200: {  	v1 =	vadd.f32 v26, v1  }
0x201: {  	v2 =	vadd.f32 v27, v2  }
0x202: {  	v30 =	vadd.f32 v28, v24;
	[tilespmem:s3+$0x12A00] =	vst v1  }
0x203: {  	v31 =	vadd.f32 v29, v25;
	[tilespmem:s3+$0x12A10] =	vst v2  }
0x204: {  	s8 =	spop (v2sf);
	[tilespmem:s3+$0x12A20] =	vst v30  }
0x205: {  	s9 =	sld [smem:$0x7FB];
	s19 =	spop (v2sf);
	[tilespmem:s3+$0x12A30] =	vst v31  }
0x206: {  	s20 =	sadd.s32 $0xFFFFFFFD, s23;
	v1 =	vld [tilespmem:s19+$0xAA80]  }
0x207: {  	p0 =	sgt.u32 s20, $0xC7;
	v2 =	vld [tilespmem:s19+$0xAA90]  }
0x208: {  	s9 =	simm.s32 @!p0 $0xFFFFFF40;
	v32 =	vld [tilespmem:s19+$0xAAA0]  }
0x209: {  	s9 =	sadd.s32 s9, s7;
	v33 =	vld [tilespmem:s19+$0xAAB0]  }
0x20a: {  	v34 =	vld [tilespmem:s9+$0x3280]  }
0x20b: {  	v35 =	vld [tilespmem:s9+$0x3290]  }
0x20c: {  	v36 =	vld [tilespmem:s9+$0x32A0]  }
0x20d: {  	v37 =	vld [tilespmem:s9+$0x32B0];
	_ =	sdelay $0x1  }
0x20e: {  	v1 =	vadd.f32 v34, v1  }
0x20f: {  	v2 =	vadd.f32 v35, v2  }
0x210: {  	v38 =	vadd.f32 v36, v32;
	[tilespmem:s3+$0x12A80] =	vst v1  }
0x211: {  	v39 =	vadd.f32 v37, v33;
	[tilespmem:s3+$0x12A90] =	vst v2  }
0x212: {  	(v2sf) =	vpush v0, $0xF;
	[tilespmem:s3+$0x12AA0] =	vst v38  }
0x213: {  	(v2sf) =	vpush v0, $0xE;
	s9 =	sld [smem:$0x7FC];
	[tilespmem:s3+$0x12AB0] =	vst v39  }
0x214: {  	s20 =	sadd.s32 $0xFFFFFFFE, s23;
	v40 =	vld [tilespmem:s8+$0xAB00]  }
0x215: {  	p0 =	sgt.u32 s20, $0xC7;
	v1 =	vld [tilespmem:s8+$0xAB10]  }
0x216: {  	s9 =	simm.s32 @!p0 $0xFFFFFF80;
	v2 =	vld [tilespmem:s8+$0xAB20]  }
0x217: {  	s9 =	sadd.s32 s9, s7;
	v41 =	vld [tilespmem:s8+$0xAB30]  }
0x218: {  	v42 =	vld [tilespmem:s9+$0x3280]  }
0x219: {  	v43 =	vld [tilespmem:s9+$0x3290]  }
0x21a: {  	v44 =	vld [tilespmem:s9+$0x32A0]  }
0x21b: {  	v45 =	vld [tilespmem:s9+$0x32B0];
	_ =	sdelay $0x1  }
0x21c: {  	v0 =	vadd.f32 v42, v40  }
0x21d: {  	v1 =	vadd.f32 v43, v1  }
0x21e: {  	v46 =	vadd.f32 v44, v2;
	[tilespmem:s3+$0x12B00] =	vst v0  }
0x21f: {  	v47 =	vadd.f32 v45, v41;
	[tilespmem:s3+$0x12B10] =	vst v1  }
0x220: {  	s8 =	spop (v2sf);
	[tilespmem:s3+$0x12B20] =	vst v46  }
0x221: {  	s9 =	sld [smem:$0x7FD];
	s19 =	spop (v2sf);
	[tilespmem:s3+$0x12B30] =	vst v47  }
0x222: {  	s20 =	sadd.s32 $0xFFFFFFFF, s23;
	v0 =	vld [tilespmem:s19+$0xAB80]  }
0x223: {  	p0 =	sgt.u32 s20, $0xC7;
	v1 =	vld [tilespmem:s19+$0xAB90]  }
0x224: {  	s9 =	simm.s32 @!p0 $0xFFFFFFC0;
	v48 =	vld [tilespmem:s19+$0xABA0]  }
0x225: {  	s9 =	sadd.s32 s9, s7;
	v49 =	vld [tilespmem:s19+$0xABB0]  }
0x226: {  	v50 =	vld [tilespmem:s9+$0x3280]  }
0x227: {  	v51 =	vld [tilespmem:s9+$0x3290]  }
0x228: {  	v52 =	vld [tilespmem:s9+$0x32A0]  }
0x229: {  	v53 =	vld [tilespmem:s9+$0x32B0];
	_ =	sdelay $0x1  }
0x22a: {  	v0 =	vadd.f32 v50, v0  }
0x22b: {  	v1 =	vadd.f32 v51, v1  }
0x22c: {  	v54 =	vadd.f32 v52, v48;
	[tilespmem:s3+$0x12B80] =	vst v0  }
0x22d: {  	v55 =	vadd.f32 v53, v49;
	[tilespmem:s3+$0x12B90] =	vst v1  }
0x22e: {  	[tilespmem:s3+$0x12BA0] =	vst v54  }
0x22f: {  	[tilespmem:s3+$0x12BB0] =	vst v55  }
0x230: {  	v0 =	vld [tilespmem:s8+$0xAC00]  }
0x231: {  	v1 =	vld [tilespmem:s8+$0xAC10]  }
0x232: {  	p0 =	sgt.u32 s23, $0xC7;
	s9 =	sadd.s32 $0xFFFFCE00, s7;
	v56 =	vld [tilespmem:s8+$0xAC20]  }
0x233: {  	s7 =	smov.u32 @p0 s9;
	v57 =	vld [tilespmem:s8+$0xAC30]  }
0x234: {  	v58 =	vld [tilespmem:s7+$0x3280]  }
0x235: {  	v59 =	vld [tilespmem:s7+$0x3290]  }
0x236: {  	v60 =	vld [tilespmem:s7+$0x32A0]  }
0x237: {  	v61 =	vld [tilespmem:s7+$0x32B0];
	_ =	sdelay $0x1  }
0x238: {  	p0 =	sne.s32 s5, $0xE000;
	v0 =	vadd.f32 v58, v0  }
.Ltmp2:
0x239: {  	v1 =	vadd.f32 v59, v1;
	(pc) =	sbr.rel @p0 .LBB2_7-.Ltmp2, $4  }
0x23a: {  	v62 =	vadd.f32 v60, v56;
	[tilespmem:s3+$0x12C00] =	vst v0  }
0x23b: {  	v63 =	vadd.f32 v61, v57;
	[tilespmem:s3+$0x12C10] =	vst v1  }
0x23c: {  	s10 =	sadd.s32 $0x10, s10;
	[tilespmem:s3+$0x12C20] =	vst v62  }
0x23d: {  	s31 =	sadd.s32 $0x10, s31;
	s11 =	sadd.s32 $0x400, s11;
	s5 =	sadd.s32 $0x2000, s5;
	[tilespmem:s3+$0x12C30] =	vst v63  }
0x23e: {  	s30 =	sadd.s32 $0x1, s30  }
0x23f: {  	p0 =	sne.s32 s30, $0x19  }
.Ltmp3:
0x240: {  	s0 =	sadd.s32 s6, s0;
	(pc) =	sbr.rel @p0 .LBB2_4-.Ltmp3, $4  }
0x241: {  	s29 =	sadd.s32 $0x100, s29;
	s28 =	sadd.s32 $0x4000, s28;
	s12 =	sadd.s32 $0x100, s12  }
0x242: {  	s26 =	sadd.s32 $0x100, s26;
	s24 =	sadd.s32 $0x100, s24;
	s0 =	sshll.u32 s0, $0x4  }
0x243: {  	s25 =	sadd.s32 $0x4000, s25;
	s22 =	sadd.s32 $0x100, s22;
	s0 =	sadd.s32 s4, s0  }
0x244: {  	[hbm4b:s0+s1] =	stream.linear.scatter [tilespmem:s18], [sflag:$0x4], $0x4000, $0x38;
	[tilespmem:$0x16480] =	vst v63  }
0x245: {  	s0 =	simm.s32 $0x3  }
0x246: {  	_ =	swait.ge [sflag:s0], $0x4000  }
0x247: {  	[sflag:s0] =	ssyncset.done $0x0  }
0x248: {  	s3 =	simm.s32 $0x4;
	[sflag:s0] =	ssyncadd.s32 $0xFFFFC000  }
0x249: {  	_ =	swait.ge [sflag:s3], $0x4000  }
0x24a: {  	s31 =	sld [smem:$0x7FA];
	_ =	sdelay $0x1  }
0x24b: {  	s21 =	sadd.s32 $0x1, s21  }
0x24c: {  	p0 =	sne.s32 s21, s31  }
.Ltmp4:
0x24d: {  	_ = 	snop;
	(pc) =	sbr.rel @p0 .LBB2_1-.Ltmp4, $3  }
0x24e: {  	_ =	sdelay $0x1  }
0x24f: {  	[sflag:s3] =	ssyncset.done $0x0  }
0x250: {  	[sflag:s3] =	ssyncadd.s32 $0xFFFFC000  }
0x251: {  	_ =	sfence.sel $0x180000  }
0x252: {  	[bflag:$0x0] =	sbarrier.arrive $0xFFFF  }
0x253: {  	_ =	strace $0x90000047  }
0x254: {  	s0 =	stileid.u32;
	[bflag:$0x2] =	sbarrier.arrive $0xFFFF  }
0x255: {  	p0 =	sne.s32 s0, $0x0;
	s0 =	rddreg [dreg:$0x2]  }
0x256: {  	s0 =	sadd.s32 @!p0 $0x100000, s0  }
0x257: {  	[sflag:s0] =	ssyncadd.tile.s32 @!p0 $0x1;
	_ =	shalt  }
.Lfunc_end2:
_tile_overlayer_lowered:
.L_overlay_start_2:
0x258: {  	(tag) =	ssettag $0x2  }
0x259: {  	s0 =	rddreg [dreg:$0x0];
	s2 =	stileid.u32  }
0x25a: {  	s1 =	rddreg [dreg:$0x1];
	p0 =	sne.s32 s2, $0x0  }
0x25b: {  	s3 =	rddreg [dreg:$0x2];
	[bflag:$0x3] =	sbarrier.arrive $0xFFFF;
	s2 =	simm.s32 @!p0 $0x1C05  }
0x25c: {  	[timem:s3], [sflag:s2] =	dma.local @!p0 [hbm:s0], s1  }
0x25d: {  	s0 =	simm.s32 @!p0 $0x5  }
0x25e: {  	_ =	swait.ge @!p0 [sflag:s0], s1  }
0x25f: {  	s1 =	ssub.s32 @!p0 $0x0, s1;
	[sflag:s0] =	ssyncset.done @!p0 $0x0  }
0x260: {  	[sflag:s0] =	ssyncadd.s32 @!p0 s1  }
0x261: {  	[bflag:$0x3] =	sbarrier.arrive $0xFFFF  }
0x262: {  	_ =	shalt  }

// kernel: sparse-core-data-format-call.cloned.1.call-start
scs
called_computation_lowered:
.L_overlay_start_0:
0x0: {  	s2 =	sld [smem:$0x3FD9]  }
0x1: {  	s3 =	sld [smem:$0x3FFE];
	_ =	sdelay $0x1  }
0x2: {  	s1 =	srdreg.scid  }
0x3: {  	s0 =	sand.u32 $0x1, s1  }
0x4: {  	s18 =	sshll.u32 s0, $0xA;
	s2 =	sadd.s32 s3, s2  }
0x5: {  	s2 =	sadd.s32 s2, s18  }
0x6: {  	[smem:$0x3FC5] =	sst s2  }
0x7: {  	_ = 	snop  }
0x8: {  	s2 =	sld [smem:$0x3FD0];
	(tm) =	ssettm $0x1  }
0x9: {  	s19 =	sld [smem:$0x3FFB];
	_ =	sdelay $0x3  }
0xa: {  	_ =	strace s19  }
0xb: {  	s3 =	sld [smem:$0x3FFC];
	_ =	sdelay $0x3  }
0xc: {  	_ =	strace s3  }
0xd: {  	s3 =	sld [smem:$0x3FFD];
	_ =	sdelay $0x3  }
0xe: {  	_ =	strace s3  }
0xf: {  	_ =	strace $0x8FFFFFFF  }
0x10: {  	s20 =	sld [smem:$0x3FDB];
	_ =	sdelay $0x1  }
0x11: {  	s4 =	simm.s32 $_scs_section_size  }
0x12: {  	s5 =	simm.s32 $_size__tile_overlayer_lowered;
	s6 =	simm.s32 $_tile_overlayer_lowered  }
0x13: {  	s23 =	simm.s32 $0x1BFF;
	s22 =	sshll.u32 s6, $0x1;
	s3 =	sadd.s32 s4, s20  }
0x14: {  	s7 =	simm.s32 $0x0;
	s21 =	sshll.u32 s5, $0x1;
	s5 =	sadd.s32 s22, s3  }
0x15: {  	[timem:s7], [sflag:s23] =	dma.local [hbm:s5], s21  }
0x16: {  	_ =	swait.ge [sflag:s23], s21  }
0x17: {  	s4 =	ssub.s32 $0x0, s21;
	[sflag:s23] =	ssyncset.done $0x0  }
0x18: {  	[sflag:s23] =	ssyncadd.s32 s4;
	_ =	sdelay $0x1  }
0x19: {  	s24 =	simm.s32 $0x1B8B  }
0x1a: {  	_ =	swait.ge [sflag:s24], $0x1  }
0x1b: {  	[sflag:s24] =	ssyncset.done $0x0  }
0x1c: {  	s26 =	simm.s32 $0x1B8E;
	s25 =	sld [smem:$0x3FFE];
	[sflag:s24] =	ssyncadd.s32 $0xFFFFFFFF  }
0x1d: {  	s27 =	simm.s32 $execute0_lowered;
	[smem:$0x3FD2] =	sst s26  }
0x1e: {  	s5 =	sshll.u32 s27, $0x1;
	_ =	strace $0x80000049;
	[dreg:$0x1] =	wrdreg $0xFFFFFFFF  }
0x1f: {  	s28 =	simm.s32 $_size_execute0_lowered;
	s3 =	sadd.s32 s3, s5;
	[dreg:$0x0] =	wrdreg $0x0  }
0x20: {  	s5 =	sshll.u32 s28, $0x1;
	[dreg:$0x2] =	wrdreg s3  }
0x21: {  	[dreg:$0x3] =	wrdreg s5  }
0x22: {  	[dreg:$0x4] =	wrdreg $0xC0  }
0x23: {  	_ =	task [dreg:s7], $0x5FFFF  }
0x24: {  	[dreg:$0x1] =	wrdreg $0xFFFFFFFF  }
0x25: {  	[dreg:$0x0] =	wrdreg $0x60  }
0x26: {  	[dreg:$0x2] =	wrdreg s25  }
0x27: {  	[dreg:$0x3] =	wrdreg s2  }
0x28: {  	[dreg:$0x4] =	wrdreg $0x9  }
0x29: {  	_ =	task.clear_ibuf [dreg:s7], $0x5FFFF;
	_ =	strace $0x90000049  }
0x2a: {  	s29 =	simm.s32 $0x9;
	_ =	strace $0x8000004B  }
0x2b: {  	_ =	swait.ge [sflag:s29], $0x1  }
0x2c: {  	[sflag:s29] =	ssyncadd.s32 $0xFFFFFFFF  }
0x2d: {  	_ =	strace $0x9000004B  }
0x2e: {  	_ =	sfence  }
0x2f: {  	s30 =	sld [smem:$0x0];
	_ =	sdelay $0x2  }
0x30: {  	s31 =	sshll.u32 s1, $0xD;
	s1 =	sshrl.u32 s1, $0x2  }
0x31: {  	s3 =	sand.u32 $0x4000, s31;
	s1 =	sadd.s32 s1, s30  }
0x32: {  	s0 =	sor.u32 s3, s0;
	s1 =	sshll.u32 s1, $0x11  }
0x33: {  	s0 =	sor.u32 s1, s0  }
0x34: {  	s0 =	sadd.s32 $0x8F2B, s0  }
0x35: {  	[sflag:s0] =	ssyncadd.remote.s32 $0x1  }
0x36: {  	_ =	sfence.sel $0xFFFF  }
0x37: {  	[dreg:$0x0] =	wrdreg $0xFFFFFFFF;
	(pc) =	sbr.abs _section_cstart, $3  }
0x38: {  	[dreg:$0x1] =	wrdreg $0xFFFFFFFF  }
0x39: {  	_ =	task.clear_ibuf [dreg:s7], $0x2FFFF;
	_ =	strace $0x9FFFFFFF  }
0x3a: {  	(tm) =	ssettm $0x7FFFFFFF  }
0x3b: {  	_ =	shalt  }
tec
execute0_lowered:
.L_overlay_start_1:
0x0: {  	(tag) =	ssettag $0x1  }
0x1: {  	s0 =	stileid.u32;
	s6 =	rddreg [dreg:$0x0]  }
0x2: {  	s2 =	rddreg [dreg:$0x1];
	s5 =	srdreg.scid  }
0x3: {  	s31 =	simm.s32 $0x2;
	s13 =	simm.s32 $0x0;
	s1 =	sshll.u32 s0, $0x7  }
0x4: {  	s14 =	simm.s32 $0x0;
	s12 =	simm.s32 $0x0;
	s3 =	sand.u32 $0x380, s1  }
0x5: {  	s5 =	sshll.u32 s5, $0x4;
	s6 =	sadd.s32 $0x1400, s6;
	s4 =	ssub.s32 $0x400, s3  }
0x6: {  	s1 =	rddreg [dreg:$0x2];
	_ =	strace $0x8000004A;
	s7 =	sand.u32 $0x380, s4  }
0x7: {  	s5 =	sand.u32 $0x10, s5;
	p0 =	sne.s32 s7, $0x0;
	s7 =	simm.s32 $0x1  }
.Ltmp0:
0x8: {  	s8 =	sshrl.u32 s4, $0xA;
	s7 =	simm.s32 @!p0 $0x0;
	(pc) =	sbr.rel .LBB1_1-.Ltmp0, $4  }
0x9: {  	s9 =	sor.u32 s0, s5;
	s4 =	simm.s32 $0x1;
	s30 =	sadd.s32 s7, s8  }
0xa: {  	s11 =	smov.u32 s3;
	[sflag:s4] =	ssyncpa.u1 $0x0;
	s5 =	smul.u32 $0x32, s30  }
0xb: {  	[sflag:s31] =	ssyncpa.u1 $0x0;
	p0 =	por $0x0, $0x0;
	s7 =	sshrl.u32 s9, $0x3  }
0xc: {  	s9 =	simm.s32 $0x2000;
	s10 =	smov.u32 s7;
	s8 =	sor.u32 $0x1, s5  }
.LBB1_4:
0xd: {  	s17 =	sand.u32 $0x1F80, s14;
	s13 =	sshll.u32 s13, $0xD  }
0xe: {  	[tilespmem:s16+$0x810 ss:$0x81] =	vst.msk $0xffff, v2;
	s18 =	sshrl.u32 s14, $0x3;
	s31 =	sand.u32 $0x7, s14;
	s17 =	sadd.s32 s2, s17  }
0xf: {  	[tilespmem:s16+$0x1020 ss:$0x81] =	vst.msk $0xffff, v0;
	s18 =	sand.u32 $0xF, s18;
	s14 =	sshll.u32 s31, $0x12;
	s13 =	sadd.s32 s13, s17  }
0x10: {  	[tilespmem:s16+$0x0 ss:$0x81] =	vst.msk $0xffff, v1;
	s14 =	sor.u32 $0x400, s14;
	s13 =	sadd.s32 s18, s13  }
0x11: {  	[hbm4b:s13+s14] =	stream.strided.scatter [tilespmem:s15], [sflag:$0x2], $0x2000, s9, s14, $0x20;
	[tilespmem:$0x8080] =	vst v63  }
.LBB1_5:
0x12: {  	s15 =	sadd.s32 $0x4, s10  }
0x13: {  	s13 =	sadd.s32 $0x400, s11;
	s17 =	smov.u32 s11;
	p2 =	sgt.s32 s15, $0xC7  }
0x14: {  	s17 =	smov.u32 @p2 s13  }
0x15: {  	s15 =	smov.u32 @p2 s7;
	p2 =	sgt.s32 s17, $0x3FF  }
0x16: {  	s17 =	smov.u32 @p2 s3;
	p2 =	sne.s32 s12, s8  }
.Ltmp1:
0x17: {  	p1 =	slt.u32 s12, $0x2;
	(pc) =	sbr.rel @!p2 .LBB1_6-.Ltmp1, $4  }
0x18: {  	s16 =	simm.s32 @!p1 $0x2  }
0x19: {  	s14 =	smov.u32 s11;
	p0 =	por !p0, !p0;
	_ =	swait.ge @!p1 [sflag:s16], $0x2000  }
0x1a: {  	s13 =	smov.u32 s10;
	[sflag:s16] =	ssyncset.done @!p1 $0x0;
	s10 =	smov.u32 s15  }
0x1b: {  	s12 =	sadd.s32 $0x1, s12;
	[sflag:s16] =	ssyncadd.s32 @!p1 $0xFFFFE000;
	s11 =	smov.u32 s17  }
.LBB1_1:
0x1c: {  	p1 =	sge.u32 s12, s5  }
0x1d: {  	s15 =	sand.u32 @!p1 $0x1FFFFFF, s10  }
0x1e: {  	s16 =	smulhi.u32 @!p1 $0x147AE15, s15;
	_ =	sdelay $0x1  }
0x1f: {  	s16 =	smul.u32 @!p1 $0xC8, s16  }
0x20: {  	s17 =	sxor.u32 @!p1 $0xFFFFFFFF, s12;
	s18 =	smul.u32 @!p1 $0xC80, s11  }
0x21: {  	s31 =	sadd.s32 $0xFFFFFFFF, s12;
	s17 =	sshll.u32 @!p1 s17, $0xD;
	s15 =	ssub.s32 @!p1 s15, s16  }
0x22: {  	s16 =	sand.u32 @!p1 $0x2000, s17;
	s17 =	sadd.s32 @!p1 s6, s18;
	s15 =	sshll.u32 @!p1 s15, $0x4  }
0x23: {  	s18 =	simm.s32 @!p1 $0x6400;
	s15 =	sadd.s32 @!p1 s15, s17;
	s17 =	simm.s32 @!p1 $0x40  }
0x24: {  	[tilespmem:s16], [sflag:$0x1] =	stream.strided.gather @!p1 [hbm4b:s15+s17], $0x2000, s18, s17, $0x38;
	[tilespmem:$0x8080] =	vst v63  }
0x25: {  	p1 =	sge.u32 s31, s5  }
.Ltmp2:
0x26: {  	_ = 	snop;
	(pc) =	sbr.rel @p1 .LBB1_5-.Ltmp2, $1  }
0x27: {  	_ =	sdelay $0x3  }
0x28: {  	s15 =	simm.s32 $0x1  }
0x29: {  	_ =	swait.ge [sflag:s4], $0x2000;
	s15 =	simm.s32 @!p0 $0x0  }
0x2a: {  	[sflag:s4] =	ssyncset.done $0x0;
	s16 =	sshll.u32 s15, $0xD  }
0x2b: {  	[sflag:s4] =	ssyncadd.s32 $0xFFFFE000;
	s19 =	sor.u32 $0x20, s16  }
0x2c: {  	s15 =	smul.u32 $0x8100, s15;
	v3 =	vld [tilespmem:s19+$0x10]  }
0x2d: {  	s30 =	sand.u32 $0x1, s12;
	v2 =	vld [tilespmem:s19+$0xFFFFFFF0]  }
0x2e: {  	s16 =	smul.u32 $0x8100, s30;
	s15 =	sshrl.u32 s15, $0x2;
	v0 =	vld [tilespmem:s19+$0x0]  }
0x2f: {  	v1 =	vld [tilespmem:s19+$0xFFFFFFE0];
	s17 =	sor.u32 $0x4000, s15  }
0x30: {  	s31 =	sshrl.u32 s16, $0x2;
	s16 =	sadd.s32 $0x0, s17  }
0x31: {  	s18 =	simm.s32 $0x4;
	s19 =	sadd.s32 $0x40, s19;
	s15 =	sor.u32 $0x4000, s31;
	[tilespmem:s16+$0x1830 ss:$0x81] =	vst.msk $0xffff, v3  }
.LBB1_3:
0x32: {  	v3 =	vld [tilespmem:s19+$0x10];
	p1 =	sne.s32 s18, $0x1FC;
	[tilespmem:s16+$0x810 ss:$0x81] =	vst.msk $0xffff, v2;
	s20 =	smov.u32 s18;
	s18 =	sadd.s32 $0x4, s18  }
.Ltmp3:
0x33: {  	v2 =	vld [tilespmem:s19+$0xFFFFFFF0];
	[tilespmem:s16+$0x1020 ss:$0x81] =	vst.msk $0xffff, v0;
	(pc) =	sbr.rel @p1 .LBB1_3-.Ltmp3, $4  }
0x34: {  	v0 =	vld [tilespmem:s19+$0x0];
	[tilespmem:s16+$0x0 ss:$0x81] =	vst.msk $0xffff, v1  }
0x35: {  	s16 =	sshra.s32 s20, $0x2;
	v1 =	vld [tilespmem:s19+$0xFFFFFFE0]  }
0x36: {  	s16 =	sadd.s32 s16, s17  }
0x37: {  	s19 =	sadd.s32 $0x40, s19;
	[tilespmem:s16+$0x1830 ss:$0x81] =	vst.msk $0xffff, v3  }
.Ltmp4:
0x38: {  	_ = 	snop;
	(pc) =	sbr.rel .LBB1_4-.Ltmp4, $1  }
0x39: {  	_ =	sdelay $0x3  }
.LBB1_6:
0x3a: {  	_ =	sfence.sel $0x180000  }
0x3b: {  	s2 =	simm.s32 $0x1;
	[bflag:$0x0] =	sbarrier.arrive $0xFFFF  }
0x3c: {  	s31 =	simm.s32 $0x2;
	[sflag:s2] =	ssyncpa.u1 $0x1  }
0x3d: {  	[sflag:s31] =	ssyncpa.u1 $0x1  }
0x3e: {  	p0 =	sne.s32 s0, $0x0;
	_ =	strace $0x9000004A  }
0x3f: {  	s0 =	sadd.s32 @!p0 $0x100000, s1;
	[bflag:$0x2] =	sbarrier.arrive $0xFFFF  }
0x40: {  	[sflag:s0] =	ssyncadd.tile.s32 @!p0 $0x1;
	_ =	shalt  }
.Lfunc_end1:
_tile_overlayer_lowered:
.L_overlay_start_2:
0x41: {  	(tag) =	ssettag $0x2  }
0x42: {  	s0 =	rddreg [dreg:$0x0];
	s2 =	stileid.u32  }
0x43: {  	s1 =	rddreg [dreg:$0x1];
	p0 =	sne.s32 s2, $0x0  }
0x44: {  	s3 =	rddreg [dreg:$0x2];
	[bflag:$0x3] =	sbarrier.arrive $0xFFFF;
	s2 =	simm.s32 @!p0 $0x1C01  }
0x45: {  	[timem:s3], [sflag:s2] =	dma.local @!p0 [hbm:s0], s1  }
0x46: {  	s0 =	simm.s32 @!p0 $0x1  }
0x47: {  	_ =	swait.ge @!p0 [sflag:s0], s1  }
0x48: {  	s1 =	ssub.s32 @!p0 $0x0, s1;
	[sflag:s0] =	ssyncset.done @!p0 $0x0  }
0x49: {  	[sflag:s0] =	ssyncadd.s32 @!p0 s1  }
0x4a: {  	[bflag:$0x3] =	sbarrier.arrive $0xFFFF  }
0x4b: {  	_ =	shalt  }

</sc_bundles>
